<compile_context>
chip_gen: v7x
topology: tpu7x:2x2x1
jax: 0.10.2.dev20260603
libtpu: 0.0.44.dev20260713+nightly
codegen_flags: <defaults>
</compile_context>

<pallas_src>
import functools

import jax
import jax.numpy as jnp
from jax import lax
from jax.experimental import pallas as pl
from jax.experimental.pallas import tpu as pltpu
from jax.experimental.pallas import tpu_sc as plsc

N = 10000
E = 320000
D = 128
G = 64
NC = 2
NS = 16
NW = NC * NS
NPAD = 10240
STRIPE = NPAD // NS
EW = E // NW
CK = 80
NCH = EW // CK
RB = 5000
EPS = 1e-5

_mesh = plsc.VectorSubcoreMesh(
    core_axis_name="c", subcore_axis_name="s", num_cores=NC, num_subcores=NS)



NB = 5


@functools.partial(
    pl.kernel,
    out_type=jax.ShapeDtypeStruct((NC * NPAD,), jnp.float32),
    mesh=_mesh,
    scratch_types=[
        pltpu.VMEM((NCH, CK), jnp.int32),
        pltpu.VMEM((CK,), jnp.float32),
        pltpu.VMEM((STRIPE,), jnp.float32),
        pltpu.VMEM_SHARED((NPAD,), jnp.float32),
        [pltpu.SemaphoreType.DMA] * NB,
    ],
)
def _sc_degree(dst_hbm, out_hbm, didx_v, ones_v, zero_v, counts_sh, sems):
    c = lax.axis_index("c")
    s = lax.axis_index("s")
    w = c * NS + s

    def zfill(i, _):
        zero_v[pl.ds(i * 16, 16)] = jnp.zeros((16,), jnp.float32)
        return 0
    lax.fori_loop(0, STRIPE // 16, zfill, 0)

    def ofill(i, _):
        ones_v[pl.ds(i * 16, 16)] = jnp.ones((16,), jnp.float32)
        return 0
    lax.fori_loop(0, CK // 16, ofill, 0)

    pltpu.sync_copy(zero_v, counts_sh.at[pl.ds(s * STRIPE, STRIPE)])
    pltpu.sync_copy(dst_hbm.at[w], didx_v)
    plsc.subcore_barrier()

    def body(t, _):
        for b in range(NB):
            j = t * NB + b
            @pl.when(t > 0)
            def _():
                pltpu.make_async_copy(
                    ones_v, counts_sh.at[didx_v.at[j - NB]], sems[b]).wait()
            pltpu.async_copy(ones_v, counts_sh.at[didx_v.at[j]],
                             sems[b], add=True)
        return 0
    lax.fori_loop(0, NCH // NB, body, 0)
    for b in range(NB):
        pltpu.make_async_copy(
            ones_v, counts_sh.at[didx_v.at[NCH - NB + b]], sems[b]).wait()

    plsc.subcore_barrier()
    pltpu.sync_copy(counts_sh.at[pl.ds(s * STRIPE, STRIPE)],
                    out_hbm.at[pl.ds(c * NPAD + s * STRIPE, STRIPE)])


LG = 3
DH = D // NC
CKA = 128
EA = 337920
EPT = EA // NS
NCH2 = EPT // CKA


@functools.partial(
    pl.kernel,
    out_type=jax.ShapeDtypeStruct((NC, NPAD, DH), jnp.float32),
    mesh=_mesh,
    scratch_types=[
        pltpu.VMEM((NCH2, CKA), jnp.int32),
        pltpu.VMEM((NCH2, CKA), jnp.int32),
        [pltpu.VMEM((CKA, DH), jnp.float32)] * NB,
        pltpu.VMEM_SHARED((NPAD, DH), jnp.float32),
        [pltpu.SemaphoreType.DMA] * NB,
        [pltpu.SemaphoreType.DMA] * NB,
    ],
    compiler_params=pltpu.CompilerParams(use_tc_tiling_on_sc=False),
)
def _sc_agg(hs_hbm, src_hbm, dst_hbm, out_hbm,
            sidx_v, didx_v, rows, acc_sh, sem_g, sem_s):
    c = lax.axis_index("c")
    s = lax.axis_index("s")
    table = hs_hbm.at[c]

    def zrow(i, _):
        for k in range(DH // 16):
            rows[0][i, pl.ds(k * 16, 16)] = jnp.zeros((16,), jnp.float32)
        return 0
    lax.fori_loop(0, CKA, zrow, 0)
    for j in range(STRIPE // CKA):
        pltpu.sync_copy(rows[0], acc_sh.at[pl.ds(s * STRIPE + j * CKA, CKA)])

    pltpu.sync_copy(src_hbm.at[s], sidx_v)
    pltpu.sync_copy(dst_hbm.at[s], didx_v)
    plsc.subcore_barrier()

    for j in range(LG):
        pltpu.async_copy(table.at[sidx_v.at[j]], rows[j], sem_g[j])

    def body(t, _):
        for b in range(NB):
            j = t * NB + b
            bn = (b + LG) % NB
            pltpu.make_async_copy(
                table.at[sidx_v.at[j]], rows[b], sem_g[b]).wait()
            pltpu.async_copy(rows[b], acc_sh.at[didx_v.at[j]],
                             sem_s[b], add=True)

            @pl.when(j >= NB - LG)
            def _():
                pltpu.make_async_copy(
                    rows[bn], acc_sh.at[didx_v.at[j - (NB - LG)]],
                    sem_s[bn]).wait()

            @pl.when(j + LG < NCH2)
            def _():
                pltpu.async_copy(table.at[sidx_v.at[j + LG]],
                                 rows[bn], sem_g[bn])
        return 0
    lax.fori_loop(0, NCH2 // NB, body, 0)

    for j in range(NCH2 - (NB - LG), NCH2):
        pltpu.make_async_copy(
            rows[j % NB], acc_sh.at[didx_v.at[j]], sem_s[j % NB]).wait()

    plsc.subcore_barrier()
    pltpu.sync_copy(acc_sh.at[pl.ds(s * STRIPE, STRIPE)],
                    out_hbm.at[c, pl.ds(s * STRIPE, STRIPE)])



def _k_scale_matmul(x, w, p0, p1):
    def body(x_ref, w_ref, p0_ref, p1_ref, hs_ref, dinv_ref):
        dinv = lax.rsqrt(p0_ref[...] + p1_ref[...] + 1.0)
        h = jnp.dot(x_ref[...], w_ref[...], preferred_element_type=jnp.float32)
        hs = h * dinv
        hs_ref[0] = hs[:, :DH]
        hs_ref[1] = hs[:, DH:]
        dinv_ref[...] = dinv
    return pl.pallas_call(
        body,
        grid=(N // RB,),
        in_specs=[
            pl.BlockSpec((RB, D), lambda i: (i, 0)),
            pl.BlockSpec((D, D), lambda i: (0, 0)),
            pl.BlockSpec((RB, 1), lambda i: (i, 0)),
            pl.BlockSpec((RB, 1), lambda i: (i, 0)),
        ],
        out_specs=[
            pl.BlockSpec((NC, RB, DH), lambda i: (0, i, 0)),
            pl.BlockSpec((RB, 1), lambda i: (i, 0)),
        ],
        out_shape=[
            jax.ShapeDtypeStruct((NC, N, DH), jnp.float32),
            jax.ShapeDtypeStruct((N, 1), jnp.float32),
        ],
    )(x, w, p0, p1)


def _bn_from_stats(sum_ref, ssq_ref):
    mean = sum_ref[...] * (1.0 / N)
    var = ssq_ref[...] * (1.0 / N) - mean * mean
    return mean, lax.rsqrt(var + EPS)


def _k_layer1_tail(q3, dinv, b, gamma, beta, w2):
    P = N // RB

    def body(q_ref, dinv_ref, b_ref, g_ref, be_ref, w_ref,
             out_ref, sum_v, ssq_v):
        pid = pl.program_id(0)
        pre = dinv_ref[...] * jnp.concatenate(
            [q_ref[0], q_ref[1]], axis=1) + b_ref[...]

        @pl.when(pid == 0)
        def _():
            sum_v[...] = jnp.zeros_like(sum_v)
            ssq_v[...] = jnp.zeros_like(ssq_v)

        @pl.when(pid < P)
        def _():
            sum_v[...] += jnp.sum(pre, axis=0, keepdims=True)
            ssq_v[...] += jnp.sum(pre * pre, axis=0, keepdims=True)

        @pl.when(pid >= P)
        def _():
            mean, inv = _bn_from_stats(sum_v, ssq_v)
            a = jnp.maximum((pre - mean) * inv * g_ref[...] + be_ref[...], 0.0)
            hs = jnp.dot(a, w_ref[...],
                         preferred_element_type=jnp.float32) * dinv_ref[...]
            out_ref[0] = hs[:, :DH]
            out_ref[1] = hs[:, DH:]

    return pl.pallas_call(
        body,
        grid=(2 * P,),
        in_specs=[
            pl.BlockSpec((NC, RB, DH), lambda i: (0, i % P, 0)),
            pl.BlockSpec((RB, 1), lambda i: (i % P, 0)),
            pl.BlockSpec((1, D), lambda i: (0, 0)),
            pl.BlockSpec((1, D), lambda i: (0, 0)),
            pl.BlockSpec((1, D), lambda i: (0, 0)),
            pl.BlockSpec((D, D), lambda i: (0, 0)),
        ],
        out_specs=pl.BlockSpec((NC, RB, DH),
                               lambda i: (0, jnp.maximum(i - P, 0), 0)),
        out_shape=jax.ShapeDtypeStruct((NC, N, DH), jnp.float32),
        scratch_shapes=[
            pltpu.VMEM((1, D), jnp.float32),
            pltpu.VMEM((1, D), jnp.float32),
        ],
    )(q3, dinv, b, gamma, beta, w2)


def _k_layer2_tail(q3, dinv, b, gamma, beta, batch3,
                   w_ih, b_ih, b_hh, w_fc, b_fc):
    P = N // RB

    def body(q_ref, dinv_ref, b_ref, g_ref, be_ref, bt_ref,
             wih_ref, bih_ref, bhh_ref, wfc_ref, bfc_ref,
             logp_ref, h1_ref, c1_ref, sum_v, ssq_v, pool_v, cnt_v):
        pid = pl.program_id(0)

        @pl.when(pid == 0)
        def _():
            sum_v[...] = jnp.zeros_like(sum_v)
            ssq_v[...] = jnp.zeros_like(ssq_v)
            pool_v[...] = jnp.zeros_like(pool_v)
            cnt_v[...] = jnp.zeros_like(cnt_v)

        @pl.when(pid < 2 * P)
        def _():
            pre = dinv_ref[...] * jnp.concatenate(
                [q_ref[0], q_ref[1]], axis=1) + b_ref[...]

            @pl.when(pid < P)
            def _():
                sum_v[...] += jnp.sum(pre, axis=0, keepdims=True)
                ssq_v[...] += jnp.sum(pre * pre, axis=0, keepdims=True)

            @pl.when(pid >= P)
            def _():
                mean, inv = _bn_from_stats(sum_v, ssq_v)
                a = jnp.maximum((pre - mean) * inv * g_ref[...] + be_ref[...],
                                0.0)
                gid = lax.broadcasted_iota(jnp.int32, (G, RB), 0)
                oh = (gid == bt_ref[0]).astype(jnp.float32)
                pool_v[...] += lax.dot_general(
                    oh, a, (((1,), (0,)), ((), ())),
                    preferred_element_type=jnp.float32)
                cnt_v[...] += jnp.sum(oh, axis=1, keepdims=True)

        @pl.when(pid == 2 * P)
        def _():
            pooled = pool_v[...] / jnp.maximum(cnt_v[...], 1.0)
            gates = lax.dot_general(pooled, wih_ref[...],
                                    (((1,), (1,)), ((), ())),
                                    preferred_element_type=jnp.float32)
            gates = gates + bih_ref[...] + bhh_ref[...]
            i_g = jax.nn.sigmoid(gates[:, 0 * D:1 * D])
            g_g = jnp.tanh(gates[:, 2 * D:3 * D])
            o_g = jax.nn.sigmoid(gates[:, 3 * D:4 * D])
            c1 = i_g * g_g
            h1 = o_g * jnp.tanh(c1)
            logits = lax.dot_general(h1, wfc_ref[...], (((1,), (1,)), ((), ())),
                                     preferred_element_type=jnp.float32)
            logits = logits + bfc_ref[...]
            m = jnp.max(logits, axis=1, keepdims=True)
            lse = jnp.log(jnp.sum(jnp.exp(logits - m), axis=1, keepdims=True))
            logp_ref[...] = logits - m - lse
            h1_ref[...] = h1
            c1_ref[...] = c1

    return pl.pallas_call(
        body,
        grid=(2 * P + 1,),
        in_specs=[
            pl.BlockSpec((NC, RB, DH), lambda i: (0, i % P, 0)),
            pl.BlockSpec((RB, 1), lambda i: (i % P, 0)),
            pl.BlockSpec((1, D), lambda i: (0, 0)),
            pl.BlockSpec((1, D), lambda i: (0, 0)),
            pl.BlockSpec((1, D), lambda i: (0, 0)),
            pl.BlockSpec((1, 1, RB), lambda i: (i % P, 0, 0)),
            pl.BlockSpec((4 * D, D), lambda i: (0, 0)),
            pl.BlockSpec((1, 4 * D), lambda i: (0, 0)),
            pl.BlockSpec((1, 4 * D), lambda i: (0, 0)),
            pl.BlockSpec((16, D), lambda i: (0, 0)),
            pl.BlockSpec((1, 16), lambda i: (0, 0)),
        ],
        out_specs=[
            pl.BlockSpec((G, 16), lambda i: (0, 0)),
            pl.BlockSpec((G, D), lambda i: (0, 0)),
            pl.BlockSpec((G, D), lambda i: (0, 0)),
        ],
        out_shape=[
            jax.ShapeDtypeStruct((G, 16), jnp.float32),
            jax.ShapeDtypeStruct((G, D), jnp.float32),
            jax.ShapeDtypeStruct((G, D), jnp.float32),
        ],
        scratch_shapes=[
            pltpu.VMEM((1, D), jnp.float32),
            pltpu.VMEM((1, D), jnp.float32),
            pltpu.VMEM((G, D), jnp.float32),
            pltpu.VMEM((G, 1), jnp.float32),
        ],
    )(q3, dinv, b, gamma, beta, batch3, w_ih, b_ih, b_hh, w_fc, b_fc)



def kernel(x, edge_index, batch, W1, b1, gamma1, beta1, W2, b2, gamma2,
           beta2, W_ih, W_hh, b_ih, b_hh, W_fc, b_fc):
    dst_d = edge_index[1].reshape(NW, NCH, CK)

    loops = jnp.arange(N, dtype=jnp.int32)
    padn = EA - E - N
    pad_src = jnp.arange(padn, dtype=jnp.int32) % N
    src_a = jnp.concatenate(
        [edge_index[0], loops, pad_src]
    ).reshape(NS, NCH2, CKA)
    pad_dst = N + (jnp.arange(padn, dtype=jnp.int32) % (NPAD - N))
    dst_a = jnp.concatenate(
        [edge_index[1], loops, pad_dst]
    ).reshape(NS, NCH2, CKA)

    degp = _sc_degree(dst_d)
    p0 = degp[0:N].reshape(N, 1)
    p1 = degp[NPAD:NPAD + N].reshape(N, 1)

    hs1, dinv = _k_scale_matmul(x, W1, p0, p1)

    agg1 = _sc_agg(hs1, src_a, dst_a)
    hs2 = _k_layer1_tail(agg1, dinv, b1.reshape(1, D),
                         gamma1.reshape(1, D), beta1.reshape(1, D), W2)

    agg2 = _sc_agg(hs2, src_a, dst_a)
    logp, h1, c1 = _k_layer2_tail(
        agg2, dinv, b2.reshape(1, D), gamma2.reshape(1, D),
        beta2.reshape(1, D), batch.reshape(N // RB, 1, RB),
        W_ih, b_ih.reshape(1, 4 * D), b_hh.reshape(1, 4 * D),
        W_fc, b_fc.reshape(1, 16))
    return (logp, (h1[None, :, :], c1[None, :, :]))

# --- scband reference (transcript-rebuilt; emitter-appended) ---
"""Pipeline reference for scband-gnnlstmmodel-15650860827371 (READ-ONLY COPY).

The authoritative reference and input builder live on the scoring server;
editing this copy changes nothing except your own understanding.
"""

import jax, jax.numpy as jnp
import numpy as np


def _gcn_conv(x, edge_index, W, b):
    N = x.shape[0]
    loops = jnp.arange(N, dtype=edge_index.dtype)
    src = jnp.concatenate([edge_index[0], loops])
    dst = jnp.concatenate([edge_index[1], loops])
    deg = jax.ops.segment_sum(jnp.ones(src.shape[0], dtype=x.dtype), dst, num_segments=N)
    dinv = jnp.where(deg > 0, jax.lax.rsqrt(deg), 0.0)
    norm = dinv[src] * dinv[dst]
    h = x @ W
    msg = h[src] * norm[:, None]
    return jax.ops.segment_sum(msg, dst, num_segments=N) + b


def _bn(x, gamma, beta, eps=1e-5):
    mean = jnp.mean(x, axis=0)
    var = jnp.mean((x - mean) ** 2, axis=0)
    return (x - mean) * jax.lax.rsqrt(var + eps) * gamma + beta


def _forward(x, W1, b1, gamma1, beta1, W2, b2, gamma2, beta2, W_ih, W_hh, b_ih, b_hh, W_fc, b_fc, edge_index, batch):
    h = _gcn_conv(x, edge_index, W1, b1)
    h = jax.nn.relu(_bn(h, gamma1, beta1))
    h = _gcn_conv(h, edge_index, W2, b2)
    h = jax.nn.relu(_bn(h, gamma2, beta2))
    G = 64
    counts = jax.ops.segment_sum(jnp.ones(batch.shape[0], dtype=h.dtype), batch, num_segments=G)
    pooled = jax.ops.segment_sum(h, batch, num_segments=G) / jnp.maximum(counts, 1.0)[:, None]
    h0 = jnp.zeros_like(pooled)
    c0 = jnp.zeros_like(pooled)
    gates = pooled @ W_ih.T + h0 @ W_hh.T + b_ih + b_hh
    Hd = pooled.shape[1]
    i = jax.nn.sigmoid(gates[:, 0 * Hd:1 * Hd])
    f = jax.nn.sigmoid(gates[:, 1 * Hd:2 * Hd])
    g = jnp.tanh(gates[:, 2 * Hd:3 * Hd])
    o = jax.nn.sigmoid(gates[:, 3 * Hd:4 * Hd])
    c1 = f * c0 + i * g
    h1 = o * jnp.tanh(c1)
    logits = h1 @ W_fc.T + b_fc
    logp = jax.nn.log_softmax(logits, axis=1)
    return logp, h1, c1


def setup_inputs(seed: int = 0):
    key = jax.random.key(seed)
    N = 10000; E = 320000; D = 128; H = 128; C = 16; G = 64
    ks = jax.random.split(key, 12)
    x = jax.random.normal(ks[0], (N, D), dtype=jnp.float32)
    edge_index = jax.random.randint(ks[1], (2, E), 0, N, dtype=jnp.int32)
    batch = jnp.sort(jax.random.randint(ks[2], (N,), 0, G, dtype=jnp.int32))
    s = 0.05
    W1 = jax.random.normal(ks[3], (D, H), jnp.float32) * s
    b1 = jnp.zeros((H,), jnp.float32)
    gamma1 = jnp.ones((H,), jnp.float32)
    beta1 = jnp.zeros((H,), jnp.float32)
    W2 = jax.random.normal(ks[4], (H, H), jnp.float32) * s
    b2 = jnp.zeros((H,), jnp.float32)
    gamma2 = jnp.ones((H,), jnp.float32)
    beta2 = jnp.zeros((H,), jnp.float32)
    W_ih = jax.random.normal(ks[5], (4 * H, H), jnp.float32) * s
    W_hh = jax.random.normal(ks[6], (4 * H, H), jnp.float32) * s
    b_ih = jnp.zeros((4 * H,), jnp.float32)
    b_hh = jnp.zeros((4 * H,), jnp.float32)
    W_fc = jax.random.normal(ks[7], (C, H), jnp.float32) * s
    b_fc = jnp.zeros((C,), jnp.float32)
    return {"x": x, "edge_index": edge_index, "batch": batch, "W1": W1, "b1": b1, "gamma1": gamma1, "beta1": beta1, "W2": W2, "b2": b2, "gamma2": gamma2, "beta2": beta2, "W_ih": W_ih, "W_hh": W_hh, "b_ih": b_ih, "b_hh": b_hh, "W_fc": W_fc, "b_fc": b_fc}


def reference(x, edge_index, batch, W1, b1, gamma1, beta1, W2, b2, gamma2, beta2, W_ih, W_hh, b_ih, b_hh, W_fc, b_fc):
    logp, h1, c1 = _forward(x, W1, b1, gamma1, beta1, W2, b2, gamma2, beta2, W_ih, W_hh, b_ih, b_hh, W_fc, b_fc, edge_index, batch)
    return (logp, (h1[None, :, :], c1[None, :, :]))

if __name__ == "__main__":
    import jax
    _d = setup_inputs()
    print(jax.jit(kernel)(*tuple(_d.values())))

</pallas_src>

<mosaic_0001>
#map = affine_map<(d0, d1) -> (0, 0, 0)>
module attributes {stable_mosaic.version = 14 : i64} {
  func.func @_sc_agg(%arg0: i32, %arg1: i32, %arg2: memref<2x10000x64xf32, #tpu.memory_space<hbm>>, %arg3: memref<16x165x128xi32, #tpu.memory_space<hbm>>, %arg4: memref<16x165x128xi32, #tpu.memory_space<hbm>>, %arg5: memref<2x10240x64xf32, #tpu.memory_space<hbm>>, %arg6: memref<165x128xi32, #tpu.memory_space<vmem>>, %arg7: memref<165x128xi32, #tpu.memory_space<vmem>>, %arg8: memref<128x64xf32, #tpu.memory_space<vmem>>, %arg9: memref<128x64xf32, #tpu.memory_space<vmem>>, %arg10: memref<128x64xf32, #tpu.memory_space<vmem>>, %arg11: memref<128x64xf32, #tpu.memory_space<vmem>>, %arg12: memref<128x64xf32, #tpu.memory_space<vmem>>, %arg13: memref<10240x64xf32, #tpu.memory_space<vmem_shared>>, %arg14: memref<!tpu.dma_semaphore, #tpu.memory_space<semaphore_mem>>, %arg15: memref<!tpu.dma_semaphore, #tpu.memory_space<semaphore_mem>>, %arg16: memref<!tpu.dma_semaphore, #tpu.memory_space<semaphore_mem>>, %arg17: memref<!tpu.dma_semaphore, #tpu.memory_space<semaphore_mem>>, %arg18: memref<!tpu.dma_semaphore, #tpu.memory_space<semaphore_mem>>, %arg19: memref<!tpu.dma_semaphore, #tpu.memory_space<semaphore_mem>>, %arg20: memref<!tpu.dma_semaphore, #tpu.memory_space<semaphore_mem>>, %arg21: memref<!tpu.dma_semaphore, #tpu.memory_space<semaphore_mem>>, %arg22: memref<!tpu.dma_semaphore, #tpu.memory_space<semaphore_mem>>, %arg23: memref<!tpu.dma_semaphore, #tpu.memory_space<semaphore_mem>>) attributes {dimension_semantics = [#tpu.dimension_semantics<core_parallel>, #tpu.dimension_semantics<subcore_parallel>], iteration_bounds = array<i64: 2, 16>, scalar_prefetch = 0 : i64, scratch_operands = 18 : i64, tpu.core_type = #tpu.core_type<sc_vector_subcore>, window_params = [{transform_indices = #map}, {transform_indices = #map}, {transform_indices = #map}, {transform_indices = #map}]} {
    %scan3A = arith.constant 0 : i32
    %scan3A_0 = arith.constant 0 : i32
    %scan3A_1 = arith.constant 128 : i32
    %scan3A_2 = arith.addi %scan3A_0, %scan3A_1 : i32
    %scan3A_3 = arith.constant 1 : i32
    %scan3A_4 = scf.for %scan3A_81 = %scan3A_0 to %scan3A_2 step %scan3A_3 iter_args(%scan3A_82 = %scan3A) -> (i32)  : i32 {
      %broadcast_in_dim3A = arith.constant 0.000000e+00 : f32
      %broadcast_in_dim3A_83 = vector.broadcast %broadcast_in_dim3A : f32 to vector<16xf32>
      %swap3A = arith.index_cast %scan3A_81 : i32 to index
      %swap3A_84 = arith.constant 0 : index
      %swap3A_85 = tpu.vector_load %arg8[%swap3A, %swap3A_84] {strides = array<i32>} : memref<128x64xf32, #tpu.memory_space<vmem>>, vector<1x16xf32>,
      %swap3A_86 = vector.shape_cast %swap3A_85 : vector<1x16xf32> to vector<16xf32>
      %swap3A_87 = vector.shape_cast %broadcast_in_dim3A_83 : vector<16xf32> to vector<1x16xf32>
      tpu.vector_store %arg8[%swap3A, %swap3A_84], %swap3A_87 {strides = array<i32>} : memref<128x64xf32, #tpu.memory_space<vmem>>, vector<1x16xf32>,
      %broadcast_in_dim3A_88 = arith.constant 0.000000e+00 : f32
      %broadcast_in_dim3A_89 = vector.broadcast %broadcast_in_dim3A_88 : f32 to vector<16xf32>
      %swap3A_90 = arith.index_cast %scan3A_81 : i32 to index
      %swap3A_91 = arith.constant 16 : index
      %swap3A_92 = tpu.vector_load %arg8[%swap3A_90, %swap3A_91] {strides = array<i32>} : memref<128x64xf32, #tpu.memory_space<vmem>>, vector<1x16xf32>,
      %swap3A_93 = vector.shape_cast %swap3A_92 : vector<1x16xf32> to vector<16xf32>
      %swap3A_94 = vector.shape_cast %broadcast_in_dim3A_89 : vector<16xf32> to vector<1x16xf32>
      tpu.vector_store %arg8[%swap3A_90, %swap3A_91], %swap3A_94 {strides = array<i32>} : memref<128x64xf32, #tpu.memory_space<vmem>>, vector<1x16xf32>,
      %broadcast_in_dim3A_95 = arith.constant 0.000000e+00 : f32
      %broadcast_in_dim3A_96 = vector.broadcast %broadcast_in_dim3A_95 : f32 to vector<16xf32>
      %swap3A_97 = arith.index_cast %scan3A_81 : i32 to index
      %swap3A_98 = arith.constant 32 : index
      %swap3A_99 = tpu.vector_load %arg8[%swap3A_97, %swap3A_98] {strides = array<i32>} : memref<128x64xf32, #tpu.memory_space<vmem>>, vector<1x16xf32>,
      %swap3A_100 = vector.shape_cast %swap3A_99 : vector<1x16xf32> to vector<16xf32>
      %swap3A_101 = vector.shape_cast %broadcast_in_dim3A_96 : vector<16xf32> to vector<1x16xf32>
      tpu.vector_store %arg8[%swap3A_97, %swap3A_98], %swap3A_101 {strides = array<i32>} : memref<128x64xf32, #tpu.memory_space<vmem>>, vector<1x16xf32>,
      %broadcast_in_dim3A_102 = arith.constant 0.000000e+00 : f32
      %broadcast_in_dim3A_103 = vector.broadcast %broadcast_in_dim3A_102 : f32 to vector<16xf32>
      %swap3A_104 = arith.index_cast %scan3A_81 : i32 to index
      %swap3A_105 = arith.constant 48 : index
      %swap3A_106 = tpu.vector_load %arg8[%swap3A_104, %swap3A_105] {strides = array<i32>} : memref<128x64xf32, #tpu.memory_space<vmem>>, vector<1x16xf32>,
      %swap3A_107 = vector.shape_cast %swap3A_106 : vector<1x16xf32> to vector<16xf32>
      %swap3A_108 = vector.shape_cast %broadcast_in_dim3A_103 : vector<16xf32> to vector<1x16xf32>
      tpu.vector_store %arg8[%swap3A_104, %swap3A_105], %swap3A_108 {strides = array<i32>} : memref<128x64xf32, #tpu.memory_space<vmem>>, vector<1x16xf32>,
      %scan3A_109 = arith.constant 0 : i32
      scf.yield %scan3A_109 : i32
    }
    %scan3A_5 = arith.constant 128 : i32
    %mul3A = arith.constant 640 : i32
    %mul3A_6 = arith.muli %arg1, %mul3A : i32
    %add3A = arith.constant 0 : i32
    %add3A_7 = arith.addi %mul3A_6, %add3A : i32
    "tpu.region"() ({
      %run_scoped3A = tpu.sem_alloc : memref<!tpu.dma_semaphore, #tpu.memory_space<semaphore_mem>>
      %dma_start3A_81 = arith.constant 0 : i32
      %dma_start3A_82 = tpu.memref_slice %arg13[%add3A_7, %dma_start3A_81] : memref<10240x64xf32, #tpu.memory_space<vmem_shared>> -> memref<128x64xf32, #tpu.memory_space<vmem_shared>>
      %dma_start3A_83 = arith.constant 0 : i32
      %dma_start3A_84 = tpu.memref_slice %arg13[%add3A_7, %dma_start3A_83] : memref<10240x64xf32, #tpu.memory_space<vmem_shared>> -> memref<128x64xf32, #tpu.memory_space<vmem_shared>>
      tpu.enqueue_dma source(%arg8 : memref<128x64xf32, #tpu.memory_space<vmem>>) target(%dma_start3A_84 : memref<128x64xf32, #tpu.memory_space<vmem_shared>>) target_semaphore(%run_scoped3A : memref<!tpu.dma_semaphore, #tpu.memory_space<semaphore_mem>>)
      %dma_wait3A_85 = arith.constant 0 : i32
      %dma_wait3A_86 = tpu.memref_slice %arg13[%add3A_7, %dma_wait3A_85] : memref<10240x64xf32, #tpu.memory_space<vmem_shared>> -> memref<128x64xf32, #tpu.memory_space<vmem_shared>>
      %dma_wait3A_87 = arith.constant 0 : i32
      %dma_wait3A_88 = tpu.memref_slice %arg13[%add3A_7, %dma_wait3A_87] : memref<10240x64xf32, #tpu.memory_space<vmem_shared>> -> memref<128x64xf32, #tpu.memory_space<vmem_shared>>
      tpu.wait_dma2 semaphore(%run_scoped3A : memref<!tpu.dma_semaphore, #tpu.memory_space<semaphore_mem>>) src(%arg8 : memref<128x64xf32, #tpu.memory_space<vmem>>) dst(%dma_wait3A_88 : memref<128x64xf32, #tpu.memory_space<vmem_shared>>)
      tpu.yield
    }) : () -> ()
    %mul3A_8 = arith.constant 640 : i32
    %mul3A_9 = arith.muli %arg1, %mul3A_8 : i32
    %add3A_10 = arith.constant 128 : i32
    %add3A_11 = arith.addi %mul3A_9, %add3A_10 : i32
    "tpu.region"() ({
      %run_scoped3A = tpu.sem_alloc : memref<!tpu.dma_semaphore, #tpu.memory_space<semaphore_mem>>
      %dma_start3A_81 = arith.constant 0 : i32
      %dma_start3A_82 = tpu.memref_slice %arg13[%add3A_11, %dma_start3A_81] : memref<10240x64xf32, #tpu.memory_space<vmem_shared>> -> memref<128x64xf32, #tpu.memory_space<vmem_shared>>
      %dma_start3A_83 = arith.constant 0 : i32
      %dma_start3A_84 = tpu.memref_slice %arg13[%add3A_11, %dma_start3A_83] : memref<10240x64xf32, #tpu.memory_space<vmem_shared>> -> memref<128x64xf32, #tpu.memory_space<vmem_shared>>
      tpu.enqueue_dma source(%arg8 : memref<128x64xf32, #tpu.memory_space<vmem>>) target(%dma_start3A_84 : memref<128x64xf32, #tpu.memory_space<vmem_shared>>) target_semaphore(%run_scoped3A : memref<!tpu.dma_semaphore, #tpu.memory_space<semaphore_mem>>)
      %dma_wait3A_85 = arith.constant 0 : i32
      %dma_wait3A_86 = tpu.memref_slice %arg13[%add3A_11, %dma_wait3A_85] : memref<10240x64xf32, #tpu.memory_space<vmem_shared>> -> memref<128x64xf32, #tpu.memory_space<vmem_shared>>
      %dma_wait3A_87 = arith.constant 0 : i32
      %dma_wait3A_88 = tpu.memref_slice %arg13[%add3A_11, %dma_wait3A_87] : memref<10240x64xf32, #tpu.memory_space<vmem_shared>> -> memref<128x64xf32, #tpu.memory_space<vmem_shared>>
      tpu.wait_dma2 semaphore(%run_scoped3A : memref<!tpu.dma_semaphore, #tpu.memory_space<semaphore_mem>>) src(%arg8 : memref<128x64xf32, #tpu.memory_space<vmem>>) dst(%dma_wait3A_88 : memref<128x64xf32, #tpu.memory_space<vmem_shared>>)
      tpu.yield
    }) : () -> ()
    %mul3A_12 = arith.constant 640 : i32
    %mul3A_13 = arith.muli %arg1, %mul3A_12 : i32
    %add3A_14 = arith.constant 256 : i32
    %add3A_15 = arith.addi %mul3A_13, %add3A_14 : i32
    "tpu.region"() ({
      %run_scoped3A = tpu.sem_alloc : memref<!tpu.dma_semaphore, #tpu.memory_space<semaphore_mem>>
      %dma_start3A_81 = arith.constant 0 : i32
      %dma_start3A_82 = tpu.memref_slice %arg13[%add3A_15, %dma_start3A_81] : memref<10240x64xf32, #tpu.memory_space<vmem_shared>> -> memref<128x64xf32, #tpu.memory_space<vmem_shared>>
      %dma_start3A_83 = arith.constant 0 : i32
      %dma_start3A_84 = tpu.memref_slice %arg13[%add3A_15, %dma_start3A_83] : memref<10240x64xf32, #tpu.memory_space<vmem_shared>> -> memref<128x64xf32, #tpu.memory_space<vmem_shared>>
      tpu.enqueue_dma source(%arg8 : memref<128x64xf32, #tpu.memory_space<vmem>>) target(%dma_start3A_84 : memref<128x64xf32, #tpu.memory_space<vmem_shared>>) target_semaphore(%run_scoped3A : memref<!tpu.dma_semaphore, #tpu.memory_space<semaphore_mem>>)
      %dma_wait3A_85 = arith.constant 0 : i32
      %dma_wait3A_86 = tpu.memref_slice %arg13[%add3A_15, %dma_wait3A_85] : memref<10240x64xf32, #tpu.memory_space<vmem_shared>> -> memref<128x64xf32, #tpu.memory_space<vmem_shared>>
      %dma_wait3A_87 = arith.constant 0 : i32
      %dma_wait3A_88 = tpu.memref_slice %arg13[%add3A_15, %dma_wait3A_87] : memref<10240x64xf32, #tpu.memory_space<vmem_shared>> -> memref<128x64xf32, #tpu.memory_space<vmem_shared>>
      tpu.wait_dma2 semaphore(%run_scoped3A : memref<!tpu.dma_semaphore, #tpu.memory_space<semaphore_mem>>) src(%arg8 : memref<128x64xf32, #tpu.memory_space<vmem>>) dst(%dma_wait3A_88 : memref<128x64xf32, #tpu.memory_space<vmem_shared>>)
      tpu.yield
    }) : () -> ()
    %mul3A_16 = arith.constant 640 : i32
    %mul3A_17 = arith.muli %arg1, %mul3A_16 : i32
    %add3A_18 = arith.constant 384 : i32
    %add3A_19 = arith.addi %mul3A_17, %add3A_18 : i32
    "tpu.region"() ({
      %run_scoped3A = tpu.sem_alloc : memref<!tpu.dma_semaphore, #tpu.memory_space<semaphore_mem>>
      %dma_start3A_81 = arith.constant 0 : i32
      %dma_start3A_82 = tpu.memref_slice %arg13[%add3A_19, %dma_start3A_81] : memref<10240x64xf32, #tpu.memory_space<vmem_shared>> -> memref<128x64xf32, #tpu.memory_space<vmem_shared>>
      %dma_start3A_83 = arith.constant 0 : i32
      %dma_start3A_84 = tpu.memref_slice %arg13[%add3A_19, %dma_start3A_83] : memref<10240x64xf32, #tpu.memory_space<vmem_shared>> -> memref<128x64xf32, #tpu.memory_space<vmem_shared>>
      tpu.enqueue_dma source(%arg8 : memref<128x64xf32, #tpu.memory_space<vmem>>) target(%dma_start3A_84 : memref<128x64xf32, #tpu.memory_space<vmem_shared>>) target_semaphore(%run_scoped3A : memref<!tpu.dma_semaphore, #tpu.memory_space<semaphore_mem>>)
      %dma_wait3A_85 = arith.constant 0 : i32
      %dma_wait3A_86 = tpu.memref_slice %arg13[%add3A_19, %dma_wait3A_85] : memref<10240x64xf32, #tpu.memory_space<vmem_shared>> -> memref<128x64xf32, #tpu.memory_space<vmem_shared>>
      %dma_wait3A_87 = arith.constant 0 : i32
      %dma_wait3A_88 = tpu.memref_slice %arg13[%add3A_19, %dma_wait3A_87] : memref<10240x64xf32, #tpu.memory_space<vmem_shared>> -> memref<128x64xf32, #tpu.memory_space<vmem_shared>>
      tpu.wait_dma2 semaphore(%run_scoped3A : memref<!tpu.dma_semaphore, #tpu.memory_space<semaphore_mem>>) src(%arg8 : memref<128x64xf32, #tpu.memory_space<vmem>>) dst(%dma_wait3A_88 : memref<128x64xf32, #tpu.memory_space<vmem_shared>>)
      tpu.yield
    }) : () -> ()
    %mul3A_20 = arith.constant 640 : i32
    %mul3A_21 = arith.muli %arg1, %mul3A_20 : i32
    %add3A_22 = arith.constant 512 : i32
    %add3A_23 = arith.addi %mul3A_21, %add3A_22 : i32
    "tpu.region"() ({
      %run_scoped3A = tpu.sem_alloc : memref<!tpu.dma_semaphore, #tpu.memory_space<semaphore_mem>>
      %dma_start3A_81 = arith.constant 0 : i32
      %dma_start3A_82 = tpu.memref_slice %arg13[%add3A_23, %dma_start3A_81] : memref<10240x64xf32, #tpu.memory_space<vmem_shared>> -> memref<128x64xf32, #tpu.memory_space<vmem_shared>>
      %dma_start3A_83 = arith.constant 0 : i32
      %dma_start3A_84 = tpu.memref_slice %arg13[%add3A_23, %dma_start3A_83] : memref<10240x64xf32, #tpu.memory_space<vmem_shared>> -> memref<128x64xf32, #tpu.memory_space<vmem_shared>>
      tpu.enqueue_dma source(%arg8 : memref<128x64xf32, #tpu.memory_space<vmem>>) target(%dma_start3A_84 : memref<128x64xf32, #tpu.memory_space<vmem_shared>>) target_semaphore(%run_scoped3A : memref<!tpu.dma_semaphore, #tpu.memory_space<semaphore_mem>>)
      %dma_wait3A_85 = arith.constant 0 : i32
      %dma_wait3A_86 = tpu.memref_slice %arg13[%add3A_23, %dma_wait3A_85] : memref<10240x64xf32, #tpu.memory_space<vmem_shared>> -> memref<128x64xf32, #tpu.memory_space<vmem_shared>>
      %dma_wait3A_87 = arith.constant 0 : i32
      %dma_wait3A_88 = tpu.memref_slice %arg13[%add3A_23, %dma_wait3A_87] : memref<10240x64xf32, #tpu.memory_space<vmem_shared>> -> memref<128x64xf32, #tpu.memory_space<vmem_shared>>
      tpu.wait_dma2 semaphore(%run_scoped3A : memref<!tpu.dma_semaphore, #tpu.memory_space<semaphore_mem>>) src(%arg8 : memref<128x64xf32, #tpu.memory_space<vmem>>) dst(%dma_wait3A_88 : memref<128x64xf32, #tpu.memory_space<vmem_shared>>)
      tpu.yield
    }) : () -> ()
    "tpu.region"() ({
      %run_scoped3A = tpu.sem_alloc : memref<!tpu.dma_semaphore, #tpu.memory_space<semaphore_mem>>
      %dma_start3A_81 = arith.constant 0 : i32
      %dma_start3A_82 = arith.constant 0 : i32
      %dma_start3A_83 = tpu.memref_slice %arg3[%arg1, %dma_start3A_81, %dma_start3A_82] : memref<16x165x128xi32, #tpu.memory_space<hbm>> -> memref<1x165x128xi32, #tpu.memory_space<hbm>>
      %dma_start3A_84 = tpu.memref_squeeze %dma_start3A_83 : memref<1x165x128xi32, #tpu.memory_space<hbm>> -> memref<165x128xi32, #tpu.memory_space<hbm>>
      %dma_start3A_85 = arith.constant 0 : i32
      %dma_start3A_86 = arith.constant 0 : i32
      %dma_start3A_87 = tpu.memref_slice %arg3[%arg1, %dma_start3A_85, %dma_start3A_86] : memref<16x165x128xi32, #tpu.memory_space<hbm>> -> memref<1x165x128xi32, #tpu.memory_space<hbm>>
      %dma_start3A_88 = tpu.memref_squeeze %dma_start3A_87 : memref<1x165x128xi32, #tpu.memory_space<hbm>> -> memref<165x128xi32, #tpu.memory_space<hbm>>
      tpu.enqueue_dma source(%dma_start3A_88 : memref<165x128xi32, #tpu.memory_space<hbm>>) target(%arg6 : memref<165x128xi32, #tpu.memory_space<vmem>>) target_semaphore(%run_scoped3A : memref<!tpu.dma_semaphore, #tpu.memory_space<semaphore_mem>>)
      %dma_wait3A_89 = arith.constant 0 : i32
      %dma_wait3A_90 = arith.constant 0 : i32
      %dma_wait3A_91 = tpu.memref_slice %arg3[%arg1, %dma_wait3A_89, %dma_wait3A_90] : memref<16x165x128xi32, #tpu.memory_space<hbm>> -> memref<1x165x128xi32, #tpu.memory_space<hbm>>
      %dma_wait3A_92 = tpu.memref_squeeze %dma_wait3A_91 : memref<1x165x128xi32, #tpu.memory_space<hbm>> -> memref<165x128xi32, #tpu.memory_space<hbm>>
      %dma_wait3A_93 = arith.constant 0 : i32
      %dma_wait3A_94 = arith.constant 0 : i32
      %dma_wait3A_95 = tpu.memref_slice %arg3[%arg1, %dma_wait3A_93, %dma_wait3A_94] : memref<16x165x128xi32, #tpu.memory_space<hbm>> -> memref<1x165x128xi32, #tpu.memory_space<hbm>>
      %dma_wait3A_96 = tpu.memref_squeeze %dma_wait3A_95 : memref<1x165x128xi32, #tpu.memory_space<hbm>> -> memref<165x128xi32, #tpu.memory_space<hbm>>
      tpu.wait_dma2 semaphore(%run_scoped3A : memref<!tpu.dma_semaphore, #tpu.memory_space<semaphore_mem>>) src(%dma_wait3A_96 : memref<165x128xi32, #tpu.memory_space<hbm>>) dst(%arg6 : memref<165x128xi32, #tpu.memory_space<vmem>>)
      tpu.yield
    }) : () -> ()
    "tpu.region"() ({
      %run_scoped3A = tpu.sem_alloc : memref<!tpu.dma_semaphore, #tpu.memory_space<semaphore_mem>>
      %dma_start3A_81 = arith.constant 0 : i32
      %dma_start3A_82 = arith.constant 0 : i32
      %dma_start3A_83 = tpu.memref_slice %arg4[%arg1, %dma_start3A_81, %dma_start3A_82] : memref<16x165x128xi32, #tpu.memory_space<hbm>> -> memref<1x165x128xi32, #tpu.memory_space<hbm>>
      %dma_start3A_84 = tpu.memref_squeeze %dma_start3A_83 : memref<1x165x128xi32, #tpu.memory_space<hbm>> -> memref<165x128xi32, #tpu.memory_space<hbm>>
      %dma_start3A_85 = arith.constant 0 : i32
      %dma_start3A_86 = arith.constant 0 : i32
      %dma_start3A_87 = tpu.memref_slice %arg4[%arg1, %dma_start3A_85, %dma_start3A_86] : memref<16x165x128xi32, #tpu.memory_space<hbm>> -> memref<1x165x128xi32, #tpu.memory_space<hbm>>
      %dma_start3A_88 = tpu.memref_squeeze %dma_start3A_87 : memref<1x165x128xi32, #tpu.memory_space<hbm>> -> memref<165x128xi32, #tpu.memory_space<hbm>>
      tpu.enqueue_dma source(%dma_start3A_88 : memref<165x128xi32, #tpu.memory_space<hbm>>) target(%arg7 : memref<165x128xi32, #tpu.memory_space<vmem>>) target_semaphore(%run_scoped3A : memref<!tpu.dma_semaphore, #tpu.memory_space<semaphore_mem>>)
      %dma_wait3A_89 = arith.constant 0 : i32
      %dma_wait3A_90 = arith.constant 0 : i32
      %dma_wait3A_91 = tpu.memref_slice %arg4[%arg1, %dma_wait3A_89, %dma_wait3A_90] : memref<16x165x128xi32, #tpu.memory_space<hbm>> -> memref<1x165x128xi32, #tpu.memory_space<hbm>>
      %dma_wait3A_92 = tpu.memref_squeeze %dma_wait3A_91 : memref<1x165x128xi32, #tpu.memory_space<hbm>> -> memref<165x128xi32, #tpu.memory_space<hbm>>
      %dma_wait3A_93 = arith.constant 0 : i32
      %dma_wait3A_94 = arith.constant 0 : i32
      %dma_wait3A_95 = tpu.memref_slice %arg4[%arg1, %dma_wait3A_93, %dma_wait3A_94] : memref<16x165x128xi32, #tpu.memory_space<hbm>> -> memref<1x165x128xi32, #tpu.memory_space<hbm>>
      %dma_wait3A_96 = tpu.memref_squeeze %dma_wait3A_95 : memref<1x165x128xi32, #tpu.memory_space<hbm>> -> memref<165x128xi32, #tpu.memory_space<hbm>>
      tpu.wait_dma2 semaphore(%run_scoped3A : memref<!tpu.dma_semaphore, #tpu.memory_space<semaphore_mem>>) src(%dma_wait3A_96 : memref<165x128xi32, #tpu.memory_space<hbm>>) dst(%arg7 : memref<165x128xi32, #tpu.memory_space<vmem>>)
      tpu.yield
    }) : () -> ()
    %barrier3A = arith.constant 0 : index
    tpu.barrier barrier_id(%barrier3A)
    %dma_start3A = arith.constant 0 : i32
    %dma_start3A_24 = arith.constant 0 : i32
    %dma_start3A_25 = tpu.memref_slice %arg6[%dma_start3A, %dma_start3A_24] : memref<165x128xi32, #tpu.memory_space<vmem>> -> memref<1x128xi32, #tpu.memory_space<vmem>>
    %dma_start3A_26 = tpu.memref_squeeze %dma_start3A_25 : memref<1x128xi32, #tpu.memory_space<vmem>> -> memref<128xi32, #tpu.memory_space<vmem>>
    %dma_start3A_27 = arith.constant 0 : i32
    %dma_start3A_28 = arith.constant 0 : i32
    %dma_start3A_29 = tpu.memref_slice %arg2[%arg0, %dma_start3A_27, %dma_start3A_28] : memref<2x10000x64xf32, #tpu.memory_space<hbm>> -> memref<1x10000x64xf32, #tpu.memory_space<hbm>>
    %dma_start3A_30 = tpu.memref_squeeze %dma_start3A_29 : memref<1x10000x64xf32, #tpu.memory_space<hbm>> -> memref<10000x64xf32, #tpu.memory_space<hbm>>
    %dma_start3A_31 = arith.constant 0 : i32
    %dma_start3A_32 = arith.constant 0 : i32
    %dma_start3A_33 = tpu.memref_slice %dma_start3A_30[%dma_start3A_31, %dma_start3A_32] : memref<10000x64xf32, #tpu.memory_space<hbm>> -> memref<10000x64xf32, #tpu.memory_space<hbm>>
    tpu.enqueue_indirect_dma source(%dma_start3A_33 : memref<10000x64xf32, #tpu.memory_space<hbm>>) target(%arg8 : memref<128x64xf32, #tpu.memory_space<vmem>>) offsets(%dma_start3A_26 : memref<128xi32, #tpu.memory_space<vmem>>) semaphore(%arg14 : memref<!tpu.dma_semaphore, #tpu.memory_space<semaphore_mem>>)
    %dma_start3A_34 = arith.constant 1 : i32
    %dma_start3A_35 = arith.constant 0 : i32
    %dma_start3A_36 = tpu.memref_slice %arg6[%dma_start3A_34, %dma_start3A_35] : memref<165x128xi32, #tpu.memory_space<vmem>> -> memref<1x128xi32, #tpu.memory_space<vmem>>
    %dma_start3A_37 = tpu.memref_squeeze %dma_start3A_36 : memref<1x128xi32, #tpu.memory_space<vmem>> -> memref<128xi32, #tpu.memory_space<vmem>>
    %dma_start3A_38 = arith.constant 0 : i32
    %dma_start3A_39 = arith.constant 0 : i32
    %dma_start3A_40 = tpu.memref_slice %arg2[%arg0, %dma_start3A_38, %dma_start3A_39] : memref<2x10000x64xf32, #tpu.memory_space<hbm>> -> memref<1x10000x64xf32, #tpu.memory_space<hbm>>
    %dma_start3A_41 = tpu.memref_squeeze %dma_start3A_40 : memref<1x10000x64xf32, #tpu.memory_space<hbm>> -> memref<10000x64xf32, #tpu.memory_space<hbm>>
    %dma_start3A_42 = arith.constant 0 : i32
    %dma_start3A_43 = arith.constant 0 : i32
    %dma_start3A_44 = tpu.memref_slice %dma_start3A_41[%dma_start3A_42, %dma_start3A_43] : memref<10000x64xf32, #tpu.memory_space<hbm>> -> memref<10000x64xf32, #tpu.memory_space<hbm>>
    tpu.enqueue_indirect_dma source(%dma_start3A_44 : memref<10000x64xf32, #tpu.memory_space<hbm>>) target(%arg9 : memref<128x64xf32, #tpu.memory_space<vmem>>) offsets(%dma_start3A_37 : memref<128xi32, #tpu.memory_space<vmem>>) semaphore(%arg15 : memref<!tpu.dma_semaphore, #tpu.memory_space<semaphore_mem>>)
    %dma_start3A_45 = arith.constant 2 : i32
    %dma_start3A_46 = arith.constant 0 : i32
    %dma_start3A_47 = tpu.memref_slice %arg6[%dma_start3A_45, %dma_start3A_46] : memref<165x128xi32, #tpu.memory_space<vmem>> -> memref<1x128xi32, #tpu.memory_space<vmem>>
    %dma_start3A_48 = tpu.memref_squeeze %dma_start3A_47 : memref<1x128xi32, #tpu.memory_space<vmem>> -> memref<128xi32, #tpu.memory_space<vmem>>
    %dma_start3A_49 = arith.constant 0 : i32
    %dma_start3A_50 = arith.constant 0 : i32
    %dma_start3A_51 = tpu.memref_slice %arg2[%arg0, %dma_start3A_49, %dma_start3A_50] : memref<2x10000x64xf32, #tpu.memory_space<hbm>> -> memref<1x10000x64xf32, #tpu.memory_space<hbm>>
    %dma_start3A_52 = tpu.memref_squeeze %dma_start3A_51 : memref<1x10000x64xf32, #tpu.memory_space<hbm>> -> memref<10000x64xf32, #tpu.memory_space<hbm>>
    %dma_start3A_53 = arith.constant 0 : i32
    %dma_start3A_54 = arith.constant 0 : i32
    %dma_start3A_55 = tpu.memref_slice %dma_start3A_52[%dma_start3A_53, %dma_start3A_54] : memref<10000x64xf32, #tpu.memory_space<hbm>> -> memref<10000x64xf32, #tpu.memory_space<hbm>>
    tpu.enqueue_indirect_dma source(%dma_start3A_55 : memref<10000x64xf32, #tpu.memory_space<hbm>>) target(%arg10 : memref<128x64xf32, #tpu.memory_space<vmem>>) offsets(%dma_start3A_48 : memref<128xi32, #tpu.memory_space<vmem>>) semaphore(%arg16 : memref<!tpu.dma_semaphore, #tpu.memory_space<semaphore_mem>>)
    %scan3A_56 = arith.constant 0 : i32
    %scan3A_57 = arith.constant 0 : i32
    %scan3A_58 = arith.constant 33 : i32
    %scan3A_59 = arith.addi %scan3A_57, %scan3A_58 : i32
    %scan3A_60 = arith.constant 1 : i32
    %scan3A_61 = scf.for %scan3A_81 = %scan3A_57 to %scan3A_59 step %scan3A_60 iter_args(%scan3A_82 = %scan3A_56) -> (i32)  : i32 {
      %mul3A_83 = arith.constant 5 : i32
      %mul3A_84 = arith.muli %scan3A_81, %mul3A_83 : i32
      %add3A_85 = arith.constant 0 : i32
      %add3A_86 = arith.addi %mul3A_84, %add3A_85 : i32
      %dma_wait3A_87 = arith.constant 0 : i32
      %dma_wait3A_88 = tpu.memref_slice %arg6[%add3A_86, %dma_wait3A_87] : memref<165x128xi32, #tpu.memory_space<vmem>> -> memref<1x128xi32, #tpu.memory_space<vmem>>
      %dma_wait3A_89 = tpu.memref_squeeze %dma_wait3A_88 : memref<1x128xi32, #tpu.memory_space<vmem>> -> memref<128xi32, #tpu.memory_space<vmem>>
      %dma_wait3A_90 = arith.constant 0 : i32
      %dma_wait3A_91 = arith.constant 0 : i32
      %dma_wait3A_92 = tpu.memref_slice %arg2[%arg0, %dma_wait3A_90, %dma_wait3A_91] : memref<2x10000x64xf32, #tpu.memory_space<hbm>> -> memref<1x10000x64xf32, #tpu.memory_space<hbm>>
      %dma_wait3A_93 = tpu.memref_squeeze %dma_wait3A_92 : memref<1x10000x64xf32, #tpu.memory_space<hbm>> -> memref<10000x64xf32, #tpu.memory_space<hbm>>
      %dma_wait3A_94 = arith.constant 0 : i32
      %dma_wait3A_95 = arith.constant 0 : i32
      %dma_wait3A_96 = tpu.memref_slice %dma_wait3A_93[%dma_wait3A_94, %dma_wait3A_95] : memref<10000x64xf32, #tpu.memory_space<hbm>> -> memref<10000x64xf32, #tpu.memory_space<hbm>>
      tpu.wait_indirect_dma semaphore(%arg14 : memref<!tpu.dma_semaphore, #tpu.memory_space<semaphore_mem>>) src(%dma_wait3A_96 : memref<10000x64xf32, #tpu.memory_space<hbm>>) dst(%arg8 : memref<128x64xf32, #tpu.memory_space<vmem>>)
      %dma_start3A_97 = arith.constant 0 : i32
      %dma_start3A_98 = tpu.memref_slice %arg7[%add3A_86, %dma_start3A_97] : memref<165x128xi32, #tpu.memory_space<vmem>> -> memref<1x128xi32, #tpu.memory_space<vmem>>
      %dma_start3A_99 = tpu.memref_squeeze %dma_start3A_98 : memref<1x128xi32, #tpu.memory_space<vmem>> -> memref<128xi32, #tpu.memory_space<vmem>>
      %dma_start3A_100 = arith.constant 0 : i32
      %dma_start3A_101 = arith.constant 0 : i32
      %dma_start3A_102 = tpu.memref_slice %arg13[%dma_start3A_100, %dma_start3A_101] : memref<10240x64xf32, #tpu.memory_space<vmem_shared>> -> memref<10240x64xf32, #tpu.memory_space<vmem_shared>>
      tpu.enqueue_indirect_dma source(%arg8 : memref<128x64xf32, #tpu.memory_space<vmem>>) target(%dma_start3A_102 : memref<10240x64xf32, #tpu.memory_space<vmem_shared>>) offsets(%dma_start3A_99 : memref<128xi32, #tpu.memory_space<vmem>>) semaphore(%arg19 : memref<!tpu.dma_semaphore, #tpu.memory_space<semaphore_mem>>) {add = true}
      %ge3A = arith.constant 2 : i32
      %ge3A_103 = arith.cmpi sge, %add3A_86, %ge3A : i32
      %convert_element_type3A = arith.extui %ge3A_103 : i1 to i32
      %cond3A = arith.constant 0 : i32
      %cond3A_104 = arith.cmpi ne, %convert_element_type3A, %cond3A : i32
      scf.if %cond3A_104 {
        %sub3A = arith.constant 2 : i32
        %sub3A_240 = arith.subi %add3A_86, %sub3A : i32
        %dma_wait3A_241 = arith.constant 0 : i32
        %dma_wait3A_242 = tpu.memref_slice %arg7[%sub3A_240, %dma_wait3A_241] : memref<165x128xi32, #tpu.memory_space<vmem>> -> memref<1x128xi32, #tpu.memory_space<vmem>>
        %dma_wait3A_243 = tpu.memref_squeeze %dma_wait3A_242 : memref<1x128xi32, #tpu.memory_space<vmem>> -> memref<128xi32, #tpu.memory_space<vmem>>
        %dma_wait3A_244 = arith.constant 0 : i32
        %dma_wait3A_245 = arith.constant 0 : i32
        %dma_wait3A_246 = tpu.memref_slice %arg13[%dma_wait3A_244, %dma_wait3A_245] : memref<10240x64xf32, #tpu.memory_space<vmem_shared>> -> memref<10240x64xf32, #tpu.memory_space<vmem_shared>>
        tpu.wait_indirect_dma semaphore(%arg22 : memref<!tpu.dma_semaphore, #tpu.memory_space<semaphore_mem>>) src(%arg11 : memref<128x64xf32, #tpu.memory_space<vmem>>) dst(%dma_wait3A_246 : memref<10240x64xf32, #tpu.memory_space<vmem_shared>>)
      } else {
      }
      %add3A_105 = arith.constant 3 : i32
      %add3A_106 = arith.addi %add3A_86, %add3A_105 : i32
      %lt3A = arith.constant 165 : i32
      %lt3A_107 = arith.cmpi slt, %add3A_106, %lt3A : i32
      %convert_element_type3A_108 = arith.extui %lt3A_107 : i1 to i32
      %cond3A_109 = arith.constant 0 : i32
      %cond3A_110 = arith.cmpi ne, %convert_element_type3A_108, %cond3A_109 : i32
      scf.if %cond3A_110 {
        %add3A_240 = arith.constant 3 : i32
        %add3A_241 = arith.addi %add3A_86, %add3A_240 : i32
        %dma_start3A_242 = arith.constant 0 : i32
        %dma_start3A_243 = tpu.memref_slice %arg6[%add3A_241, %dma_start3A_242] : memref<165x128xi32, #tpu.memory_space<vmem>> -> memref<1x128xi32, #tpu.memory_space<vmem>>
        %dma_start3A_244 = tpu.memref_squeeze %dma_start3A_243 : memref<1x128xi32, #tpu.memory_space<vmem>> -> memref<128xi32, #tpu.memory_space<vmem>>
        %dma_start3A_245 = arith.constant 0 : i32
        %dma_start3A_246 = arith.constant 0 : i32
        %dma_start3A_247 = tpu.memref_slice %arg2[%arg0, %dma_start3A_245, %dma_start3A_246] : memref<2x10000x64xf32, #tpu.memory_space<hbm>> -> memref<1x10000x64xf32, #tpu.memory_space<hbm>>
        %dma_start3A_248 = tpu.memref_squeeze %dma_start3A_247 : memref<1x10000x64xf32, #tpu.memory_space<hbm>> -> memref<10000x64xf32, #tpu.memory_space<hbm>>
        %dma_start3A_249 = arith.constant 0 : i32
        %dma_start3A_250 = arith.constant 0 : i32
        %dma_start3A_251 = tpu.memref_slice %dma_start3A_248[%dma_start3A_249, %dma_start3A_250] : memref<10000x64xf32, #tpu.memory_space<hbm>> -> memref<10000x64xf32, #tpu.memory_space<hbm>>
        tpu.enqueue_indirect_dma source(%dma_start3A_251 : memref<10000x64xf32, #tpu.memory_space<hbm>>) target(%arg11 : memref<128x64xf32, #tpu.memory_space<vmem>>) offsets(%dma_start3A_244 : memref<128xi32, #tpu.memory_space<vmem>>) semaphore(%arg17 : memref<!tpu.dma_semaphore, #tpu.memory_space<semaphore_mem>>)
      } else {
      }
      %mul3A_111 = arith.constant 5 : i32
      %mul3A_112 = arith.muli %scan3A_81, %mul3A_111 : i32
      %add3A_113 = arith.constant 1 : i32
      %add3A_114 = arith.addi %mul3A_112, %add3A_113 : i32
      %dma_wait3A_115 = arith.constant 0 : i32
      %dma_wait3A_116 = tpu.memref_slice %arg6[%add3A_114, %dma_wait3A_115] : memref<165x128xi32, #tpu.memory_space<vmem>> -> memref<1x128xi32, #tpu.memory_space<vmem>>
      %dma_wait3A_117 = tpu.memref_squeeze %dma_wait3A_116 : memref<1x128xi32, #tpu.memory_space<vmem>> -> memref<128xi32, #tpu.memory_space<vmem>>
      %dma_wait3A_118 = arith.constant 0 : i32
      %dma_wait3A_119 = arith.constant 0 : i32
      %dma_wait3A_120 = tpu.memref_slice %arg2[%arg0, %dma_wait3A_118, %dma_wait3A_119] : memref<2x10000x64xf32, #tpu.memory_space<hbm>> -> memref<1x10000x64xf32, #tpu.memory_space<hbm>>
      %dma_wait3A_121 = tpu.memref_squeeze %dma_wait3A_120 : memref<1x10000x64xf32, #tpu.memory_space<hbm>> -> memref<10000x64xf32, #tpu.memory_space<hbm>>
      %dma_wait3A_122 = arith.constant 0 : i32
      %dma_wait3A_123 = arith.constant 0 : i32
      %dma_wait3A_124 = tpu.memref_slice %dma_wait3A_121[%dma_wait3A_122, %dma_wait3A_123] : memref<10000x64xf32, #tpu.memory_space<hbm>> -> memref<10000x64xf32, #tpu.memory_space<hbm>>
      tpu.wait_indirect_dma semaphore(%arg15 : memref<!tpu.dma_semaphore, #tpu.memory_space<semaphore_mem>>) src(%dma_wait3A_124 : memref<10000x64xf32, #tpu.memory_space<hbm>>) dst(%arg9 : memref<128x64xf32, #tpu.memory_space<vmem>>)
      %dma_start3A_125 = arith.constant 0 : i32
      %dma_start3A_126 = tpu.memref_slice %arg7[%add3A_114, %dma_start3A_125] : memref<165x128xi32, #tpu.memory_space<vmem>> -> memref<1x128xi32, #tpu.memory_space<vmem>>
      %dma_start3A_127 = tpu.memref_squeeze %dma_start3A_126 : memref<1x128xi32, #tpu.memory_space<vmem>> -> memref<128xi32, #tpu.memory_space<vmem>>
      %dma_start3A_128 = arith.constant 0 : i32
      %dma_start3A_129 = arith.constant 0 : i32
      %dma_start3A_130 = tpu.memref_slice %arg13[%dma_start3A_128, %dma_start3A_129] : memref<10240x64xf32, #tpu.memory_space<vmem_shared>> -> memref<10240x64xf32, #tpu.memory_space<vmem_shared>>
      tpu.enqueue_indirect_dma source(%arg9 : memref<128x64xf32, #tpu.memory_space<vmem>>) target(%dma_start3A_130 : memref<10240x64xf32, #tpu.memory_space<vmem_shared>>) offsets(%dma_start3A_127 : memref<128xi32, #tpu.memory_space<vmem>>) semaphore(%arg20 : memref<!tpu.dma_semaphore, #tpu.memory_space<semaphore_mem>>) {add = true}
      %ge3A_131 = arith.constant 2 : i32
      %ge3A_132 = arith.cmpi sge, %add3A_114, %ge3A_131 : i32
      %convert_element_type3A_133 = arith.extui %ge3A_132 : i1 to i32
      %cond3A_134 = arith.constant 0 : i32
      %cond3A_135 = arith.cmpi ne, %convert_element_type3A_133, %cond3A_134 : i32
      scf.if %cond3A_135 {
        %sub3A = arith.constant 2 : i32
        %sub3A_240 = arith.subi %add3A_114, %sub3A : i32
        %dma_wait3A_241 = arith.constant 0 : i32
        %dma_wait3A_242 = tpu.memref_slice %arg7[%sub3A_240, %dma_wait3A_241] : memref<165x128xi32, #tpu.memory_space<vmem>> -> memref<1x128xi32, #tpu.memory_space<vmem>>
        %dma_wait3A_243 = tpu.memref_squeeze %dma_wait3A_242 : memref<1x128xi32, #tpu.memory_space<vmem>> -> memref<128xi32, #tpu.memory_space<vmem>>
        %dma_wait3A_244 = arith.constant 0 : i32
        %dma_wait3A_245 = arith.constant 0 : i32
        %dma_wait3A_246 = tpu.memref_slice %arg13[%dma_wait3A_244, %dma_wait3A_245] : memref<10240x64xf32, #tpu.memory_space<vmem_shared>> -> memref<10240x64xf32, #tpu.memory_space<vmem_shared>>
        tpu.wait_indirect_dma semaphore(%arg23 : memref<!tpu.dma_semaphore, #tpu.memory_space<semaphore_mem>>) src(%arg12 : memref<128x64xf32, #tpu.memory_space<vmem>>) dst(%dma_wait3A_246 : memref<10240x64xf32, #tpu.memory_space<vmem_shared>>)
      } else {
      }
      %add3A_136 = arith.constant 3 : i32
      %add3A_137 = arith.addi %add3A_114, %add3A_136 : i32
      %lt3A_138 = arith.constant 165 : i32
      %lt3A_139 = arith.cmpi slt, %add3A_137, %lt3A_138 : i32
      %convert_element_type3A_140 = arith.extui %lt3A_139 : i1 to i32
      %cond3A_141 = arith.constant 0 : i32
      %cond3A_142 = arith.cmpi ne, %convert_element_type3A_140, %cond3A_141 : i32
      scf.if %cond3A_142 {
        %add3A_240 = arith.constant 3 : i32
        %add3A_241 = arith.addi %add3A_114, %add3A_240 : i32
        %dma_start3A_242 = arith.constant 0 : i32
        %dma_start3A_243 = tpu.memref_slice %arg6[%add3A_241, %dma_start3A_242] : memref<165x128xi32, #tpu.memory_space<vmem>> -> memref<1x128xi32, #tpu.memory_space<vmem>>
        %dma_start3A_244 = tpu.memref_squeeze %dma_start3A_243 : memref<1x128xi32, #tpu.memory_space<vmem>> -> memref<128xi32, #tpu.memory_space<vmem>>
        %dma_start3A_245 = arith.constant 0 : i32
        %dma_start3A_246 = arith.constant 0 : i32
        %dma_start3A_247 = tpu.memref_slice %arg2[%arg0, %dma_start3A_245, %dma_start3A_246] : memref<2x10000x64xf32, #tpu.memory_space<hbm>> -> memref<1x10000x64xf32, #tpu.memory_space<hbm>>
        %dma_start3A_248 = tpu.memref_squeeze %dma_start3A_247 : memref<1x10000x64xf32, #tpu.memory_space<hbm>> -> memref<10000x64xf32, #tpu.memory_space<hbm>>
        %dma_start3A_249 = arith.constant 0 : i32
        %dma_start3A_250 = arith.constant 0 : i32
        %dma_start3A_251 = tpu.memref_slice %dma_start3A_248[%dma_start3A_249, %dma_start3A_250] : memref<10000x64xf32, #tpu.memory_space<hbm>> -> memref<10000x64xf32, #tpu.memory_space<hbm>>
        tpu.enqueue_indirect_dma source(%dma_start3A_251 : memref<10000x64xf32, #tpu.memory_space<hbm>>) target(%arg12 : memref<128x64xf32, #tpu.memory_space<vmem>>) offsets(%dma_start3A_244 : memref<128xi32, #tpu.memory_space<vmem>>) semaphore(%arg18 : memref<!tpu.dma_semaphore, #tpu.memory_space<semaphore_mem>>)
      } else {
      }
      %mul3A_143 = arith.constant 5 : i32
      %mul3A_144 = arith.muli %scan3A_81, %mul3A_143 : i32
      %add3A_145 = arith.constant 2 : i32
      %add3A_146 = arith.addi %mul3A_144, %add3A_145 : i32
      %dma_wait3A_147 = arith.constant 0 : i32
      %dma_wait3A_148 = tpu.memref_slice %arg6[%add3A_146, %dma_wait3A_147] : memref<165x128xi32, #tpu.memory_space<vmem>> -> memref<1x128xi32, #tpu.memory_space<vmem>>
      %dma_wait3A_149 = tpu.memref_squeeze %dma_wait3A_148 : memref<1x128xi32, #tpu.memory_space<vmem>> -> memref<128xi32, #tpu.memory_space<vmem>>
      %dma_wait3A_150 = arith.constant 0 : i32
      %dma_wait3A_151 = arith.constant 0 : i32
      %dma_wait3A_152 = tpu.memref_slice %arg2[%arg0, %dma_wait3A_150, %dma_wait3A_151] : memref<2x10000x64xf32, #tpu.memory_space<hbm>> -> memref<1x10000x64xf32, #tpu.memory_space<hbm>>
      %dma_wait3A_153 = tpu.memref_squeeze %dma_wait3A_152 : memref<1x10000x64xf32, #tpu.memory_space<hbm>> -> memref<10000x64xf32, #tpu.memory_space<hbm>>
      %dma_wait3A_154 = arith.constant 0 : i32
      %dma_wait3A_155 = arith.constant 0 : i32
      %dma_wait3A_156 = tpu.memref_slice %dma_wait3A_153[%dma_wait3A_154, %dma_wait3A_155] : memref<10000x64xf32, #tpu.memory_space<hbm>> -> memref<10000x64xf32, #tpu.memory_space<hbm>>
      tpu.wait_indirect_dma semaphore(%arg16 : memref<!tpu.dma_semaphore, #tpu.memory_space<semaphore_mem>>) src(%dma_wait3A_156 : memref<10000x64xf32, #tpu.memory_space<hbm>>) dst(%arg10 : memref<128x64xf32, #tpu.memory_space<vmem>>)
      %dma_start3A_157 = arith.constant 0 : i32
      %dma_start3A_158 = tpu.memref_slice %arg7[%add3A_146, %dma_start3A_157] : memref<165x128xi32, #tpu.memory_space<vmem>> -> memref<1x128xi32, #tpu.memory_space<vmem>>
      %dma_start3A_159 = tpu.memref_squeeze %dma_start3A_158 : memref<1x128xi32, #tpu.memory_space<vmem>> -> memref<128xi32, #tpu.memory_space<vmem>>
      %dma_start3A_160 = arith.constant 0 : i32
      %dma_start3A_161 = arith.constant 0 : i32
      %dma_start3A_162 = tpu.memref_slice %arg13[%dma_start3A_160, %dma_start3A_161] : memref<10240x64xf32, #tpu.memory_space<vmem_shared>> -> memref<10240x64xf32, #tpu.memory_space<vmem_shared>>
      tpu.enqueue_indirect_dma source(%arg10 : memref<128x64xf32, #tpu.memory_space<vmem>>) target(%dma_start3A_162 : memref<10240x64xf32, #tpu.memory_space<vmem_shared>>) offsets(%dma_start3A_159 : memref<128xi32, #tpu.memory_space<vmem>>) semaphore(%arg21 : memref<!tpu.dma_semaphore, #tpu.memory_space<semaphore_mem>>) {add = true}
      %ge3A_163 = arith.constant 2 : i32
      %ge3A_164 = arith.cmpi sge, %add3A_146, %ge3A_163 : i32
      %convert_element_type3A_165 = arith.extui %ge3A_164 : i1 to i32
      %cond3A_166 = arith.constant 0 : i32
      %cond3A_167 = arith.cmpi ne, %convert_element_type3A_165, %cond3A_166 : i32
      scf.if %cond3A_167 {
        %sub3A = arith.constant 2 : i32
        %sub3A_240 = arith.subi %add3A_146, %sub3A : i32
        %dma_wait3A_241 = arith.constant 0 : i32
        %dma_wait3A_242 = tpu.memref_slice %arg7[%sub3A_240, %dma_wait3A_241] : memref<165x128xi32, #tpu.memory_space<vmem>> -> memref<1x128xi32, #tpu.memory_space<vmem>>
        %dma_wait3A_243 = tpu.memref_squeeze %dma_wait3A_242 : memref<1x128xi32, #tpu.memory_space<vmem>> -> memref<128xi32, #tpu.memory_space<vmem>>
        %dma_wait3A_244 = arith.constant 0 : i32
        %dma_wait3A_245 = arith.constant 0 : i32
        %dma_wait3A_246 = tpu.memref_slice %arg13[%dma_wait3A_244, %dma_wait3A_245] : memref<10240x64xf32, #tpu.memory_space<vmem_shared>> -> memref<10240x64xf32, #tpu.memory_space<vmem_shared>>
        tpu.wait_indirect_dma semaphore(%arg19 : memref<!tpu.dma_semaphore, #tpu.memory_space<semaphore_mem>>) src(%arg8 : memref<128x64xf32, #tpu.memory_space<vmem>>) dst(%dma_wait3A_246 : memref<10240x64xf32, #tpu.memory_space<vmem_shared>>)
      } else {
      }
      %add3A_168 = arith.constant 3 : i32
      %add3A_169 = arith.addi %add3A_146, %add3A_168 : i32
      %lt3A_170 = arith.constant 165 : i32
      %lt3A_171 = arith.cmpi slt, %add3A_169, %lt3A_170 : i32
      %convert_element_type3A_172 = arith.extui %lt3A_171 : i1 to i32
      %cond3A_173 = arith.constant 0 : i32
      %cond3A_174 = arith.cmpi ne, %convert_element_type3A_172, %cond3A_173 : i32
      scf.if %cond3A_174 {
        %add3A_240 = arith.constant 3 : i32
        %add3A_241 = arith.addi %add3A_146, %add3A_240 : i32
        %dma_start3A_242 = arith.constant 0 : i32
        %dma_start3A_243 = tpu.memref_slice %arg6[%add3A_241, %dma_start3A_242] : memref<165x128xi32, #tpu.memory_space<vmem>> -> memref<1x128xi32, #tpu.memory_space<vmem>>
        %dma_start3A_244 = tpu.memref_squeeze %dma_start3A_243 : memref<1x128xi32, #tpu.memory_space<vmem>> -> memref<128xi32, #tpu.memory_space<vmem>>
        %dma_start3A_245 = arith.constant 0 : i32
        %dma_start3A_246 = arith.constant 0 : i32
        %dma_start3A_247 = tpu.memref_slice %arg2[%arg0, %dma_start3A_245, %dma_start3A_246] : memref<2x10000x64xf32, #tpu.memory_space<hbm>> -> memref<1x10000x64xf32, #tpu.memory_space<hbm>>
        %dma_start3A_248 = tpu.memref_squeeze %dma_start3A_247 : memref<1x10000x64xf32, #tpu.memory_space<hbm>> -> memref<10000x64xf32, #tpu.memory_space<hbm>>
        %dma_start3A_249 = arith.constant 0 : i32
        %dma_start3A_250 = arith.constant 0 : i32
        %dma_start3A_251 = tpu.memref_slice %dma_start3A_248[%dma_start3A_249, %dma_start3A_250] : memref<10000x64xf32, #tpu.memory_space<hbm>> -> memref<10000x64xf32, #tpu.memory_space<hbm>>
        tpu.enqueue_indirect_dma source(%dma_start3A_251 : memref<10000x64xf32, #tpu.memory_space<hbm>>) target(%arg8 : memref<128x64xf32, #tpu.memory_space<vmem>>) offsets(%dma_start3A_244 : memref<128xi32, #tpu.memory_space<vmem>>) semaphore(%arg14 : memref<!tpu.dma_semaphore, #tpu.memory_space<semaphore_mem>>)
      } else {
      }
      %mul3A_175 = arith.constant 5 : i32
      %mul3A_176 = arith.muli %scan3A_81, %mul3A_175 : i32
      %add3A_177 = arith.constant 3 : i32
      %add3A_178 = arith.addi %mul3A_176, %add3A_177 : i32
      %dma_wait3A_179 = arith.constant 0 : i32
      %dma_wait3A_180 = tpu.memref_slice %arg6[%add3A_178, %dma_wait3A_179] : memref<165x128xi32, #tpu.memory_space<vmem>> -> memref<1x128xi32, #tpu.memory_space<vmem>>
      %dma_wait3A_181 = tpu.memref_squeeze %dma_wait3A_180 : memref<1x128xi32, #tpu.memory_space<vmem>> -> memref<128xi32, #tpu.memory_space<vmem>>
      %dma_wait3A_182 = arith.constant 0 : i32
      %dma_wait3A_183 = arith.constant 0 : i32
      %dma_wait3A_184 = tpu.memref_slice %arg2[%arg0, %dma_wait3A_182, %dma_wait3A_183] : memref<2x10000x64xf32, #tpu.memory_space<hbm>> -> memref<1x10000x64xf32, #tpu.memory_space<hbm>>
      %dma_wait3A_185 = tpu.memref_squeeze %dma_wait3A_184 : memref<1x10000x64xf32, #tpu.memory_space<hbm>> -> memref<10000x64xf32, #tpu.memory_space<hbm>>
      %dma_wait3A_186 = arith.constant 0 : i32
      %dma_wait3A_187 = arith.constant 0 : i32
      %dma_wait3A_188 = tpu.memref_slice %dma_wait3A_185[%dma_wait3A_186, %dma_wait3A_187] : memref<10000x64xf32, #tpu.memory_space<hbm>> -> memref<10000x64xf32, #tpu.memory_space<hbm>>
      tpu.wait_indirect_dma semaphore(%arg17 : memref<!tpu.dma_semaphore, #tpu.memory_space<semaphore_mem>>) src(%dma_wait3A_188 : memref<10000x64xf32, #tpu.memory_space<hbm>>) dst(%arg11 : memref<128x64xf32, #tpu.memory_space<vmem>>)
      %dma_start3A_189 = arith.constant 0 : i32
      %dma_start3A_190 = tpu.memref_slice %arg7[%add3A_178, %dma_start3A_189] : memref<165x128xi32, #tpu.memory_space<vmem>> -> memref<1x128xi32, #tpu.memory_space<vmem>>
      %dma_start3A_191 = tpu.memref_squeeze %dma_start3A_190 : memref<1x128xi32, #tpu.memory_space<vmem>> -> memref<128xi32, #tpu.memory_space<vmem>>
      %dma_start3A_192 = arith.constant 0 : i32
      %dma_start3A_193 = arith.constant 0 : i32
      %dma_start3A_194 = tpu.memref_slice %arg13[%dma_start3A_192, %dma_start3A_193] : memref<10240x64xf32, #tpu.memory_space<vmem_shared>> -> memref<10240x64xf32, #tpu.memory_space<vmem_shared>>
      tpu.enqueue_indirect_dma source(%arg11 : memref<128x64xf32, #tpu.memory_space<vmem>>) target(%dma_start3A_194 : memref<10240x64xf32, #tpu.memory_space<vmem_shared>>) offsets(%dma_start3A_191 : memref<128xi32, #tpu.memory_space<vmem>>) semaphore(%arg22 : memref<!tpu.dma_semaphore, #tpu.memory_space<semaphore_mem>>) {add = true}
      %ge3A_195 = arith.constant 2 : i32
      %ge3A_196 = arith.cmpi sge, %add3A_178, %ge3A_195 : i32
      %convert_element_type3A_197 = arith.extui %ge3A_196 : i1 to i32
      %cond3A_198 = arith.constant 0 : i32
      %cond3A_199 = arith.cmpi ne, %convert_element_type3A_197, %cond3A_198 : i32
      scf.if %cond3A_199 {
        %sub3A = arith.constant 2 : i32
        %sub3A_240 = arith.subi %add3A_178, %sub3A : i32
        %dma_wait3A_241 = arith.constant 0 : i32
        %dma_wait3A_242 = tpu.memref_slice %arg7[%sub3A_240, %dma_wait3A_241] : memref<165x128xi32, #tpu.memory_space<vmem>> -> memref<1x128xi32, #tpu.memory_space<vmem>>
        %dma_wait3A_243 = tpu.memref_squeeze %dma_wait3A_242 : memref<1x128xi32, #tpu.memory_space<vmem>> -> memref<128xi32, #tpu.memory_space<vmem>>
        %dma_wait3A_244 = arith.constant 0 : i32
        %dma_wait3A_245 = arith.constant 0 : i32
        %dma_wait3A_246 = tpu.memref_slice %arg13[%dma_wait3A_244, %dma_wait3A_245] : memref<10240x64xf32, #tpu.memory_space<vmem_shared>> -> memref<10240x64xf32, #tpu.memory_space<vmem_shared>>
        tpu.wait_indirect_dma semaphore(%arg20 : memref<!tpu.dma_semaphore, #tpu.memory_space<semaphore_mem>>) src(%arg9 : memref<128x64xf32, #tpu.memory_space<vmem>>) dst(%dma_wait3A_246 : memref<10240x64xf32, #tpu.memory_space<vmem_shared>>)
      } else {
      }
      %add3A_200 = arith.constant 3 : i32
      %add3A_201 = arith.addi %add3A_178, %add3A_200 : i32
      %lt3A_202 = arith.constant 165 : i32
      %lt3A_203 = arith.cmpi slt, %add3A_201, %lt3A_202 : i32
      %convert_element_type3A_204 = arith.extui %lt3A_203 : i1 to i32
      %cond3A_205 = arith.constant 0 : i32
      %cond3A_206 = arith.cmpi ne, %convert_element_type3A_204, %cond3A_205 : i32
      scf.if %cond3A_206 {
        %add3A_240 = arith.constant 3 : i32
        %add3A_241 = arith.addi %add3A_178, %add3A_240 : i32
        %dma_start3A_242 = arith.constant 0 : i32
        %dma_start3A_243 = tpu.memref_slice %arg6[%add3A_241, %dma_start3A_242] : memref<165x128xi32, #tpu.memory_space<vmem>> -> memref<1x128xi32, #tpu.memory_space<vmem>>
        %dma_start3A_244 = tpu.memref_squeeze %dma_start3A_243 : memref<1x128xi32, #tpu.memory_space<vmem>> -> memref<128xi32, #tpu.memory_space<vmem>>
        %dma_start3A_245 = arith.constant 0 : i32
        %dma_start3A_246 = arith.constant 0 : i32
        %dma_start3A_247 = tpu.memref_slice %arg2[%arg0, %dma_start3A_245, %dma_start3A_246] : memref<2x10000x64xf32, #tpu.memory_space<hbm>> -> memref<1x10000x64xf32, #tpu.memory_space<hbm>>
        %dma_start3A_248 = tpu.memref_squeeze %dma_start3A_247 : memref<1x10000x64xf32, #tpu.memory_space<hbm>> -> memref<10000x64xf32, #tpu.memory_space<hbm>>
        %dma_start3A_249 = arith.constant 0 : i32
        %dma_start3A_250 = arith.constant 0 : i32
        %dma_start3A_251 = tpu.memref_slice %dma_start3A_248[%dma_start3A_249, %dma_start3A_250] : memref<10000x64xf32, #tpu.memory_space<hbm>> -> memref<10000x64xf32, #tpu.memory_space<hbm>>
        tpu.enqueue_indirect_dma source(%dma_start3A_251 : memref<10000x64xf32, #tpu.memory_space<hbm>>) target(%arg9 : memref<128x64xf32, #tpu.memory_space<vmem>>) offsets(%dma_start3A_244 : memref<128xi32, #tpu.memory_space<vmem>>) semaphore(%arg15 : memref<!tpu.dma_semaphore, #tpu.memory_space<semaphore_mem>>)
      } else {
      }
      %mul3A_207 = arith.constant 5 : i32
      %mul3A_208 = arith.muli %scan3A_81, %mul3A_207 : i32
      %add3A_209 = arith.constant 4 : i32
      %add3A_210 = arith.addi %mul3A_208, %add3A_209 : i32
      %dma_wait3A_211 = arith.constant 0 : i32
      %dma_wait3A_212 = tpu.memref_slice %arg6[%add3A_210, %dma_wait3A_211] : memref<165x128xi32, #tpu.memory_space<vmem>> -> memref<1x128xi32, #tpu.memory_space<vmem>>
      %dma_wait3A_213 = tpu.memref_squeeze %dma_wait3A_212 : memref<1x128xi32, #tpu.memory_space<vmem>> -> memref<128xi32, #tpu.memory_space<vmem>>
      %dma_wait3A_214 = arith.constant 0 : i32
      %dma_wait3A_215 = arith.constant 0 : i32
      %dma_wait3A_216 = tpu.memref_slice %arg2[%arg0, %dma_wait3A_214, %dma_wait3A_215] : memref<2x10000x64xf32, #tpu.memory_space<hbm>> -> memref<1x10000x64xf32, #tpu.memory_space<hbm>>
      %dma_wait3A_217 = tpu.memref_squeeze %dma_wait3A_216 : memref<1x10000x64xf32, #tpu.memory_space<hbm>> -> memref<10000x64xf32, #tpu.memory_space<hbm>>
      %dma_wait3A_218 = arith.constant 0 : i32
      %dma_wait3A_219 = arith.constant 0 : i32
      %dma_wait3A_220 = tpu.memref_slice %dma_wait3A_217[%dma_wait3A_218, %dma_wait3A_219] : memref<10000x64xf32, #tpu.memory_space<hbm>> -> memref<10000x64xf32, #tpu.memory_space<hbm>>
      tpu.wait_indirect_dma semaphore(%arg18 : memref<!tpu.dma_semaphore, #tpu.memory_space<semaphore_mem>>) src(%dma_wait3A_220 : memref<10000x64xf32, #tpu.memory_space<hbm>>) dst(%arg12 : memref<128x64xf32, #tpu.memory_space<vmem>>)
      %dma_start3A_221 = arith.constant 0 : i32
      %dma_start3A_222 = tpu.memref_slice %arg7[%add3A_210, %dma_start3A_221] : memref<165x128xi32, #tpu.memory_space<vmem>> -> memref<1x128xi32, #tpu.memory_space<vmem>>
      %dma_start3A_223 = tpu.memref_squeeze %dma_start3A_222 : memref<1x128xi32, #tpu.memory_space<vmem>> -> memref<128xi32, #tpu.memory_space<vmem>>
      %dma_start3A_224 = arith.constant 0 : i32
      %dma_start3A_225 = arith.constant 0 : i32
      %dma_start3A_226 = tpu.memref_slice %arg13[%dma_start3A_224, %dma_start3A_225] : memref<10240x64xf32, #tpu.memory_space<vmem_shared>> -> memref<10240x64xf32, #tpu.memory_space<vmem_shared>>
      tpu.enqueue_indirect_dma source(%arg12 : memref<128x64xf32, #tpu.memory_space<vmem>>) target(%dma_start3A_226 : memref<10240x64xf32, #tpu.memory_space<vmem_shared>>) offsets(%dma_start3A_223 : memref<128xi32, #tpu.memory_space<vmem>>) semaphore(%arg23 : memref<!tpu.dma_semaphore, #tpu.memory_space<semaphore_mem>>) {add = true}
      %ge3A_227 = arith.constant 2 : i32
      %ge3A_228 = arith.cmpi sge, %add3A_210, %ge3A_227 : i32
      %convert_element_type3A_229 = arith.extui %ge3A_228 : i1 to i32
      %cond3A_230 = arith.constant 0 : i32
      %cond3A_231 = arith.cmpi ne, %convert_element_type3A_229, %cond3A_230 : i32
      scf.if %cond3A_231 {
        %sub3A = arith.constant 2 : i32
        %sub3A_240 = arith.subi %add3A_210, %sub3A : i32
        %dma_wait3A_241 = arith.constant 0 : i32
        %dma_wait3A_242 = tpu.memref_slice %arg7[%sub3A_240, %dma_wait3A_241] : memref<165x128xi32, #tpu.memory_space<vmem>> -> memref<1x128xi32, #tpu.memory_space<vmem>>
        %dma_wait3A_243 = tpu.memref_squeeze %dma_wait3A_242 : memref<1x128xi32, #tpu.memory_space<vmem>> -> memref<128xi32, #tpu.memory_space<vmem>>
        %dma_wait3A_244 = arith.constant 0 : i32
        %dma_wait3A_245 = arith.constant 0 : i32
        %dma_wait3A_246 = tpu.memref_slice %arg13[%dma_wait3A_244, %dma_wait3A_245] : memref<10240x64xf32, #tpu.memory_space<vmem_shared>> -> memref<10240x64xf32, #tpu.memory_space<vmem_shared>>
        tpu.wait_indirect_dma semaphore(%arg21 : memref<!tpu.dma_semaphore, #tpu.memory_space<semaphore_mem>>) src(%arg10 : memref<128x64xf32, #tpu.memory_space<vmem>>) dst(%dma_wait3A_246 : memref<10240x64xf32, #tpu.memory_space<vmem_shared>>)
      } else {
      }
      %add3A_232 = arith.constant 3 : i32
      %add3A_233 = arith.addi %add3A_210, %add3A_232 : i32
      %lt3A_234 = arith.constant 165 : i32
      %lt3A_235 = arith.cmpi slt, %add3A_233, %lt3A_234 : i32
      %convert_element_type3A_236 = arith.extui %lt3A_235 : i1 to i32
      %cond3A_237 = arith.constant 0 : i32
      %cond3A_238 = arith.cmpi ne, %convert_element_type3A_236, %cond3A_237 : i32
      scf.if %cond3A_238 {
        %add3A_240 = arith.constant 3 : i32
        %add3A_241 = arith.addi %add3A_210, %add3A_240 : i32
        %dma_start3A_242 = arith.constant 0 : i32
        %dma_start3A_243 = tpu.memref_slice %arg6[%add3A_241, %dma_start3A_242] : memref<165x128xi32, #tpu.memory_space<vmem>> -> memref<1x128xi32, #tpu.memory_space<vmem>>
        %dma_start3A_244 = tpu.memref_squeeze %dma_start3A_243 : memref<1x128xi32, #tpu.memory_space<vmem>> -> memref<128xi32, #tpu.memory_space<vmem>>
        %dma_start3A_245 = arith.constant 0 : i32
        %dma_start3A_246 = arith.constant 0 : i32
        %dma_start3A_247 = tpu.memref_slice %arg2[%arg0, %dma_start3A_245, %dma_start3A_246] : memref<2x10000x64xf32, #tpu.memory_space<hbm>> -> memref<1x10000x64xf32, #tpu.memory_space<hbm>>
        %dma_start3A_248 = tpu.memref_squeeze %dma_start3A_247 : memref<1x10000x64xf32, #tpu.memory_space<hbm>> -> memref<10000x64xf32, #tpu.memory_space<hbm>>
        %dma_start3A_249 = arith.constant 0 : i32
        %dma_start3A_250 = arith.constant 0 : i32
        %dma_start3A_251 = tpu.memref_slice %dma_start3A_248[%dma_start3A_249, %dma_start3A_250] : memref<10000x64xf32, #tpu.memory_space<hbm>> -> memref<10000x64xf32, #tpu.memory_space<hbm>>
        tpu.enqueue_indirect_dma source(%dma_start3A_251 : memref<10000x64xf32, #tpu.memory_space<hbm>>) target(%arg10 : memref<128x64xf32, #tpu.memory_space<vmem>>) offsets(%dma_start3A_244 : memref<128xi32, #tpu.memory_space<vmem>>) semaphore(%arg16 : memref<!tpu.dma_semaphore, #tpu.memory_space<semaphore_mem>>)
      } else {
      }
      %scan3A_239 = arith.constant 0 : i32
      scf.yield %scan3A_239 : i32
    }
    %scan3A_62 = arith.constant 33 : i32
    %dma_wait3A = arith.constant 163 : i32
    %dma_wait3A_63 = arith.constant 0 : i32
    %dma_wait3A_64 = tpu.memref_slice %arg7[%dma_wait3A, %dma_wait3A_63] : memref<165x128xi32, #tpu.memory_space<vmem>> -> memref<1x128xi32, #tpu.memory_space<vmem>>
    %dma_wait3A_65 = tpu.memref_squeeze %dma_wait3A_64 : memref<1x128xi32, #tpu.memory_space<vmem>> -> memref<128xi32, #tpu.memory_space<vmem>>
    %dma_wait3A_66 = arith.constant 0 : i32
    %dma_wait3A_67 = arith.constant 0 : i32
    %dma_wait3A_68 = tpu.memref_slice %arg13[%dma_wait3A_66, %dma_wait3A_67] : memref<10240x64xf32, #tpu.memory_space<vmem_shared>> -> memref<10240x64xf32, #tpu.memory_space<vmem_shared>>
    tpu.wait_indirect_dma semaphore(%arg22 : memref<!tpu.dma_semaphore, #tpu.memory_space<semaphore_mem>>) src(%arg11 : memref<128x64xf32, #tpu.memory_space<vmem>>) dst(%dma_wait3A_68 : memref<10240x64xf32, #tpu.memory_space<vmem_shared>>)
    %dma_wait3A_69 = arith.constant 164 : i32
    %dma_wait3A_70 = arith.constant 0 : i32
    %dma_wait3A_71 = tpu.memref_slice %arg7[%dma_wait3A_69, %dma_wait3A_70] : memref<165x128xi32, #tpu.memory_space<vmem>> -> memref<1x128xi32, #tpu.memory_space<vmem>>
    %dma_wait3A_72 = tpu.memref_squeeze %dma_wait3A_71 : memref<1x128xi32, #tpu.memory_space<vmem>> -> memref<128xi32, #tpu.memory_space<vmem>>
    %dma_wait3A_73 = arith.constant 0 : i32
    %dma_wait3A_74 = arith.constant 0 : i32
    %dma_wait3A_75 = tpu.memref_slice %arg13[%dma_wait3A_73, %dma_wait3A_74] : memref<10240x64xf32, #tpu.memory_space<vmem_shared>> -> memref<10240x64xf32, #tpu.memory_space<vmem_shared>>
    tpu.wait_indirect_dma semaphore(%arg23 : memref<!tpu.dma_semaphore, #tpu.memory_space<semaphore_mem>>) src(%arg12 : memref<128x64xf32, #tpu.memory_space<vmem>>) dst(%dma_wait3A_75 : memref<10240x64xf32, #tpu.memory_space<vmem_shared>>)
    %barrier3A_76 = arith.constant 0 : index
    tpu.barrier barrier_id(%barrier3A_76)
    %mul3A_77 = arith.constant 640 : i32
    %mul3A_78 = arith.muli %arg1, %mul3A_77 : i32
    %mul3A_79 = arith.constant 640 : i32
    %mul3A_80 = arith.muli %arg1, %mul3A_79 : i32
    "tpu.region"() ({
      %run_scoped3A = tpu.sem_alloc : memref<!tpu.dma_semaphore, #tpu.memory_space<semaphore_mem>>
      %dma_start3A_81 = arith.constant 0 : i32
      %dma_start3A_82 = tpu.memref_slice %arg5[%arg0, %mul3A_80, %dma_start3A_81] : memref<2x10240x64xf32, #tpu.memory_space<hbm>> -> memref<1x640x64xf32, #tpu.memory_space<hbm>>
      %dma_start3A_83 = tpu.memref_squeeze %dma_start3A_82 : memref<1x640x64xf32, #tpu.memory_space<hbm>> -> memref<640x64xf32, #tpu.memory_space<hbm>>
      %dma_start3A_84 = arith.constant 0 : i32
      %dma_start3A_85 = tpu.memref_slice %arg13[%mul3A_78, %dma_start3A_84] : memref<10240x64xf32, #tpu.memory_space<vmem_shared>> -> memref<640x64xf32, #tpu.memory_space<vmem_shared>>
      tpu.enqueue_dma source(%dma_start3A_85 : memref<640x64xf32, #tpu.memory_space<vmem_shared>>) target(%dma_start3A_83 : memref<640x64xf32, #tpu.memory_space<hbm>>) target_semaphore(%run_scoped3A : memref<!tpu.dma_semaphore, #tpu.memory_space<semaphore_mem>>)
      %dma_wait3A_86 = arith.constant 0 : i32
      %dma_wait3A_87 = tpu.memref_slice %arg5[%arg0, %mul3A_80, %dma_wait3A_86] : memref<2x10240x64xf32, #tpu.memory_space<hbm>> -> memref<1x640x64xf32, #tpu.memory_space<hbm>>
      %dma_wait3A_88 = tpu.memref_squeeze %dma_wait3A_87 : memref<1x640x64xf32, #tpu.memory_space<hbm>> -> memref<640x64xf32, #tpu.memory_space<hbm>>
      %dma_wait3A_89 = arith.constant 0 : i32
      %dma_wait3A_90 = tpu.memref_slice %arg13[%mul3A_78, %dma_wait3A_89] : memref<10240x64xf32, #tpu.memory_space<vmem_shared>> -> memref<640x64xf32, #tpu.memory_space<vmem_shared>>
      tpu.wait_dma2 semaphore(%run_scoped3A : memref<!tpu.dma_semaphore, #tpu.memory_space<semaphore_mem>>) src(%dma_wait3A_90 : memref<640x64xf32, #tpu.memory_space<vmem_shared>>) dst(%dma_wait3A_88 : memref<640x64xf32, #tpu.memory_space<hbm>>)
      tpu.yield
    }) : () -> ()
    return
  }
}

#map = affine_map<(d0, d1) -> (0, 0, 0)>
#map1 = affine_map<(d0, d1) -> (0)>
module attributes {stable_mosaic.version = 14 : i64} {
  func.func @_sc_degree(%arg0: i32, %arg1: i32, %arg2: memref<32x125x80xi32, #tpu.memory_space<hbm>>, %arg3: memref<20480xf32, #tpu.memory_space<hbm>>, %arg4: memref<125x80xi32, #tpu.memory_space<vmem>>, %arg5: memref<80xf32, #tpu.memory_space<vmem>>, %arg6: memref<640xf32, #tpu.memory_space<vmem>>, %arg7: memref<10240xf32, #tpu.memory_space<vmem_shared>>, %arg8: memref<!tpu.dma_semaphore, #tpu.memory_space<semaphore_mem>>, %arg9: memref<!tpu.dma_semaphore, #tpu.memory_space<semaphore_mem>>, %arg10: memref<!tpu.dma_semaphore, #tpu.memory_space<semaphore_mem>>, %arg11: memref<!tpu.dma_semaphore, #tpu.memory_space<semaphore_mem>>, %arg12: memref<!tpu.dma_semaphore, #tpu.memory_space<semaphore_mem>>) attributes {dimension_semantics = [#tpu.dimension_semantics<core_parallel>, #tpu.dimension_semantics<subcore_parallel>], iteration_bounds = array<i64: 2, 16>, scalar_prefetch = 0 : i64, scratch_operands = 9 : i64, tpu.core_type = #tpu.core_type<sc_vector_subcore>, window_params = [{transform_indices = #map}, {transform_indices = #map1}]} {
    %mul3A = arith.constant 16 : i32
    %mul3A_0 = arith.muli %arg0, %mul3A : i32
    %add3A = arith.addi %mul3A_0, %arg1 : i32
    %scan3A = arith.constant 0 : i32
    %scan3A_1 = arith.constant 0 : i32
    %scan3A_2 = arith.constant 40 : i32
    %scan3A_3 = arith.addi %scan3A_1, %scan3A_2 : i32
    %scan3A_4 = arith.constant 1 : i32
    %scan3A_5 = scf.for %scan3A_60 = %scan3A_1 to %scan3A_3 step %scan3A_4 iter_args(%scan3A_61 = %scan3A) -> (i32)  : i32 {
      %broadcast_in_dim3A = arith.constant 0.000000e+00 : f32
      %broadcast_in_dim3A_62 = vector.broadcast %broadcast_in_dim3A : f32 to vector<16xf32>
      %mul3A_63 = arith.constant 16 : i32
      %mul3A_64 = arith.muli %scan3A_60, %mul3A_63 : i32
      %swap3A = arith.index_cast %mul3A_64 : i32 to index
      %swap3A_65 = tpu.vector_load %arg6[%swap3A] {strides = array<i32>} : memref<640xf32, #tpu.memory_space<vmem>>, vector<16xf32>,
      %swap3A_66 = vector.shape_cast %swap3A_65 : vector<16xf32> to vector<16xf32>
      %swap3A_67 = vector.shape_cast %broadcast_in_dim3A_62 : vector<16xf32> to vector<16xf32>
      tpu.vector_store %arg6[%swap3A], %swap3A_67 {strides = array<i32>} : memref<640xf32, #tpu.memory_space<vmem>>, vector<16xf32>,
      %scan3A_68 = arith.constant 0 : i32
      scf.yield %scan3A_68 : i32
    }
    %scan3A_6 = arith.constant 40 : i32
    %scan3A_7 = arith.constant 0 : i32
    %scan3A_8 = arith.constant 0 : i32
    %scan3A_9 = arith.constant 5 : i32
    %scan3A_10 = arith.addi %scan3A_8, %scan3A_9 : i32
    %scan3A_11 = arith.constant 1 : i32
    %scan3A_12 = scf.for %scan3A_60 = %scan3A_8 to %scan3A_10 step %scan3A_11 iter_args(%scan3A_61 = %scan3A_7) -> (i32)  : i32 {
      %broadcast_in_dim3A = arith.constant 1.000000e+00 : f32
      %broadcast_in_dim3A_62 = vector.broadcast %broadcast_in_dim3A : f32 to vector<16xf32>
      %mul3A_63 = arith.constant 16 : i32
      %mul3A_64 = arith.muli %scan3A_60, %mul3A_63 : i32
      %swap3A = arith.index_cast %mul3A_64 : i32 to index
      %swap3A_65 = tpu.vector_load %arg5[%swap3A] {strides = array<i32>} : memref<80xf32, #tpu.memory_space<vmem>>, vector<16xf32>,
      %swap3A_66 = vector.shape_cast %swap3A_65 : vector<16xf32> to vector<16xf32>
      %swap3A_67 = vector.shape_cast %broadcast_in_dim3A_62 : vector<16xf32> to vector<16xf32>
      tpu.vector_store %arg5[%swap3A], %swap3A_67 {strides = array<i32>} : memref<80xf32, #tpu.memory_space<vmem>>, vector<16xf32>,
      %scan3A_68 = arith.constant 0 : i32
      scf.yield %scan3A_68 : i32
    }
    %scan3A_13 = arith.constant 5 : i32
    %mul3A_14 = arith.constant 640 : i32
    %mul3A_15 = arith.muli %arg1, %mul3A_14 : i32
    "tpu.region"() ({
      %run_scoped3A = tpu.sem_alloc : memref<!tpu.dma_semaphore, #tpu.memory_space<semaphore_mem>>
      %dma_start3A = tpu.memref_slice %arg7[%mul3A_15] : memref<10240xf32, #tpu.memory_space<vmem_shared>> -> memref<640xf32, #tpu.memory_space<vmem_shared>>
      %dma_start3A_60 = tpu.memref_slice %arg7[%mul3A_15] : memref<10240xf32, #tpu.memory_space<vmem_shared>> -> memref<640xf32, #tpu.memory_space<vmem_shared>>
      tpu.enqueue_dma source(%arg6 : memref<640xf32, #tpu.memory_space<vmem>>) target(%dma_start3A_60 : memref<640xf32, #tpu.memory_space<vmem_shared>>) target_semaphore(%run_scoped3A : memref<!tpu.dma_semaphore, #tpu.memory_space<semaphore_mem>>)
      %dma_wait3A_61 = tpu.memref_slice %arg7[%mul3A_15] : memref<10240xf32, #tpu.memory_space<vmem_shared>> -> memref<640xf32, #tpu.memory_space<vmem_shared>>
      %dma_wait3A_62 = tpu.memref_slice %arg7[%mul3A_15] : memref<10240xf32, #tpu.memory_space<vmem_shared>> -> memref<640xf32, #tpu.memory_space<vmem_shared>>
      tpu.wait_dma2 semaphore(%run_scoped3A : memref<!tpu.dma_semaphore, #tpu.memory_space<semaphore_mem>>) src(%arg6 : memref<640xf32, #tpu.memory_space<vmem>>) dst(%dma_wait3A_62 : memref<640xf32, #tpu.memory_space<vmem_shared>>)
      tpu.yield
    }) : () -> ()
    "tpu.region"() ({
      %run_scoped3A = tpu.sem_alloc : memref<!tpu.dma_semaphore, #tpu.memory_space<semaphore_mem>>
      %dma_start3A = arith.constant 0 : i32
      %dma_start3A_60 = arith.constant 0 : i32
      %dma_start3A_61 = tpu.memref_slice %arg2[%add3A, %dma_start3A, %dma_start3A_60] : memref<32x125x80xi32, #tpu.memory_space<hbm>> -> memref<1x125x80xi32, #tpu.memory_space<hbm>>
      %dma_start3A_62 = tpu.memref_squeeze %dma_start3A_61 : memref<1x125x80xi32, #tpu.memory_space<hbm>> -> memref<125x80xi32, #tpu.memory_space<hbm>>
      %dma_start3A_63 = arith.constant 0 : i32
      %dma_start3A_64 = arith.constant 0 : i32
      %dma_start3A_65 = tpu.memref_slice %arg2[%add3A, %dma_start3A_63, %dma_start3A_64] : memref<32x125x80xi32, #tpu.memory_space<hbm>> -> memref<1x125x80xi32, #tpu.memory_space<hbm>>
      %dma_start3A_66 = tpu.memref_squeeze %dma_start3A_65 : memref<1x125x80xi32, #tpu.memory_space<hbm>> -> memref<125x80xi32, #tpu.memory_space<hbm>>
      tpu.enqueue_dma source(%dma_start3A_66 : memref<125x80xi32, #tpu.memory_space<hbm>>) target(%arg4 : memref<125x80xi32, #tpu.memory_space<vmem>>) target_semaphore(%run_scoped3A : memref<!tpu.dma_semaphore, #tpu.memory_space<semaphore_mem>>)
      %dma_wait3A_67 = arith.constant 0 : i32
      %dma_wait3A_68 = arith.constant 0 : i32
      %dma_wait3A_69 = tpu.memref_slice %arg2[%add3A, %dma_wait3A_67, %dma_wait3A_68] : memref<32x125x80xi32, #tpu.memory_space<hbm>> -> memref<1x125x80xi32, #tpu.memory_space<hbm>>
      %dma_wait3A_70 = tpu.memref_squeeze %dma_wait3A_69 : memref<1x125x80xi32, #tpu.memory_space<hbm>> -> memref<125x80xi32, #tpu.memory_space<hbm>>
      %dma_wait3A_71 = arith.constant 0 : i32
      %dma_wait3A_72 = arith.constant 0 : i32
      %dma_wait3A_73 = tpu.memref_slice %arg2[%add3A, %dma_wait3A_71, %dma_wait3A_72] : memref<32x125x80xi32, #tpu.memory_space<hbm>> -> memref<1x125x80xi32, #tpu.memory_space<hbm>>
      %dma_wait3A_74 = tpu.memref_squeeze %dma_wait3A_73 : memref<1x125x80xi32, #tpu.memory_space<hbm>> -> memref<125x80xi32, #tpu.memory_space<hbm>>
      tpu.wait_dma2 semaphore(%run_scoped3A : memref<!tpu.dma_semaphore, #tpu.memory_space<semaphore_mem>>) src(%dma_wait3A_74 : memref<125x80xi32, #tpu.memory_space<hbm>>) dst(%arg4 : memref<125x80xi32, #tpu.memory_space<vmem>>)
      tpu.yield
    }) : () -> ()
    %barrier3A = arith.constant 0 : index
    tpu.barrier barrier_id(%barrier3A)
    %scan3A_16 = arith.constant 0 : i32
    %scan3A_17 = arith.constant 0 : i32
    %scan3A_18 = arith.constant 25 : i32
    %scan3A_19 = arith.addi %scan3A_17, %scan3A_18 : i32
    %scan3A_20 = arith.constant 1 : i32
    %scan3A_21 = scf.for %scan3A_60 = %scan3A_17 to %scan3A_19 step %scan3A_20 iter_args(%scan3A_61 = %scan3A_16) -> (i32)  : i32 {
      %mul3A_62 = arith.constant 5 : i32
      %mul3A_63 = arith.muli %scan3A_60, %mul3A_62 : i32
      %add3A_64 = arith.constant 0 : i32
      %add3A_65 = arith.addi %mul3A_63, %add3A_64 : i32
      %gt3A = arith.constant 0 : i32
      %gt3A_66 = arith.cmpi sgt, %scan3A_60, %gt3A : i32
      %convert_element_type3A = arith.extui %gt3A_66 : i1 to i32
      %cond3A = arith.constant 0 : i32
      %cond3A_67 = arith.cmpi ne, %convert_element_type3A, %cond3A : i32
      scf.if %cond3A_67 {
        %sub3A = arith.constant 5 : i32
        %sub3A_129 = arith.subi %add3A_65, %sub3A : i32
        %dma_wait3A_130 = arith.constant 0 : i32
        %dma_wait3A_131 = tpu.memref_slice %arg4[%sub3A_129, %dma_wait3A_130] : memref<125x80xi32, #tpu.memory_space<vmem>> -> memref<1x80xi32, #tpu.memory_space<vmem>>
        %dma_wait3A_132 = tpu.memref_squeeze %dma_wait3A_131 : memref<1x80xi32, #tpu.memory_space<vmem>> -> memref<80xi32, #tpu.memory_space<vmem>>
        %dma_wait3A_133 = arith.constant 0 : i32
        %dma_wait3A_134 = tpu.memref_slice %arg7[%dma_wait3A_133] : memref<10240xf32, #tpu.memory_space<vmem_shared>> -> memref<10240xf32, #tpu.memory_space<vmem_shared>>
        tpu.wait_indirect_dma semaphore(%arg8 : memref<!tpu.dma_semaphore, #tpu.memory_space<semaphore_mem>>) src(%arg5 : memref<80xf32, #tpu.memory_space<vmem>>) dst(%dma_wait3A_134 : memref<10240xf32, #tpu.memory_space<vmem_shared>>)
      } else {
      }
      %dma_start3A = arith.constant 0 : i32
      %dma_start3A_68 = tpu.memref_slice %arg4[%add3A_65, %dma_start3A] : memref<125x80xi32, #tpu.memory_space<vmem>> -> memref<1x80xi32, #tpu.memory_space<vmem>>
      %dma_start3A_69 = tpu.memref_squeeze %dma_start3A_68 : memref<1x80xi32, #tpu.memory_space<vmem>> -> memref<80xi32, #tpu.memory_space<vmem>>
      %dma_start3A_70 = arith.constant 0 : i32
      %dma_start3A_71 = tpu.memref_slice %arg7[%dma_start3A_70] : memref<10240xf32, #tpu.memory_space<vmem_shared>> -> memref<10240xf32, #tpu.memory_space<vmem_shared>>
      tpu.enqueue_indirect_dma source(%arg5 : memref<80xf32, #tpu.memory_space<vmem>>) target(%dma_start3A_71 : memref<10240xf32, #tpu.memory_space<vmem_shared>>) offsets(%dma_start3A_69 : memref<80xi32, #tpu.memory_space<vmem>>) semaphore(%arg8 : memref<!tpu.dma_semaphore, #tpu.memory_space<semaphore_mem>>) {add = true}
      %mul3A_72 = arith.constant 5 : i32
      %mul3A_73 = arith.muli %scan3A_60, %mul3A_72 : i32
      %add3A_74 = arith.constant 1 : i32
      %add3A_75 = arith.addi %mul3A_73, %add3A_74 : i32
      %gt3A_76 = arith.constant 0 : i32
      %gt3A_77 = arith.cmpi sgt, %scan3A_60, %gt3A_76 : i32
      %convert_element_type3A_78 = arith.extui %gt3A_77 : i1 to i32
      %cond3A_79 = arith.constant 0 : i32
      %cond3A_80 = arith.cmpi ne, %convert_element_type3A_78, %cond3A_79 : i32
      scf.if %cond3A_80 {
        %sub3A = arith.constant 5 : i32
        %sub3A_129 = arith.subi %add3A_75, %sub3A : i32
        %dma_wait3A_130 = arith.constant 0 : i32
        %dma_wait3A_131 = tpu.memref_slice %arg4[%sub3A_129, %dma_wait3A_130] : memref<125x80xi32, #tpu.memory_space<vmem>> -> memref<1x80xi32, #tpu.memory_space<vmem>>
        %dma_wait3A_132 = tpu.memref_squeeze %dma_wait3A_131 : memref<1x80xi32, #tpu.memory_space<vmem>> -> memref<80xi32, #tpu.memory_space<vmem>>
        %dma_wait3A_133 = arith.constant 0 : i32
        %dma_wait3A_134 = tpu.memref_slice %arg7[%dma_wait3A_133] : memref<10240xf32, #tpu.memory_space<vmem_shared>> -> memref<10240xf32, #tpu.memory_space<vmem_shared>>
        tpu.wait_indirect_dma semaphore(%arg9 : memref<!tpu.dma_semaphore, #tpu.memory_space<semaphore_mem>>) src(%arg5 : memref<80xf32, #tpu.memory_space<vmem>>) dst(%dma_wait3A_134 : memref<10240xf32, #tpu.memory_space<vmem_shared>>)
      } else {
      }
      %dma_start3A_81 = arith.constant 0 : i32
      %dma_start3A_82 = tpu.memref_slice %arg4[%add3A_75, %dma_start3A_81] : memref<125x80xi32, #tpu.memory_space<vmem>> -> memref<1x80xi32, #tpu.memory_space<vmem>>
      %dma_start3A_83 = tpu.memref_squeeze %dma_start3A_82 : memref<1x80xi32, #tpu.memory_space<vmem>> -> memref<80xi32, #tpu.memory_space<vmem>>
      %dma_start3A_84 = arith.constant 0 : i32
      %dma_start3A_85 = tpu.memref_slice %arg7[%dma_start3A_84] : memref<10240xf32, #tpu.memory_space<vmem_shared>> -> memref<10240xf32, #tpu.memory_space<vmem_shared>>
      tpu.enqueue_indirect_dma source(%arg5 : memref<80xf32, #tpu.memory_space<vmem>>) target(%dma_start3A_85 : memref<10240xf32, #tpu.memory_space<vmem_shared>>) offsets(%dma_start3A_83 : memref<80xi32, #tpu.memory_space<vmem>>) semaphore(%arg9 : memref<!tpu.dma_semaphore, #tpu.memory_space<semaphore_mem>>) {add = true}
      %mul3A_86 = arith.constant 5 : i32
      %mul3A_87 = arith.muli %scan3A_60, %mul3A_86 : i32
      %add3A_88 = arith.constant 2 : i32
      %add3A_89 = arith.addi %mul3A_87, %add3A_88 : i32
      %gt3A_90 = arith.constant 0 : i32
      %gt3A_91 = arith.cmpi sgt, %scan3A_60, %gt3A_90 : i32
      %convert_element_type3A_92 = arith.extui %gt3A_91 : i1 to i32
      %cond3A_93 = arith.constant 0 : i32
      %cond3A_94 = arith.cmpi ne, %convert_element_type3A_92, %cond3A_93 : i32
      scf.if %cond3A_94 {
        %sub3A = arith.constant 5 : i32
        %sub3A_129 = arith.subi %add3A_89, %sub3A : i32
        %dma_wait3A_130 = arith.constant 0 : i32
        %dma_wait3A_131 = tpu.memref_slice %arg4[%sub3A_129, %dma_wait3A_130] : memref<125x80xi32, #tpu.memory_space<vmem>> -> memref<1x80xi32, #tpu.memory_space<vmem>>
        %dma_wait3A_132 = tpu.memref_squeeze %dma_wait3A_131 : memref<1x80xi32, #tpu.memory_space<vmem>> -> memref<80xi32, #tpu.memory_space<vmem>>
        %dma_wait3A_133 = arith.constant 0 : i32
        %dma_wait3A_134 = tpu.memref_slice %arg7[%dma_wait3A_133] : memref<10240xf32, #tpu.memory_space<vmem_shared>> -> memref<10240xf32, #tpu.memory_space<vmem_shared>>
        tpu.wait_indirect_dma semaphore(%arg10 : memref<!tpu.dma_semaphore, #tpu.memory_space<semaphore_mem>>) src(%arg5 : memref<80xf32, #tpu.memory_space<vmem>>) dst(%dma_wait3A_134 : memref<10240xf32, #tpu.memory_space<vmem_shared>>)
      } else {
      }
      %dma_start3A_95 = arith.constant 0 : i32
      %dma_start3A_96 = tpu.memref_slice %arg4[%add3A_89, %dma_start3A_95] : memref<125x80xi32, #tpu.memory_space<vmem>> -> memref<1x80xi32, #tpu.memory_space<vmem>>
      %dma_start3A_97 = tpu.memref_squeeze %dma_start3A_96 : memref<1x80xi32, #tpu.memory_space<vmem>> -> memref<80xi32, #tpu.memory_space<vmem>>
      %dma_start3A_98 = arith.constant 0 : i32
      %dma_start3A_99 = tpu.memref_slice %arg7[%dma_start3A_98] : memref<10240xf32, #tpu.memory_space<vmem_shared>> -> memref<10240xf32, #tpu.memory_space<vmem_shared>>
      tpu.enqueue_indirect_dma source(%arg5 : memref<80xf32, #tpu.memory_space<vmem>>) target(%dma_start3A_99 : memref<10240xf32, #tpu.memory_space<vmem_shared>>) offsets(%dma_start3A_97 : memref<80xi32, #tpu.memory_space<vmem>>) semaphore(%arg10 : memref<!tpu.dma_semaphore, #tpu.memory_space<semaphore_mem>>) {add = true}
      %mul3A_100 = arith.constant 5 : i32
      %mul3A_101 = arith.muli %scan3A_60, %mul3A_100 : i32
      %add3A_102 = arith.constant 3 : i32
      %add3A_103 = arith.addi %mul3A_101, %add3A_102 : i32
      %gt3A_104 = arith.constant 0 : i32
      %gt3A_105 = arith.cmpi sgt, %scan3A_60, %gt3A_104 : i32
      %convert_element_type3A_106 = arith.extui %gt3A_105 : i1 to i32
      %cond3A_107 = arith.constant 0 : i32
      %cond3A_108 = arith.cmpi ne, %convert_element_type3A_106, %cond3A_107 : i32
      scf.if %cond3A_108 {
        %sub3A = arith.constant 5 : i32
        %sub3A_129 = arith.subi %add3A_103, %sub3A : i32
        %dma_wait3A_130 = arith.constant 0 : i32
        %dma_wait3A_131 = tpu.memref_slice %arg4[%sub3A_129, %dma_wait3A_130] : memref<125x80xi32, #tpu.memory_space<vmem>> -> memref<1x80xi32, #tpu.memory_space<vmem>>
        %dma_wait3A_132 = tpu.memref_squeeze %dma_wait3A_131 : memref<1x80xi32, #tpu.memory_space<vmem>> -> memref<80xi32, #tpu.memory_space<vmem>>
        %dma_wait3A_133 = arith.constant 0 : i32
        %dma_wait3A_134 = tpu.memref_slice %arg7[%dma_wait3A_133] : memref<10240xf32, #tpu.memory_space<vmem_shared>> -> memref<10240xf32, #tpu.memory_space<vmem_shared>>
        tpu.wait_indirect_dma semaphore(%arg11 : memref<!tpu.dma_semaphore, #tpu.memory_space<semaphore_mem>>) src(%arg5 : memref<80xf32, #tpu.memory_space<vmem>>) dst(%dma_wait3A_134 : memref<10240xf32, #tpu.memory_space<vmem_shared>>)
      } else {
      }
      %dma_start3A_109 = arith.constant 0 : i32
      %dma_start3A_110 = tpu.memref_slice %arg4[%add3A_103, %dma_start3A_109] : memref<125x80xi32, #tpu.memory_space<vmem>> -> memref<1x80xi32, #tpu.memory_space<vmem>>
      %dma_start3A_111 = tpu.memref_squeeze %dma_start3A_110 : memref<1x80xi32, #tpu.memory_space<vmem>> -> memref<80xi32, #tpu.memory_space<vmem>>
      %dma_start3A_112 = arith.constant 0 : i32
      %dma_start3A_113 = tpu.memref_slice %arg7[%dma_start3A_112] : memref<10240xf32, #tpu.memory_space<vmem_shared>> -> memref<10240xf32, #tpu.memory_space<vmem_shared>>
      tpu.enqueue_indirect_dma source(%arg5 : memref<80xf32, #tpu.memory_space<vmem>>) target(%dma_start3A_113 : memref<10240xf32, #tpu.memory_space<vmem_shared>>) offsets(%dma_start3A_111 : memref<80xi32, #tpu.memory_space<vmem>>) semaphore(%arg11 : memref<!tpu.dma_semaphore, #tpu.memory_space<semaphore_mem>>) {add = true}
      %mul3A_114 = arith.constant 5 : i32
      %mul3A_115 = arith.muli %scan3A_60, %mul3A_114 : i32
      %add3A_116 = arith.constant 4 : i32
      %add3A_117 = arith.addi %mul3A_115, %add3A_116 : i32
      %gt3A_118 = arith.constant 0 : i32
      %gt3A_119 = arith.cmpi sgt, %scan3A_60, %gt3A_118 : i32
      %convert_element_type3A_120 = arith.extui %gt3A_119 : i1 to i32
      %cond3A_121 = arith.constant 0 : i32
      %cond3A_122 = arith.cmpi ne, %convert_element_type3A_120, %cond3A_121 : i32
      scf.if %cond3A_122 {
        %sub3A = arith.constant 5 : i32
        %sub3A_129 = arith.subi %add3A_117, %sub3A : i32
        %dma_wait3A_130 = arith.constant 0 : i32
        %dma_wait3A_131 = tpu.memref_slice %arg4[%sub3A_129, %dma_wait3A_130] : memref<125x80xi32, #tpu.memory_space<vmem>> -> memref<1x80xi32, #tpu.memory_space<vmem>>
        %dma_wait3A_132 = tpu.memref_squeeze %dma_wait3A_131 : memref<1x80xi32, #tpu.memory_space<vmem>> -> memref<80xi32, #tpu.memory_space<vmem>>
        %dma_wait3A_133 = arith.constant 0 : i32
        %dma_wait3A_134 = tpu.memref_slice %arg7[%dma_wait3A_133] : memref<10240xf32, #tpu.memory_space<vmem_shared>> -> memref<10240xf32, #tpu.memory_space<vmem_shared>>
        tpu.wait_indirect_dma semaphore(%arg12 : memref<!tpu.dma_semaphore, #tpu.memory_space<semaphore_mem>>) src(%arg5 : memref<80xf32, #tpu.memory_space<vmem>>) dst(%dma_wait3A_134 : memref<10240xf32, #tpu.memory_space<vmem_shared>>)
      } else {
      }
      %dma_start3A_123 = arith.constant 0 : i32
      %dma_start3A_124 = tpu.memref_slice %arg4[%add3A_117, %dma_start3A_123] : memref<125x80xi32, #tpu.memory_space<vmem>> -> memref<1x80xi32, #tpu.memory_space<vmem>>
      %dma_start3A_125 = tpu.memref_squeeze %dma_start3A_124 : memref<1x80xi32, #tpu.memory_space<vmem>> -> memref<80xi32, #tpu.memory_space<vmem>>
      %dma_start3A_126 = arith.constant 0 : i32
      %dma_start3A_127 = tpu.memref_slice %arg7[%dma_start3A_126] : memref<10240xf32, #tpu.memory_space<vmem_shared>> -> memref<10240xf32, #tpu.memory_space<vmem_shared>>
      tpu.enqueue_indirect_dma source(%arg5 : memref<80xf32, #tpu.memory_space<vmem>>) target(%dma_start3A_127 : memref<10240xf32, #tpu.memory_space<vmem_shared>>) offsets(%dma_start3A_125 : memref<80xi32, #tpu.memory_space<vmem>>) semaphore(%arg12 : memref<!tpu.dma_semaphore, #tpu.memory_space<semaphore_mem>>) {add = true}
      %scan3A_128 = arith.constant 0 : i32
      scf.yield %scan3A_128 : i32
    }
    %scan3A_22 = arith.constant 25 : i32
    %dma_wait3A = arith.constant 120 : i32
    %dma_wait3A_23 = arith.constant 0 : i32
    %dma_wait3A_24 = tpu.memref_slice %arg4[%dma_wait3A, %dma_wait3A_23] : memref<125x80xi32, #tpu.memory_space<vmem>> -> memref<1x80xi32, #tpu.memory_space<vmem>>
    %dma_wait3A_25 = tpu.memref_squeeze %dma_wait3A_24 : memref<1x80xi32, #tpu.memory_space<vmem>> -> memref<80xi32, #tpu.memory_space<vmem>>
    %dma_wait3A_26 = arith.constant 0 : i32
    %dma_wait3A_27 = tpu.memref_slice %arg7[%dma_wait3A_26] : memref<10240xf32, #tpu.memory_space<vmem_shared>> -> memref<10240xf32, #tpu.memory_space<vmem_shared>>
    tpu.wait_indirect_dma semaphore(%arg8 : memref<!tpu.dma_semaphore, #tpu.memory_space<semaphore_mem>>) src(%arg5 : memref<80xf32, #tpu.memory_space<vmem>>) dst(%dma_wait3A_27 : memref<10240xf32, #tpu.memory_space<vmem_shared>>)
    %dma_wait3A_28 = arith.constant 121 : i32
    %dma_wait3A_29 = arith.constant 0 : i32
    %dma_wait3A_30 = tpu.memref_slice %arg4[%dma_wait3A_28, %dma_wait3A_29] : memref<125x80xi32, #tpu.memory_space<vmem>> -> memref<1x80xi32, #tpu.memory_space<vmem>>
    %dma_wait3A_31 = tpu.memref_squeeze %dma_wait3A_30 : memref<1x80xi32, #tpu.memory_space<vmem>> -> memref<80xi32, #tpu.memory_space<vmem>>
    %dma_wait3A_32 = arith.constant 0 : i32
    %dma_wait3A_33 = tpu.memref_slice %arg7[%dma_wait3A_32] : memref<10240xf32, #tpu.memory_space<vmem_shared>> -> memref<10240xf32, #tpu.memory_space<vmem_shared>>
    tpu.wait_indirect_dma semaphore(%arg9 : memref<!tpu.dma_semaphore, #tpu.memory_space<semaphore_mem>>) src(%arg5 : memref<80xf32, #tpu.memory_space<vmem>>) dst(%dma_wait3A_33 : memref<10240xf32, #tpu.memory_space<vmem_shared>>)
    %dma_wait3A_34 = arith.constant 122 : i32
    %dma_wait3A_35 = arith.constant 0 : i32
    %dma_wait3A_36 = tpu.memref_slice %arg4[%dma_wait3A_34, %dma_wait3A_35] : memref<125x80xi32, #tpu.memory_space<vmem>> -> memref<1x80xi32, #tpu.memory_space<vmem>>
    %dma_wait3A_37 = tpu.memref_squeeze %dma_wait3A_36 : memref<1x80xi32, #tpu.memory_space<vmem>> -> memref<80xi32, #tpu.memory_space<vmem>>
    %dma_wait3A_38 = arith.constant 0 : i32
    %dma_wait3A_39 = tpu.memref_slice %arg7[%dma_wait3A_38] : memref<10240xf32, #tpu.memory_space<vmem_shared>> -> memref<10240xf32, #tpu.memory_space<vmem_shared>>
    tpu.wait_indirect_dma semaphore(%arg10 : memref<!tpu.dma_semaphore, #tpu.memory_space<semaphore_mem>>) src(%arg5 : memref<80xf32, #tpu.memory_space<vmem>>) dst(%dma_wait3A_39 : memref<10240xf32, #tpu.memory_space<vmem_shared>>)
    %dma_wait3A_40 = arith.constant 123 : i32
    %dma_wait3A_41 = arith.constant 0 : i32
    %dma_wait3A_42 = tpu.memref_slice %arg4[%dma_wait3A_40, %dma_wait3A_41] : memref<125x80xi32, #tpu.memory_space<vmem>> -> memref<1x80xi32, #tpu.memory_space<vmem>>
    %dma_wait3A_43 = tpu.memref_squeeze %dma_wait3A_42 : memref<1x80xi32, #tpu.memory_space<vmem>> -> memref<80xi32, #tpu.memory_space<vmem>>
    %dma_wait3A_44 = arith.constant 0 : i32
    %dma_wait3A_45 = tpu.memref_slice %arg7[%dma_wait3A_44] : memref<10240xf32, #tpu.memory_space<vmem_shared>> -> memref<10240xf32, #tpu.memory_space<vmem_shared>>
    tpu.wait_indirect_dma semaphore(%arg11 : memref<!tpu.dma_semaphore, #tpu.memory_space<semaphore_mem>>) src(%arg5 : memref<80xf32, #tpu.memory_space<vmem>>) dst(%dma_wait3A_45 : memref<10240xf32, #tpu.memory_space<vmem_shared>>)
    %dma_wait3A_46 = arith.constant 124 : i32
    %dma_wait3A_47 = arith.constant 0 : i32
    %dma_wait3A_48 = tpu.memref_slice %arg4[%dma_wait3A_46, %dma_wait3A_47] : memref<125x80xi32, #tpu.memory_space<vmem>> -> memref<1x80xi32, #tpu.memory_space<vmem>>
    %dma_wait3A_49 = tpu.memref_squeeze %dma_wait3A_48 : memref<1x80xi32, #tpu.memory_space<vmem>> -> memref<80xi32, #tpu.memory_space<vmem>>
    %dma_wait3A_50 = arith.constant 0 : i32
    %dma_wait3A_51 = tpu.memref_slice %arg7[%dma_wait3A_50] : memref<10240xf32, #tpu.memory_space<vmem_shared>> -> memref<10240xf32, #tpu.memory_space<vmem_shared>>
    tpu.wait_indirect_dma semaphore(%arg12 : memref<!tpu.dma_semaphore, #tpu.memory_space<semaphore_mem>>) src(%arg5 : memref<80xf32, #tpu.memory_space<vmem>>) dst(%dma_wait3A_51 : memref<10240xf32, #tpu.memory_space<vmem_shared>>)
    %barrier3A_52 = arith.constant 0 : index
    tpu.barrier barrier_id(%barrier3A_52)
    %mul3A_53 = arith.constant 640 : i32
    %mul3A_54 = arith.muli %arg1, %mul3A_53 : i32
    %mul3A_55 = arith.constant 10240 : i32
    %mul3A_56 = arith.muli %arg0, %mul3A_55 : i32
    %mul3A_57 = arith.constant 640 : i32
    %mul3A_58 = arith.muli %arg1, %mul3A_57 : i32
    %add3A_59 = arith.addi %mul3A_56, %mul3A_58 : i32
    "tpu.region"() ({
      %run_scoped3A = tpu.sem_alloc : memref<!tpu.dma_semaphore, #tpu.memory_space<semaphore_mem>>
      %dma_start3A = tpu.memref_slice %arg3[%add3A_59] : memref<20480xf32, #tpu.memory_space<hbm>> -> memref<640xf32, #tpu.memory_space<hbm>>
      %dma_start3A_60 = tpu.memref_slice %arg7[%mul3A_54] : memref<10240xf32, #tpu.memory_space<vmem_shared>> -> memref<640xf32, #tpu.memory_space<vmem_shared>>
      tpu.enqueue_dma source(%dma_start3A_60 : memref<640xf32, #tpu.memory_space<vmem_shared>>) target(%dma_start3A : memref<640xf32, #tpu.memory_space<hbm>>) target_semaphore(%run_scoped3A : memref<!tpu.dma_semaphore, #tpu.memory_space<semaphore_mem>>)
      %dma_wait3A_61 = tpu.memref_slice %arg3[%add3A_59] : memref<20480xf32, #tpu.memory_space<hbm>> -> memref<640xf32, #tpu.memory_space<hbm>>
      %dma_wait3A_62 = tpu.memref_slice %arg7[%mul3A_54] : memref<10240xf32, #tpu.memory_space<vmem_shared>> -> memref<640xf32, #tpu.memory_space<vmem_shared>>
      tpu.wait_dma2 semaphore(%run_scoped3A : memref<!tpu.dma_semaphore, #tpu.memory_space<semaphore_mem>>) src(%dma_wait3A_62 : memref<640xf32, #tpu.memory_space<vmem_shared>>) dst(%dma_wait3A_61 : memref<640xf32, #tpu.memory_space<hbm>>)
      tpu.yield
    }) : () -> ()
    return
  }
}

#map = affine_map<(d0, d1) -> (0, 0, 0)>
module attributes {stable_mosaic.version = 14 : i64} {
  func.func @_sc_agg(%arg0: i32, %arg1: i32, %arg2: memref<2x10000x64xf32, #tpu.memory_space<hbm>>, %arg3: memref<16x165x128xi32, #tpu.memory_space<hbm>>, %arg4: memref<16x165x128xi32, #tpu.memory_space<hbm>>, %arg5: memref<2x10240x64xf32, #tpu.memory_space<hbm>>, %arg6: memref<165x128xi32, #tpu.memory_space<vmem>>, %arg7: memref<165x128xi32, #tpu.memory_space<vmem>>, %arg8: memref<128x64xf32, #tpu.memory_space<vmem>>, %arg9: memref<128x64xf32, #tpu.memory_space<vmem>>, %arg10: memref<128x64xf32, #tpu.memory_space<vmem>>, %arg11: memref<128x64xf32, #tpu.memory_space<vmem>>, %arg12: memref<128x64xf32, #tpu.memory_space<vmem>>, %arg13: memref<10240x64xf32, #tpu.memory_space<vmem_shared>>, %arg14: memref<!tpu.dma_semaphore, #tpu.memory_space<semaphore_mem>>, %arg15: memref<!tpu.dma_semaphore, #tpu.memory_space<semaphore_mem>>, %arg16: memref<!tpu.dma_semaphore, #tpu.memory_space<semaphore_mem>>, %arg17: memref<!tpu.dma_semaphore, #tpu.memory_space<semaphore_mem>>, %arg18: memref<!tpu.dma_semaphore, #tpu.memory_space<semaphore_mem>>, %arg19: memref<!tpu.dma_semaphore, #tpu.memory_space<semaphore_mem>>, %arg20: memref<!tpu.dma_semaphore, #tpu.memory_space<semaphore_mem>>, %arg21: memref<!tpu.dma_semaphore, #tpu.memory_space<semaphore_mem>>, %arg22: memref<!tpu.dma_semaphore, #tpu.memory_space<semaphore_mem>>, %arg23: memref<!tpu.dma_semaphore, #tpu.memory_space<semaphore_mem>>) attributes {dimension_semantics = [#tpu.dimension_semantics<core_parallel>, #tpu.dimension_semantics<subcore_parallel>], iteration_bounds = array<i64: 2, 16>, scalar_prefetch = 0 : i64, scratch_operands = 18 : i64, tpu.core_type = #tpu.core_type<sc_vector_subcore>, window_params = [{transform_indices = #map}, {transform_indices = #map}, {transform_indices = #map}, {transform_indices = #map}]} {
    %scan3A = arith.constant 0 : i32
    %scan3A_0 = arith.constant 0 : i32
    %scan3A_1 = arith.constant 128 : i32
    %scan3A_2 = arith.addi %scan3A_0, %scan3A_1 : i32
    %scan3A_3 = arith.constant 1 : i32
    %scan3A_4 = scf.for %scan3A_81 = %scan3A_0 to %scan3A_2 step %scan3A_3 iter_args(%scan3A_82 = %scan3A) -> (i32)  : i32 {
      %broadcast_in_dim3A = arith.constant 0.000000e+00 : f32
      %broadcast_in_dim3A_83 = vector.broadcast %broadcast_in_dim3A : f32 to vector<16xf32>
      %swap3A = arith.index_cast %scan3A_81 : i32 to index
      %swap3A_84 = arith.constant 0 : index
      %swap3A_85 = tpu.vector_load %arg8[%swap3A, %swap3A_84] {strides = array<i32>} : memref<128x64xf32, #tpu.memory_space<vmem>>, vector<1x16xf32>,
      %swap3A_86 = vector.shape_cast %swap3A_85 : vector<1x16xf32> to vector<16xf32>
      %swap3A_87 = vector.shape_cast %broadcast_in_dim3A_83 : vector<16xf32> to vector<1x16xf32>
      tpu.vector_store %arg8[%swap3A, %swap3A_84], %swap3A_87 {strides = array<i32>} : memref<128x64xf32, #tpu.memory_space<vmem>>, vector<1x16xf32>,
      %broadcast_in_dim3A_88 = arith.constant 0.000000e+00 : f32
      %broadcast_in_dim3A_89 = vector.broadcast %broadcast_in_dim3A_88 : f32 to vector<16xf32>
      %swap3A_90 = arith.index_cast %scan3A_81 : i32 to index
      %swap3A_91 = arith.constant 16 : index
      %swap3A_92 = tpu.vector_load %arg8[%swap3A_90, %swap3A_91] {strides = array<i32>} : memref<128x64xf32, #tpu.memory_space<vmem>>, vector<1x16xf32>,
      %swap3A_93 = vector.shape_cast %swap3A_92 : vector<1x16xf32> to vector<16xf32>
      %swap3A_94 = vector.shape_cast %broadcast_in_dim3A_89 : vector<16xf32> to vector<1x16xf32>
      tpu.vector_store %arg8[%swap3A_90, %swap3A_91], %swap3A_94 {strides = array<i32>} : memref<128x64xf32, #tpu.memory_space<vmem>>, vector<1x16xf32>,
      %broadcast_in_dim3A_95 = arith.constant 0.000000e+00 : f32
      %broadcast_in_dim3A_96 = vector.broadcast %broadcast_in_dim3A_95 : f32 to vector<16xf32>
      %swap3A_97 = arith.index_cast %scan3A_81 : i32 to index
      %swap3A_98 = arith.constant 32 : index
      %swap3A_99 = tpu.vector_load %arg8[%swap3A_97, %swap3A_98] {strides = array<i32>} : memref<128x64xf32, #tpu.memory_space<vmem>>, vector<1x16xf32>,
      %swap3A_100 = vector.shape_cast %swap3A_99 : vector<1x16xf32> to vector<16xf32>
      %swap3A_101 = vector.shape_cast %broadcast_in_dim3A_96 : vector<16xf32> to vector<1x16xf32>
      tpu.vector_store %arg8[%swap3A_97, %swap3A_98], %swap3A_101 {strides = array<i32>} : memref<128x64xf32, #tpu.memory_space<vmem>>, vector<1x16xf32>,
      %broadcast_in_dim3A_102 = arith.constant 0.000000e+00 : f32
      %broadcast_in_dim3A_103 = vector.broadcast %broadcast_in_dim3A_102 : f32 to vector<16xf32>
      %swap3A_104 = arith.index_cast %scan3A_81 : i32 to index
      %swap3A_105 = arith.constant 48 : index
      %swap3A_106 = tpu.vector_load %arg8[%swap3A_104, %swap3A_105] {strides = array<i32>} : memref<128x64xf32, #tpu.memory_space<vmem>>, vector<1x16xf32>,
      %swap3A_107 = vector.shape_cast %swap3A_106 : vector<1x16xf32> to vector<16xf32>
      %swap3A_108 = vector.shape_cast %broadcast_in_dim3A_103 : vector<16xf32> to vector<1x16xf32>
      tpu.vector_store %arg8[%swap3A_104, %swap3A_105], %swap3A_108 {strides = array<i32>} : memref<128x64xf32, #tpu.memory_space<vmem>>, vector<1x16xf32>,
      %scan3A_109 = arith.constant 0 : i32
      scf.yield %scan3A_109 : i32
    }
    %scan3A_5 = arith.constant 128 : i32
    %mul3A = arith.constant 640 : i32
    %mul3A_6 = arith.muli %arg1, %mul3A : i32
    %add3A = arith.constant 0 : i32
    %add3A_7 = arith.addi %mul3A_6, %add3A : i32
    "tpu.region"() ({
      %run_scoped3A = tpu.sem_alloc : memref<!tpu.dma_semaphore, #tpu.memory_space<semaphore_mem>>
      %dma_start3A_81 = arith.constant 0 : i32
      %dma_start3A_82 = tpu.memref_slice %arg13[%add3A_7, %dma_start3A_81] : memref<10240x64xf32, #tpu.memory_space<vmem_shared>> -> memref<128x64xf32, #tpu.memory_space<vmem_shared>>
      %dma_start3A_83 = arith.constant 0 : i32
      %dma_start3A_84 = tpu.memref_slice %arg13[%add3A_7, %dma_start3A_83] : memref<10240x64xf32, #tpu.memory_space<vmem_shared>> -> memref<128x64xf32, #tpu.memory_space<vmem_shared>>
      tpu.enqueue_dma source(%arg8 : memref<128x64xf32, #tpu.memory_space<vmem>>) target(%dma_start3A_84 : memref<128x64xf32, #tpu.memory_space<vmem_shared>>) target_semaphore(%run_scoped3A : memref<!tpu.dma_semaphore, #tpu.memory_space<semaphore_mem>>)
      %dma_wait3A_85 = arith.constant 0 : i32
      %dma_wait3A_86 = tpu.memref_slice %arg13[%add3A_7, %dma_wait3A_85] : memref<10240x64xf32, #tpu.memory_space<vmem_shared>> -> memref<128x64xf32, #tpu.memory_space<vmem_shared>>
      %dma_wait3A_87 = arith.constant 0 : i32
      %dma_wait3A_88 = tpu.memref_slice %arg13[%add3A_7, %dma_wait3A_87] : memref<10240x64xf32, #tpu.memory_space<vmem_shared>> -> memref<128x64xf32, #tpu.memory_space<vmem_shared>>
      tpu.wait_dma2 semaphore(%run_scoped3A : memref<!tpu.dma_semaphore, #tpu.memory_space<semaphore_mem>>) src(%arg8 : memref<128x64xf32, #tpu.memory_space<vmem>>) dst(%dma_wait3A_88 : memref<128x64xf32, #tpu.memory_space<vmem_shared>>)
      tpu.yield
    }) : () -> ()
    %mul3A_8 = arith.constant 640 : i32
    %mul3A_9 = arith.muli %arg1, %mul3A_8 : i32
    %add3A_10 = arith.constant 128 : i32
    %add3A_11 = arith.addi %mul3A_9, %add3A_10 : i32
    "tpu.region"() ({
      %run_scoped3A = tpu.sem_alloc : memref<!tpu.dma_semaphore, #tpu.memory_space<semaphore_mem>>
      %dma_start3A_81 = arith.constant 0 : i32
      %dma_start3A_82 = tpu.memref_slice %arg13[%add3A_11, %dma_start3A_81] : memref<10240x64xf32, #tpu.memory_space<vmem_shared>> -> memref<128x64xf32, #tpu.memory_space<vmem_shared>>
      %dma_start3A_83 = arith.constant 0 : i32
      %dma_start3A_84 = tpu.memref_slice %arg13[%add3A_11, %dma_start3A_83] : memref<10240x64xf32, #tpu.memory_space<vmem_shared>> -> memref<128x64xf32, #tpu.memory_space<vmem_shared>>
      tpu.enqueue_dma source(%arg8 : memref<128x64xf32, #tpu.memory_space<vmem>>) target(%dma_start3A_84 : memref<128x64xf32, #tpu.memory_space<vmem_shared>>) target_semaphore(%run_scoped3A : memref<!tpu.dma_semaphore, #tpu.memory_space<semaphore_mem>>)
      %dma_wait3A_85 = arith.constant 0 : i32
      %dma_wait3A_86 = tpu.memref_slice %arg13[%add3A_11, %dma_wait3A_85] : memref<10240x64xf32, #tpu.memory_space<vmem_shared>> -> memref<128x64xf32, #tpu.memory_space<vmem_shared>>
      %dma_wait3A_87 = arith.constant 0 : i32
      %dma_wait3A_88 = tpu.memref_slice %arg13[%add3A_11, %dma_wait3A_87] : memref<10240x64xf32, #tpu.memory_space<vmem_shared>> -> memref<128x64xf32, #tpu.memory_space<vmem_shared>>
      tpu.wait_dma2 semaphore(%run_scoped3A : memref<!tpu.dma_semaphore, #tpu.memory_space<semaphore_mem>>) src(%arg8 : memref<128x64xf32, #tpu.memory_space<vmem>>) dst(%dma_wait3A_88 : memref<128x64xf32, #tpu.memory_space<vmem_shared>>)
      tpu.yield
    }) : () -> ()
    %mul3A_12 = arith.constant 640 : i32
    %mul3A_13 = arith.muli %arg1, %mul3A_12 : i32
    %add3A_14 = arith.constant 256 : i32
    %add3A_15 = arith.addi %mul3A_13, %add3A_14 : i32
    "tpu.region"() ({
      %run_scoped3A = tpu.sem_alloc : memref<!tpu.dma_semaphore, #tpu.memory_space<semaphore_mem>>
      %dma_start3A_81 = arith.constant 0 : i32
      %dma_start3A_82 = tpu.memref_slice %arg13[%add3A_15, %dma_start3A_81] : memref<10240x64xf32, #tpu.memory_space<vmem_shared>> -> memref<128x64xf32, #tpu.memory_space<vmem_shared>>
      %dma_start3A_83 = arith.constant 0 : i32
      %dma_start3A_84 = tpu.memref_slice %arg13[%add3A_15, %dma_start3A_83] : memref<10240x64xf32, #tpu.memory_space<vmem_shared>> -> memref<128x64xf32, #tpu.memory_space<vmem_shared>>
      tpu.enqueue_dma source(%arg8 : memref<128x64xf32, #tpu.memory_space<vmem>>) target(%dma_start3A_84 : memref<128x64xf32, #tpu.memory_space<vmem_shared>>) target_semaphore(%run_scoped3A : memref<!tpu.dma_semaphore, #tpu.memory_space<semaphore_mem>>)
      %dma_wait3A_85 = arith.constant 0 : i32
      %dma_wait3A_86 = tpu.memref_slice %arg13[%add3A_15, %dma_wait3A_85] : memref<10240x64xf32, #tpu.memory_space<vmem_shared>> -> memref<128x64xf32, #tpu.memory_space<vmem_shared>>
      %dma_wait3A_87 = arith.constant 0 : i32
      %dma_wait3A_88 = tpu.memref_slice %arg13[%add3A_15, %dma_wait3A_87] : memref<10240x64xf32, #tpu.memory_space<vmem_shared>> -> memref<128x64xf32, #tpu.memory_space<vmem_shared>>
      tpu.wait_dma2 semaphore(%run_scoped3A : memref<!tpu.dma_semaphore, #tpu.memory_space<semaphore_mem>>) src(%arg8 : memref<128x64xf32, #tpu.memory_space<vmem>>) dst(%dma_wait3A_88 : memref<128x64xf32, #tpu.memory_space<vmem_shared>>)
      tpu.yield
    }) : () -> ()
    %mul3A_16 = arith.constant 640 : i32
    %mul3A_17 = arith.muli %arg1, %mul3A_16 : i32
    %add3A_18 = arith.constant 384 : i32
    %add3A_19 = arith.addi %mul3A_17, %add3A_18 : i32
    "tpu.region"() ({
      %run_scoped3A = tpu.sem_alloc : memref<!tpu.dma_semaphore, #tpu.memory_space<semaphore_mem>>
      %dma_start3A_81 = arith.constant 0 : i32
      %dma_start3A_82 = tpu.memref_slice %arg13[%add3A_19, %dma_start3A_81] : memref<10240x64xf32, #tpu.memory_space<vmem_shared>> -> memref<128x64xf32, #tpu.memory_space<vmem_shared>>
      %dma_start3A_83 = arith.constant 0 : i32
      %dma_start3A_84 = tpu.memref_slice %arg13[%add3A_19, %dma_start3A_83] : memref<10240x64xf32, #tpu.memory_space<vmem_shared>> -> memref<128x64xf32, #tpu.memory_space<vmem_shared>>
      tpu.enqueue_dma source(%arg8 : memref<128x64xf32, #tpu.memory_space<vmem>>) target(%dma_start3A_84 : memref<128x64xf32, #tpu.memory_space<vmem_shared>>) target_semaphore(%run_scoped3A : memref<!tpu.dma_semaphore, #tpu.memory_space<semaphore_mem>>)
      %dma_wait3A_85 = arith.constant 0 : i32
      %dma_wait3A_86 = tpu.memref_slice %arg13[%add3A_19, %dma_wait3A_85] : memref<10240x64xf32, #tpu.memory_space<vmem_shared>> -> memref<128x64xf32, #tpu.memory_space<vmem_shared>>
      %dma_wait3A_87 = arith.constant 0 : i32
      %dma_wait3A_88 = tpu.memref_slice %arg13[%add3A_19, %dma_wait3A_87] : memref<10240x64xf32, #tpu.memory_space<vmem_shared>> -> memref<128x64xf32, #tpu.memory_space<vmem_shared>>
      tpu.wait_dma2 semaphore(%run_scoped3A : memref<!tpu.dma_semaphore, #tpu.memory_space<semaphore_mem>>) src(%arg8 : memref<128x64xf32, #tpu.memory_space<vmem>>) dst(%dma_wait3A_88 : memref<128x64xf32, #tpu.memory_space<vmem_shared>>)
      tpu.yield
    }) : () -> ()
    %mul3A_20 = arith.constant 640 : i32
    %mul3A_21 = arith.muli %arg1, %mul3A_20 : i32
    %add3A_22 = arith.constant 512 : i32
    %add3A_23 = arith.addi %mul3A_21, %add3A_22 : i32
    "tpu.region"() ({
      %run_scoped3A = tpu.sem_alloc : memref<!tpu.dma_semaphore, #tpu.memory_space<semaphore_mem>>
      %dma_start3A_81 = arith.constant 0 : i32
      %dma_start3A_82 = tpu.memref_slice %arg13[%add3A_23, %dma_start3A_81] : memref<10240x64xf32, #tpu.memory_space<vmem_shared>> -> memref<128x64xf32, #tpu.memory_space<vmem_shared>>
      %dma_start3A_83 = arith.constant 0 : i32
      %dma_start3A_84 = tpu.memref_slice %arg13[%add3A_23, %dma_start3A_83] : memref<10240x64xf32, #tpu.memory_space<vmem_shared>> -> memref<128x64xf32, #tpu.memory_space<vmem_shared>>
      tpu.enqueue_dma source(%arg8 : memref<128x64xf32, #tpu.memory_space<vmem>>) target(%dma_start3A_84 : memref<128x64xf32, #tpu.memory_space<vmem_shared>>) target_semaphore(%run_scoped3A : memref<!tpu.dma_semaphore, #tpu.memory_space<semaphore_mem>>)
      %dma_wait3A_85 = arith.constant 0 : i32
      %dma_wait3A_86 = tpu.memref_slice %arg13[%add3A_23, %dma_wait3A_85] : memref<10240x64xf32, #tpu.memory_space<vmem_shared>> -> memref<128x64xf32, #tpu.memory_space<vmem_shared>>
      %dma_wait3A_87 = arith.constant 0 : i32
      %dma_wait3A_88 = tpu.memref_slice %arg13[%add3A_23, %dma_wait3A_87] : memref<10240x64xf32, #tpu.memory_space<vmem_shared>> -> memref<128x64xf32, #tpu.memory_space<vmem_shared>>
      tpu.wait_dma2 semaphore(%run_scoped3A : memref<!tpu.dma_semaphore, #tpu.memory_space<semaphore_mem>>) src(%arg8 : memref<128x64xf32, #tpu.memory_space<vmem>>) dst(%dma_wait3A_88 : memref<128x64xf32, #tpu.memory_space<vmem_shared>>)
      tpu.yield
    }) : () -> ()
    "tpu.region"() ({
      %run_scoped3A = tpu.sem_alloc : memref<!tpu.dma_semaphore, #tpu.memory_space<semaphore_mem>>
      %dma_start3A_81 = arith.constant 0 : i32
      %dma_start3A_82 = arith.constant 0 : i32
      %dma_start3A_83 = tpu.memref_slice %arg3[%arg1, %dma_start3A_81, %dma_start3A_82] : memref<16x165x128xi32, #tpu.memory_space<hbm>> -> memref<1x165x128xi32, #tpu.memory_space<hbm>>
      %dma_start3A_84 = tpu.memref_squeeze %dma_start3A_83 : memref<1x165x128xi32, #tpu.memory_space<hbm>> -> memref<165x128xi32, #tpu.memory_space<hbm>>
      %dma_start3A_85 = arith.constant 0 : i32
      %dma_start3A_86 = arith.constant 0 : i32
      %dma_start3A_87 = tpu.memref_slice %arg3[%arg1, %dma_start3A_85, %dma_start3A_86] : memref<16x165x128xi32, #tpu.memory_space<hbm>> -> memref<1x165x128xi32, #tpu.memory_space<hbm>>
      %dma_start3A_88 = tpu.memref_squeeze %dma_start3A_87 : memref<1x165x128xi32, #tpu.memory_space<hbm>> -> memref<165x128xi32, #tpu.memory_space<hbm>>
      tpu.enqueue_dma source(%dma_start3A_88 : memref<165x128xi32, #tpu.memory_space<hbm>>) target(%arg6 : memref<165x128xi32, #tpu.memory_space<vmem>>) target_semaphore(%run_scoped3A : memref<!tpu.dma_semaphore, #tpu.memory_space<semaphore_mem>>)
      %dma_wait3A_89 = arith.constant 0 : i32
      %dma_wait3A_90 = arith.constant 0 : i32
      %dma_wait3A_91 = tpu.memref_slice %arg3[%arg1, %dma_wait3A_89, %dma_wait3A_90] : memref<16x165x128xi32, #tpu.memory_space<hbm>> -> memref<1x165x128xi32, #tpu.memory_space<hbm>>
      %dma_wait3A_92 = tpu.memref_squeeze %dma_wait3A_91 : memref<1x165x128xi32, #tpu.memory_space<hbm>> -> memref<165x128xi32, #tpu.memory_space<hbm>>
      %dma_wait3A_93 = arith.constant 0 : i32
      %dma_wait3A_94 = arith.constant 0 : i32
      %dma_wait3A_95 = tpu.memref_slice %arg3[%arg1, %dma_wait3A_93, %dma_wait3A_94] : memref<16x165x128xi32, #tpu.memory_space<hbm>> -> memref<1x165x128xi32, #tpu.memory_space<hbm>>
      %dma_wait3A_96 = tpu.memref_squeeze %dma_wait3A_95 : memref<1x165x128xi32, #tpu.memory_space<hbm>> -> memref<165x128xi32, #tpu.memory_space<hbm>>
      tpu.wait_dma2 semaphore(%run_scoped3A : memref<!tpu.dma_semaphore, #tpu.memory_space<semaphore_mem>>) src(%dma_wait3A_96 : memref<165x128xi32, #tpu.memory_space<hbm>>) dst(%arg6 : memref<165x128xi32, #tpu.memory_space<vmem>>)
      tpu.yield
    }) : () -> ()
    "tpu.region"() ({
      %run_scoped3A = tpu.sem_alloc : memref<!tpu.dma_semaphore, #tpu.memory_space<semaphore_mem>>
      %dma_start3A_81 = arith.constant 0 : i32
      %dma_start3A_82 = arith.constant 0 : i32
      %dma_start3A_83 = tpu.memref_slice %arg4[%arg1, %dma_start3A_81, %dma_start3A_82] : memref<16x165x128xi32, #tpu.memory_space<hbm>> -> memref<1x165x128xi32, #tpu.memory_space<hbm>>
      %dma_start3A_84 = tpu.memref_squeeze %dma_start3A_83 : memref<1x165x128xi32, #tpu.memory_space<hbm>> -> memref<165x128xi32, #tpu.memory_space<hbm>>
      %dma_start3A_85 = arith.constant 0 : i32
      %dma_start3A_86 = arith.constant 0 : i32
      %dma_start3A_87 = tpu.memref_slice %arg4[%arg1, %dma_start3A_85, %dma_start3A_86] : memref<16x165x128xi32, #tpu.memory_space<hbm>> -> memref<1x165x128xi32, #tpu.memory_space<hbm>>
      %dma_start3A_88 = tpu.memref_squeeze %dma_start3A_87 : memref<1x165x128xi32, #tpu.memory_space<hbm>> -> memref<165x128xi32, #tpu.memory_space<hbm>>
      tpu.enqueue_dma source(%dma_start3A_88 : memref<165x128xi32, #tpu.memory_space<hbm>>) target(%arg7 : memref<165x128xi32, #tpu.memory_space<vmem>>) target_semaphore(%run_scoped3A : memref<!tpu.dma_semaphore, #tpu.memory_space<semaphore_mem>>)
      %dma_wait3A_89 = arith.constant 0 : i32
      %dma_wait3A_90 = arith.constant 0 : i32
      %dma_wait3A_91 = tpu.memref_slice %arg4[%arg1, %dma_wait3A_89, %dma_wait3A_90] : memref<16x165x128xi32, #tpu.memory_space<hbm>> -> memref<1x165x128xi32, #tpu.memory_space<hbm>>
      %dma_wait3A_92 = tpu.memref_squeeze %dma_wait3A_91 : memref<1x165x128xi32, #tpu.memory_space<hbm>> -> memref<165x128xi32, #tpu.memory_space<hbm>>
      %dma_wait3A_93 = arith.constant 0 : i32
      %dma_wait3A_94 = arith.constant 0 : i32
      %dma_wait3A_95 = tpu.memref_slice %arg4[%arg1, %dma_wait3A_93, %dma_wait3A_94] : memref<16x165x128xi32, #tpu.memory_space<hbm>> -> memref<1x165x128xi32, #tpu.memory_space<hbm>>
      %dma_wait3A_96 = tpu.memref_squeeze %dma_wait3A_95 : memref<1x165x128xi32, #tpu.memory_space<hbm>> -> memref<165x128xi32, #tpu.memory_space<hbm>>
      tpu.wait_dma2 semaphore(%run_scoped3A : memref<!tpu.dma_semaphore, #tpu.memory_space<semaphore_mem>>) src(%dma_wait3A_96 : memref<165x128xi32, #tpu.memory_space<hbm>>) dst(%arg7 : memref<165x128xi32, #tpu.memory_space<vmem>>)
      tpu.yield
    }) : () -> ()
    %barrier3A = arith.constant 0 : index
    tpu.barrier barrier_id(%barrier3A)
    %dma_start3A = arith.constant 0 : i32
    %dma_start3A_24 = arith.constant 0 : i32
    %dma_start3A_25 = tpu.memref_slice %arg6[%dma_start3A, %dma_start3A_24] : memref<165x128xi32, #tpu.memory_space<vmem>> -> memref<1x128xi32, #tpu.memory_space<vmem>>
    %dma_start3A_26 = tpu.memref_squeeze %dma_start3A_25 : memref<1x128xi32, #tpu.memory_space<vmem>> -> memref<128xi32, #tpu.memory_space<vmem>>
    %dma_start3A_27 = arith.constant 0 : i32
    %dma_start3A_28 = arith.constant 0 : i32
    %dma_start3A_29 = tpu.memref_slice %arg2[%arg0, %dma_start3A_27, %dma_start3A_28] : memref<2x10000x64xf32, #tpu.memory_space<hbm>> -> memref<1x10000x64xf32, #tpu.memory_space<hbm>>
    %dma_start3A_30 = tpu.memref_squeeze %dma_start3A_29 : memref<1x10000x64xf32, #tpu.memory_space<hbm>> -> memref<10000x64xf32, #tpu.memory_space<hbm>>
    %dma_start3A_31 = arith.constant 0 : i32
    %dma_start3A_32 = arith.constant 0 : i32
    %dma_start3A_33 = tpu.memref_slice %dma_start3A_30[%dma_start3A_31, %dma_start3A_32] : memref<10000x64xf32, #tpu.memory_space<hbm>> -> memref<10000x64xf32, #tpu.memory_space<hbm>>
    tpu.enqueue_indirect_dma source(%dma_start3A_33 : memref<10000x64xf32, #tpu.memory_space<hbm>>) target(%arg8 : memref<128x64xf32, #tpu.memory_space<vmem>>) offsets(%dma_start3A_26 : memref<128xi32, #tpu.memory_space<vmem>>) semaphore(%arg14 : memref<!tpu.dma_semaphore, #tpu.memory_space<semaphore_mem>>)
    %dma_start3A_34 = arith.constant 1 : i32
    %dma_start3A_35 = arith.constant 0 : i32
    %dma_start3A_36 = tpu.memref_slice %arg6[%dma_start3A_34, %dma_start3A_35] : memref<165x128xi32, #tpu.memory_space<vmem>> -> memref<1x128xi32, #tpu.memory_space<vmem>>
    %dma_start3A_37 = tpu.memref_squeeze %dma_start3A_36 : memref<1x128xi32, #tpu.memory_space<vmem>> -> memref<128xi32, #tpu.memory_space<vmem>>
    %dma_start3A_38 = arith.constant 0 : i32
    %dma_start3A_39 = arith.constant 0 : i32
    %dma_start3A_40 = tpu.memref_slice %arg2[%arg0, %dma_start3A_38, %dma_start3A_39] : memref<2x10000x64xf32, #tpu.memory_space<hbm>> -> memref<1x10000x64xf32, #tpu.memory_space<hbm>>
    %dma_start3A_41 = tpu.memref_squeeze %dma_start3A_40 : memref<1x10000x64xf32, #tpu.memory_space<hbm>> -> memref<10000x64xf32, #tpu.memory_space<hbm>>
    %dma_start3A_42 = arith.constant 0 : i32
    %dma_start3A_43 = arith.constant 0 : i32
    %dma_start3A_44 = tpu.memref_slice %dma_start3A_41[%dma_start3A_42, %dma_start3A_43] : memref<10000x64xf32, #tpu.memory_space<hbm>> -> memref<10000x64xf32, #tpu.memory_space<hbm>>
    tpu.enqueue_indirect_dma source(%dma_start3A_44 : memref<10000x64xf32, #tpu.memory_space<hbm>>) target(%arg9 : memref<128x64xf32, #tpu.memory_space<vmem>>) offsets(%dma_start3A_37 : memref<128xi32, #tpu.memory_space<vmem>>) semaphore(%arg15 : memref<!tpu.dma_semaphore, #tpu.memory_space<semaphore_mem>>)
    %dma_start3A_45 = arith.constant 2 : i32
    %dma_start3A_46 = arith.constant 0 : i32
    %dma_start3A_47 = tpu.memref_slice %arg6[%dma_start3A_45, %dma_start3A_46] : memref<165x128xi32, #tpu.memory_space<vmem>> -> memref<1x128xi32, #tpu.memory_space<vmem>>
    %dma_start3A_48 = tpu.memref_squeeze %dma_start3A_47 : memref<1x128xi32, #tpu.memory_space<vmem>> -> memref<128xi32, #tpu.memory_space<vmem>>
    %dma_start3A_49 = arith.constant 0 : i32
    %dma_start3A_50 = arith.constant 0 : i32
    %dma_start3A_51 = tpu.memref_slice %arg2[%arg0, %dma_start3A_49, %dma_start3A_50] : memref<2x10000x64xf32, #tpu.memory_space<hbm>> -> memref<1x10000x64xf32, #tpu.memory_space<hbm>>
    %dma_start3A_52 = tpu.memref_squeeze %dma_start3A_51 : memref<1x10000x64xf32, #tpu.memory_space<hbm>> -> memref<10000x64xf32, #tpu.memory_space<hbm>>
    %dma_start3A_53 = arith.constant 0 : i32
    %dma_start3A_54 = arith.constant 0 : i32
    %dma_start3A_55 = tpu.memref_slice %dma_start3A_52[%dma_start3A_53, %dma_start3A_54] : memref<10000x64xf32, #tpu.memory_space<hbm>> -> memref<10000x64xf32, #tpu.memory_space<hbm>>
    tpu.enqueue_indirect_dma source(%dma_start3A_55 : memref<10000x64xf32, #tpu.memory_space<hbm>>) target(%arg10 : memref<128x64xf32, #tpu.memory_space<vmem>>) offsets(%dma_start3A_48 : memref<128xi32, #tpu.memory_space<vmem>>) semaphore(%arg16 : memref<!tpu.dma_semaphore, #tpu.memory_space<semaphore_mem>>)
    %scan3A_56 = arith.constant 0 : i32
    %scan3A_57 = arith.constant 0 : i32
    %scan3A_58 = arith.constant 33 : i32
    %scan3A_59 = arith.addi %scan3A_57, %scan3A_58 : i32
    %scan3A_60 = arith.constant 1 : i32
    %scan3A_61 = scf.for %scan3A_81 = %scan3A_57 to %scan3A_59 step %scan3A_60 iter_args(%scan3A_82 = %scan3A_56) -> (i32)  : i32 {
      %mul3A_83 = arith.constant 5 : i32
      %mul3A_84 = arith.muli %scan3A_81, %mul3A_83 : i32
      %add3A_85 = arith.constant 0 : i32
      %add3A_86 = arith.addi %mul3A_84, %add3A_85 : i32
      %dma_wait3A_87 = arith.constant 0 : i32
      %dma_wait3A_88 = tpu.memref_slice %arg6[%add3A_86, %dma_wait3A_87] : memref<165x128xi32, #tpu.memory_space<vmem>> -> memref<1x128xi32, #tpu.memory_space<vmem>>
      %dma_wait3A_89 = tpu.memref_squeeze %dma_wait3A_88 : memref<1x128xi32, #tpu.memory_space<vmem>> -> memref<128xi32, #tpu.memory_space<vmem>>
      %dma_wait3A_90 = arith.constant 0 : i32
      %dma_wait3A_91 = arith.constant 0 : i32
      %dma_wait3A_92 = tpu.memref_slice %arg2[%arg0, %dma_wait3A_90, %dma_wait3A_91] : memref<2x10000x64xf32, #tpu.memory_space<hbm>> -> memref<1x10000x64xf32, #tpu.memory_space<hbm>>
      %dma_wait3A_93 = tpu.memref_squeeze %dma_wait3A_92 : memref<1x10000x64xf32, #tpu.memory_space<hbm>> -> memref<10000x64xf32, #tpu.memory_space<hbm>>
      %dma_wait3A_94 = arith.constant 0 : i32
      %dma_wait3A_95 = arith.constant 0 : i32
      %dma_wait3A_96 = tpu.memref_slice %dma_wait3A_93[%dma_wait3A_94, %dma_wait3A_95] : memref<10000x64xf32, #tpu.memory_space<hbm>> -> memref<10000x64xf32, #tpu.memory_space<hbm>>
      tpu.wait_indirect_dma semaphore(%arg14 : memref<!tpu.dma_semaphore, #tpu.memory_space<semaphore_mem>>) src(%dma_wait3A_96 : memref<10000x64xf32, #tpu.memory_space<hbm>>) dst(%arg8 : memref<128x64xf32, #tpu.memory_space<vmem>>)
      %dma_start3A_97 = arith.constant 0 : i32
      %dma_start3A_98 = tpu.memref_slice %arg7[%add3A_86, %dma_start3A_97] : memref<165x128xi32, #tpu.memory_space<vmem>> -> memref<1x128xi32, #tpu.memory_space<vmem>>
      %dma_start3A_99 = tpu.memref_squeeze %dma_start3A_98 : memref<1x128xi32, #tpu.memory_space<vmem>> -> memref<128xi32, #tpu.memory_space<vmem>>
      %dma_start3A_100 = arith.constant 0 : i32
      %dma_start3A_101 = arith.constant 0 : i32
      %dma_start3A_102 = tpu.memref_slice %arg13[%dma_start3A_100, %dma_start3A_101] : memref<10240x64xf32, #tpu.memory_space<vmem_shared>> -> memref<10240x64xf32, #tpu.memory_space<vmem_shared>>
      tpu.enqueue_indirect_dma source(%arg8 : memref<128x64xf32, #tpu.memory_space<vmem>>) target(%dma_start3A_102 : memref<10240x64xf32, #tpu.memory_space<vmem_shared>>) offsets(%dma_start3A_99 : memref<128xi32, #tpu.memory_space<vmem>>) semaphore(%arg19 : memref<!tpu.dma_semaphore, #tpu.memory_space<semaphore_mem>>) {add = true}
      %ge3A = arith.constant 2 : i32
      %ge3A_103 = arith.cmpi sge, %add3A_86, %ge3A : i32
      %convert_element_type3A = arith.extui %ge3A_103 : i1 to i32
      %cond3A = arith.constant 0 : i32
      %cond3A_104 = arith.cmpi ne, %convert_element_type3A, %cond3A : i32
      scf.if %cond3A_104 {
        %sub3A = arith.constant 2 : i32
        %sub3A_240 = arith.subi %add3A_86, %sub3A : i32
        %dma_wait3A_241 = arith.constant 0 : i32
        %dma_wait3A_242 = tpu.memref_slice %arg7[%sub3A_240, %dma_wait3A_241] : memref<165x128xi32, #tpu.memory_space<vmem>> -> memref<1x128xi32, #tpu.memory_space<vmem>>
        %dma_wait3A_243 = tpu.memref_squeeze %dma_wait3A_242 : memref<1x128xi32, #tpu.memory_space<vmem>> -> memref<128xi32, #tpu.memory_space<vmem>>
        %dma_wait3A_244 = arith.constant 0 : i32
        %dma_wait3A_245 = arith.constant 0 : i32
        %dma_wait3A_246 = tpu.memref_slice %arg13[%dma_wait3A_244, %dma_wait3A_245] : memref<10240x64xf32, #tpu.memory_space<vmem_shared>> -> memref<10240x64xf32, #tpu.memory_space<vmem_shared>>
        tpu.wait_indirect_dma semaphore(%arg22 : memref<!tpu.dma_semaphore, #tpu.memory_space<semaphore_mem>>) src(%arg11 : memref<128x64xf32, #tpu.memory_space<vmem>>) dst(%dma_wait3A_246 : memref<10240x64xf32, #tpu.memory_space<vmem_shared>>)
      } else {
      }
      %add3A_105 = arith.constant 3 : i32
      %add3A_106 = arith.addi %add3A_86, %add3A_105 : i32
      %lt3A = arith.constant 165 : i32
      %lt3A_107 = arith.cmpi slt, %add3A_106, %lt3A : i32
      %convert_element_type3A_108 = arith.extui %lt3A_107 : i1 to i32
      %cond3A_109 = arith.constant 0 : i32
      %cond3A_110 = arith.cmpi ne, %convert_element_type3A_108, %cond3A_109 : i32
      scf.if %cond3A_110 {
        %add3A_240 = arith.constant 3 : i32
        %add3A_241 = arith.addi %add3A_86, %add3A_240 : i32
        %dma_start3A_242 = arith.constant 0 : i32
        %dma_start3A_243 = tpu.memref_slice %arg6[%add3A_241, %dma_start3A_242] : memref<165x128xi32, #tpu.memory_space<vmem>> -> memref<1x128xi32, #tpu.memory_space<vmem>>
        %dma_start3A_244 = tpu.memref_squeeze %dma_start3A_243 : memref<1x128xi32, #tpu.memory_space<vmem>> -> memref<128xi32, #tpu.memory_space<vmem>>
        %dma_start3A_245 = arith.constant 0 : i32
        %dma_start3A_246 = arith.constant 0 : i32
        %dma_start3A_247 = tpu.memref_slice %arg2[%arg0, %dma_start3A_245, %dma_start3A_246] : memref<2x10000x64xf32, #tpu.memory_space<hbm>> -> memref<1x10000x64xf32, #tpu.memory_space<hbm>>
        %dma_start3A_248 = tpu.memref_squeeze %dma_start3A_247 : memref<1x10000x64xf32, #tpu.memory_space<hbm>> -> memref<10000x64xf32, #tpu.memory_space<hbm>>
        %dma_start3A_249 = arith.constant 0 : i32
        %dma_start3A_250 = arith.constant 0 : i32
        %dma_start3A_251 = tpu.memref_slice %dma_start3A_248[%dma_start3A_249, %dma_start3A_250] : memref<10000x64xf32, #tpu.memory_space<hbm>> -> memref<10000x64xf32, #tpu.memory_space<hbm>>
        tpu.enqueue_indirect_dma source(%dma_start3A_251 : memref<10000x64xf32, #tpu.memory_space<hbm>>) target(%arg11 : memref<128x64xf32, #tpu.memory_space<vmem>>) offsets(%dma_start3A_244 : memref<128xi32, #tpu.memory_space<vmem>>) semaphore(%arg17 : memref<!tpu.dma_semaphore, #tpu.memory_space<semaphore_mem>>)
      } else {
      }
      %mul3A_111 = arith.constant 5 : i32
      %mul3A_112 = arith.muli %scan3A_81, %mul3A_111 : i32
      %add3A_113 = arith.constant 1 : i32
      %add3A_114 = arith.addi %mul3A_112, %add3A_113 : i32
      %dma_wait3A_115 = arith.constant 0 : i32
      %dma_wait3A_116 = tpu.memref_slice %arg6[%add3A_114, %dma_wait3A_115] : memref<165x128xi32, #tpu.memory_space<vmem>> -> memref<1x128xi32, #tpu.memory_space<vmem>>
      %dma_wait3A_117 = tpu.memref_squeeze %dma_wait3A_116 : memref<1x128xi32, #tpu.memory_space<vmem>> -> memref<128xi32, #tpu.memory_space<vmem>>
      %dma_wait3A_118 = arith.constant 0 : i32
      %dma_wait3A_119 = arith.constant 0 : i32
      %dma_wait3A_120 = tpu.memref_slice %arg2[%arg0, %dma_wait3A_118, %dma_wait3A_119] : memref<2x10000x64xf32, #tpu.memory_space<hbm>> -> memref<1x10000x64xf32, #tpu.memory_space<hbm>>
      %dma_wait3A_121 = tpu.memref_squeeze %dma_wait3A_120 : memref<1x10000x64xf32, #tpu.memory_space<hbm>> -> memref<10000x64xf32, #tpu.memory_space<hbm>>
      %dma_wait3A_122 = arith.constant 0 : i32
      %dma_wait3A_123 = arith.constant 0 : i32
      %dma_wait3A_124 = tpu.memref_slice %dma_wait3A_121[%dma_wait3A_122, %dma_wait3A_123] : memref<10000x64xf32, #tpu.memory_space<hbm>> -> memref<10000x64xf32, #tpu.memory_space<hbm>>
      tpu.wait_indirect_dma semaphore(%arg15 : memref<!tpu.dma_semaphore, #tpu.memory_space<semaphore_mem>>) src(%dma_wait3A_124 : memref<10000x64xf32, #tpu.memory_space<hbm>>) dst(%arg9 : memref<128x64xf32, #tpu.memory_space<vmem>>)
      %dma_start3A_125 = arith.constant 0 : i32
      %dma_start3A_126 = tpu.memref_slice %arg7[%add3A_114, %dma_start3A_125] : memref<165x128xi32, #tpu.memory_space<vmem>> -> memref<1x128xi32, #tpu.memory_space<vmem>>
      %dma_start3A_127 = tpu.memref_squeeze %dma_start3A_126 : memref<1x128xi32, #tpu.memory_space<vmem>> -> memref<128xi32, #tpu.memory_space<vmem>>
      %dma_start3A_128 = arith.constant 0 : i32
      %dma_start3A_129 = arith.constant 0 : i32
      %dma_start3A_130 = tpu.memref_slice %arg13[%dma_start3A_128, %dma_start3A_129] : memref<10240x64xf32, #tpu.memory_space<vmem_shared>> -> memref<10240x64xf32, #tpu.memory_space<vmem_shared>>
      tpu.enqueue_indirect_dma source(%arg9 : memref<128x64xf32, #tpu.memory_space<vmem>>) target(%dma_start3A_130 : memref<10240x64xf32, #tpu.memory_space<vmem_shared>>) offsets(%dma_start3A_127 : memref<128xi32, #tpu.memory_space<vmem>>) semaphore(%arg20 : memref<!tpu.dma_semaphore, #tpu.memory_space<semaphore_mem>>) {add = true}
      %ge3A_131 = arith.constant 2 : i32
      %ge3A_132 = arith.cmpi sge, %add3A_114, %ge3A_131 : i32
      %convert_element_type3A_133 = arith.extui %ge3A_132 : i1 to i32
      %cond3A_134 = arith.constant 0 : i32
      %cond3A_135 = arith.cmpi ne, %convert_element_type3A_133, %cond3A_134 : i32
      scf.if %cond3A_135 {
        %sub3A = arith.constant 2 : i32
        %sub3A_240 = arith.subi %add3A_114, %sub3A : i32
        %dma_wait3A_241 = arith.constant 0 : i32
        %dma_wait3A_242 = tpu.memref_slice %arg7[%sub3A_240, %dma_wait3A_241] : memref<165x128xi32, #tpu.memory_space<vmem>> -> memref<1x128xi32, #tpu.memory_space<vmem>>
        %dma_wait3A_243 = tpu.memref_squeeze %dma_wait3A_242 : memref<1x128xi32, #tpu.memory_space<vmem>> -> memref<128xi32, #tpu.memory_space<vmem>>
        %dma_wait3A_244 = arith.constant 0 : i32
        %dma_wait3A_245 = arith.constant 0 : i32
        %dma_wait3A_246 = tpu.memref_slice %arg13[%dma_wait3A_244, %dma_wait3A_245] : memref<10240x64xf32, #tpu.memory_space<vmem_shared>> -> memref<10240x64xf32, #tpu.memory_space<vmem_shared>>
        tpu.wait_indirect_dma semaphore(%arg23 : memref<!tpu.dma_semaphore, #tpu.memory_space<semaphore_mem>>) src(%arg12 : memref<128x64xf32, #tpu.memory_space<vmem>>) dst(%dma_wait3A_246 : memref<10240x64xf32, #tpu.memory_space<vmem_shared>>)
      } else {
      }
      %add3A_136 = arith.constant 3 : i32
      %add3A_137 = arith.addi %add3A_114, %add3A_136 : i32
      %lt3A_138 = arith.constant 165 : i32
      %lt3A_139 = arith.cmpi slt, %add3A_137, %lt3A_138 : i32
      %convert_element_type3A_140 = arith.extui %lt3A_139 : i1 to i32
      %cond3A_141 = arith.constant 0 : i32
      %cond3A_142 = arith.cmpi ne, %convert_element_type3A_140, %cond3A_141 : i32
      scf.if %cond3A_142 {
        %add3A_240 = arith.constant 3 : i32
        %add3A_241 = arith.addi %add3A_114, %add3A_240 : i32
        %dma_start3A_242 = arith.constant 0 : i32
        %dma_start3A_243 = tpu.memref_slice %arg6[%add3A_241, %dma_start3A_242] : memref<165x128xi32, #tpu.memory_space<vmem>> -> memref<1x128xi32, #tpu.memory_space<vmem>>
        %dma_start3A_244 = tpu.memref_squeeze %dma_start3A_243 : memref<1x128xi32, #tpu.memory_space<vmem>> -> memref<128xi32, #tpu.memory_space<vmem>>
        %dma_start3A_245 = arith.constant 0 : i32
        %dma_start3A_246 = arith.constant 0 : i32
        %dma_start3A_247 = tpu.memref_slice %arg2[%arg0, %dma_start3A_245, %dma_start3A_246] : memref<2x10000x64xf32, #tpu.memory_space<hbm>> -> memref<1x10000x64xf32, #tpu.memory_space<hbm>>
        %dma_start3A_248 = tpu.memref_squeeze %dma_start3A_247 : memref<1x10000x64xf32, #tpu.memory_space<hbm>> -> memref<10000x64xf32, #tpu.memory_space<hbm>>
        %dma_start3A_249 = arith.constant 0 : i32
        %dma_start3A_250 = arith.constant 0 : i32
        %dma_start3A_251 = tpu.memref_slice %dma_start3A_248[%dma_start3A_249, %dma_start3A_250] : memref<10000x64xf32, #tpu.memory_space<hbm>> -> memref<10000x64xf32, #tpu.memory_space<hbm>>
        tpu.enqueue_indirect_dma source(%dma_start3A_251 : memref<10000x64xf32, #tpu.memory_space<hbm>>) target(%arg12 : memref<128x64xf32, #tpu.memory_space<vmem>>) offsets(%dma_start3A_244 : memref<128xi32, #tpu.memory_space<vmem>>) semaphore(%arg18 : memref<!tpu.dma_semaphore, #tpu.memory_space<semaphore_mem>>)
      } else {
      }
      %mul3A_143 = arith.constant 5 : i32
      %mul3A_144 = arith.muli %scan3A_81, %mul3A_143 : i32
      %add3A_145 = arith.constant 2 : i32
      %add3A_146 = arith.addi %mul3A_144, %add3A_145 : i32
      %dma_wait3A_147 = arith.constant 0 : i32
      %dma_wait3A_148 = tpu.memref_slice %arg6[%add3A_146, %dma_wait3A_147] : memref<165x128xi32, #tpu.memory_space<vmem>> -> memref<1x128xi32, #tpu.memory_space<vmem>>
      %dma_wait3A_149 = tpu.memref_squeeze %dma_wait3A_148 : memref<1x128xi32, #tpu.memory_space<vmem>> -> memref<128xi32, #tpu.memory_space<vmem>>
      %dma_wait3A_150 = arith.constant 0 : i32
      %dma_wait3A_151 = arith.constant 0 : i32
      %dma_wait3A_152 = tpu.memref_slice %arg2[%arg0, %dma_wait3A_150, %dma_wait3A_151] : memref<2x10000x64xf32, #tpu.memory_space<hbm>> -> memref<1x10000x64xf32, #tpu.memory_space<hbm>>
      %dma_wait3A_153 = tpu.memref_squeeze %dma_wait3A_152 : memref<1x10000x64xf32, #tpu.memory_space<hbm>> -> memref<10000x64xf32, #tpu.memory_space<hbm>>
      %dma_wait3A_154 = arith.constant 0 : i32
      %dma_wait3A_155 = arith.constant 0 : i32
      %dma_wait3A_156 = tpu.memref_slice %dma_wait3A_153[%dma_wait3A_154, %dma_wait3A_155] : memref<10000x64xf32, #tpu.memory_space<hbm>> -> memref<10000x64xf32, #tpu.memory_space<hbm>>
      tpu.wait_indirect_dma semaphore(%arg16 : memref<!tpu.dma_semaphore, #tpu.memory_space<semaphore_mem>>) src(%dma_wait3A_156 : memref<10000x64xf32, #tpu.memory_space<hbm>>) dst(%arg10 : memref<128x64xf32, #tpu.memory_space<vmem>>)
      %dma_start3A_157 = arith.constant 0 : i32
      %dma_start3A_158 = tpu.memref_slice %arg7[%add3A_146, %dma_start3A_157] : memref<165x128xi32, #tpu.memory_space<vmem>> -> memref<1x128xi32, #tpu.memory_space<vmem>>
      %dma_start3A_159 = tpu.memref_squeeze %dma_start3A_158 : memref<1x128xi32, #tpu.memory_space<vmem>> -> memref<128xi32, #tpu.memory_space<vmem>>
      %dma_start3A_160 = arith.constant 0 : i32
      %dma_start3A_161 = arith.constant 0 : i32
      %dma_start3A_162 = tpu.memref_slice %arg13[%dma_start3A_160, %dma_start3A_161] : memref<10240x64xf32, #tpu.memory_space<vmem_shared>> -> memref<10240x64xf32, #tpu.memory_space<vmem_shared>>
      tpu.enqueue_indirect_dma source(%arg10 : memref<128x64xf32, #tpu.memory_space<vmem>>) target(%dma_start3A_162 : memref<10240x64xf32, #tpu.memory_space<vmem_shared>>) offsets(%dma_start3A_159 : memref<128xi32, #tpu.memory_space<vmem>>) semaphore(%arg21 : memref<!tpu.dma_semaphore, #tpu.memory_space<semaphore_mem>>) {add = true}
      %ge3A_163 = arith.constant 2 : i32
      %ge3A_164 = arith.cmpi sge, %add3A_146, %ge3A_163 : i32
      %convert_element_type3A_165 = arith.extui %ge3A_164 : i1 to i32
      %cond3A_166 = arith.constant 0 : i32
      %cond3A_167 = arith.cmpi ne, %convert_element_type3A_165, %cond3A_166 : i32
      scf.if %cond3A_167 {
        %sub3A = arith.constant 2 : i32
        %sub3A_240 = arith.subi %add3A_146, %sub3A : i32
        %dma_wait3A_241 = arith.constant 0 : i32
        %dma_wait3A_242 = tpu.memref_slice %arg7[%sub3A_240, %dma_wait3A_241] : memref<165x128xi32, #tpu.memory_space<vmem>> -> memref<1x128xi32, #tpu.memory_space<vmem>>
        %dma_wait3A_243 = tpu.memref_squeeze %dma_wait3A_242 : memref<1x128xi32, #tpu.memory_space<vmem>> -> memref<128xi32, #tpu.memory_space<vmem>>
        %dma_wait3A_244 = arith.constant 0 : i32
        %dma_wait3A_245 = arith.constant 0 : i32
        %dma_wait3A_246 = tpu.memref_slice %arg13[%dma_wait3A_244, %dma_wait3A_245] : memref<10240x64xf32, #tpu.memory_space<vmem_shared>> -> memref<10240x64xf32, #tpu.memory_space<vmem_shared>>
        tpu.wait_indirect_dma semaphore(%arg19 : memref<!tpu.dma_semaphore, #tpu.memory_space<semaphore_mem>>) src(%arg8 : memref<128x64xf32, #tpu.memory_space<vmem>>) dst(%dma_wait3A_246 : memref<10240x64xf32, #tpu.memory_space<vmem_shared>>)
      } else {
      }
      %add3A_168 = arith.constant 3 : i32
      %add3A_169 = arith.addi %add3A_146, %add3A_168 : i32
      %lt3A_170 = arith.constant 165 : i32
      %lt3A_171 = arith.cmpi slt, %add3A_169, %lt3A_170 : i32
      %convert_element_type3A_172 = arith.extui %lt3A_171 : i1 to i32
      %cond3A_173 = arith.constant 0 : i32
      %cond3A_174 = arith.cmpi ne, %convert_element_type3A_172, %cond3A_173 : i32
      scf.if %cond3A_174 {
        %add3A_240 = arith.constant 3 : i32
        %add3A_241 = arith.addi %add3A_146, %add3A_240 : i32
        %dma_start3A_242 = arith.constant 0 : i32
        %dma_start3A_243 = tpu.memref_slice %arg6[%add3A_241, %dma_start3A_242] : memref<165x128xi32, #tpu.memory_space<vmem>> -> memref<1x128xi32, #tpu.memory_space<vmem>>
        %dma_start3A_244 = tpu.memref_squeeze %dma_start3A_243 : memref<1x128xi32, #tpu.memory_space<vmem>> -> memref<128xi32, #tpu.memory_space<vmem>>
        %dma_start3A_245 = arith.constant 0 : i32
        %dma_start3A_246 = arith.constant 0 : i32
        %dma_start3A_247 = tpu.memref_slice %arg2[%arg0, %dma_start3A_245, %dma_start3A_246] : memref<2x10000x64xf32, #tpu.memory_space<hbm>> -> memref<1x10000x64xf32, #tpu.memory_space<hbm>>
        %dma_start3A_248 = tpu.memref_squeeze %dma_start3A_247 : memref<1x10000x64xf32, #tpu.memory_space<hbm>> -> memref<10000x64xf32, #tpu.memory_space<hbm>>
        %dma_start3A_249 = arith.constant 0 : i32
        %dma_start3A_250 = arith.constant 0 : i32
        %dma_start3A_251 = tpu.memref_slice %dma_start3A_248[%dma_start3A_249, %dma_start3A_250] : memref<10000x64xf32, #tpu.memory_space<hbm>> -> memref<10000x64xf32, #tpu.memory_space<hbm>>
        tpu.enqueue_indirect_dma source(%dma_start3A_251 : memref<10000x64xf32, #tpu.memory_space<hbm>>) target(%arg8 : memref<128x64xf32, #tpu.memory_space<vmem>>) offsets(%dma_start3A_244 : memref<128xi32, #tpu.memory_space<vmem>>) semaphore(%arg14 : memref<!tpu.dma_semaphore, #tpu.memory_space<semaphore_mem>>)
      } else {
      }
      %mul3A_175 = arith.constant 5 : i32
      %mul3A_176 = arith.muli %scan3A_81, %mul3A_175 : i32
      %add3A_177 = arith.constant 3 : i32
      %add3A_178 = arith.addi %mul3A_176, %add3A_177 : i32
      %dma_wait3A_179 = arith.constant 0 : i32
      %dma_wait3A_180 = tpu.memref_slice %arg6[%add3A_178, %dma_wait3A_179] : memref<165x128xi32, #tpu.memory_space<vmem>> -> memref<1x128xi32, #tpu.memory_space<vmem>>
      %dma_wait3A_181 = tpu.memref_squeeze %dma_wait3A_180 : memref<1x128xi32, #tpu.memory_space<vmem>> -> memref<128xi32, #tpu.memory_space<vmem>>
      %dma_wait3A_182 = arith.constant 0 : i32
      %dma_wait3A_183 = arith.constant 0 : i32
      %dma_wait3A_184 = tpu.memref_slice %arg2[%arg0, %dma_wait3A_182, %dma_wait3A_183] : memref<2x10000x64xf32, #tpu.memory_space<hbm>> -> memref<1x10000x64xf32, #tpu.memory_space<hbm>>
      %dma_wait3A_185 = tpu.memref_squeeze %dma_wait3A_184 : memref<1x10000x64xf32, #tpu.memory_space<hbm>> -> memref<10000x64xf32, #tpu.memory_space<hbm>>
      %dma_wait3A_186 = arith.constant 0 : i32
      %dma_wait3A_187 = arith.constant 0 : i32
      %dma_wait3A_188 = tpu.memref_slice %dma_wait3A_185[%dma_wait3A_186, %dma_wait3A_187] : memref<10000x64xf32, #tpu.memory_space<hbm>> -> memref<10000x64xf32, #tpu.memory_space<hbm>>
      tpu.wait_indirect_dma semaphore(%arg17 : memref<!tpu.dma_semaphore, #tpu.memory_space<semaphore_mem>>) src(%dma_wait3A_188 : memref<10000x64xf32, #tpu.memory_space<hbm>>) dst(%arg11 : memref<128x64xf32, #tpu.memory_space<vmem>>)
      %dma_start3A_189 = arith.constant 0 : i32
      %dma_start3A_190 = tpu.memref_slice %arg7[%add3A_178, %dma_start3A_189] : memref<165x128xi32, #tpu.memory_space<vmem>> -> memref<1x128xi32, #tpu.memory_space<vmem>>
      %dma_start3A_191 = tpu.memref_squeeze %dma_start3A_190 : memref<1x128xi32, #tpu.memory_space<vmem>> -> memref<128xi32, #tpu.memory_space<vmem>>
      %dma_start3A_192 = arith.constant 0 : i32
      %dma_start3A_193 = arith.constant 0 : i32
      %dma_start3A_194 = tpu.memref_slice %arg13[%dma_start3A_192, %dma_start3A_193] : memref<10240x64xf32, #tpu.memory_space<vmem_shared>> -> memref<10240x64xf32, #tpu.memory_space<vmem_shared>>
      tpu.enqueue_indirect_dma source(%arg11 : memref<128x64xf32, #tpu.memory_space<vmem>>) target(%dma_start3A_194 : memref<10240x64xf32, #tpu.memory_space<vmem_shared>>) offsets(%dma_start3A_191 : memref<128xi32, #tpu.memory_space<vmem>>) semaphore(%arg22 : memref<!tpu.dma_semaphore, #tpu.memory_space<semaphore_mem>>) {add = true}
      %ge3A_195 = arith.constant 2 : i32
      %ge3A_196 = arith.cmpi sge, %add3A_178, %ge3A_195 : i32
      %convert_element_type3A_197 = arith.extui %ge3A_196 : i1 to i32
      %cond3A_198 = arith.constant 0 : i32
      %cond3A_199 = arith.cmpi ne, %convert_element_type3A_197, %cond3A_198 : i32
      scf.if %cond3A_199 {
        %sub3A = arith.constant 2 : i32
        %sub3A_240 = arith.subi %add3A_178, %sub3A : i32
        %dma_wait3A_241 = arith.constant 0 : i32
        %dma_wait3A_242 = tpu.memref_slice %arg7[%sub3A_240, %dma_wait3A_241] : memref<165x128xi32, #tpu.memory_space<vmem>> -> memref<1x128xi32, #tpu.memory_space<vmem>>
        %dma_wait3A_243 = tpu.memref_squeeze %dma_wait3A_242 : memref<1x128xi32, #tpu.memory_space<vmem>> -> memref<128xi32, #tpu.memory_space<vmem>>
        %dma_wait3A_244 = arith.constant 0 : i32
        %dma_wait3A_245 = arith.constant 0 : i32
        %dma_wait3A_246 = tpu.memref_slice %arg13[%dma_wait3A_244, %dma_wait3A_245] : memref<10240x64xf32, #tpu.memory_space<vmem_shared>> -> memref<10240x64xf32, #tpu.memory_space<vmem_shared>>
        tpu.wait_indirect_dma semaphore(%arg20 : memref<!tpu.dma_semaphore, #tpu.memory_space<semaphore_mem>>) src(%arg9 : memref<128x64xf32, #tpu.memory_space<vmem>>) dst(%dma_wait3A_246 : memref<10240x64xf32, #tpu.memory_space<vmem_shared>>)
      } else {
      }
      %add3A_200 = arith.constant 3 : i32
      %add3A_201 = arith.addi %add3A_178, %add3A_200 : i32
      %lt3A_202 = arith.constant 165 : i32
      %lt3A_203 = arith.cmpi slt, %add3A_201, %lt3A_202 : i32
      %convert_element_type3A_204 = arith.extui %lt3A_203 : i1 to i32
      %cond3A_205 = arith.constant 0 : i32
      %cond3A_206 = arith.cmpi ne, %convert_element_type3A_204, %cond3A_205 : i32
      scf.if %cond3A_206 {
        %add3A_240 = arith.constant 3 : i32
        %add3A_241 = arith.addi %add3A_178, %add3A_240 : i32
        %dma_start3A_242 = arith.constant 0 : i32
        %dma_start3A_243 = tpu.memref_slice %arg6[%add3A_241, %dma_start3A_242] : memref<165x128xi32, #tpu.memory_space<vmem>> -> memref<1x128xi32, #tpu.memory_space<vmem>>
        %dma_start3A_244 = tpu.memref_squeeze %dma_start3A_243 : memref<1x128xi32, #tpu.memory_space<vmem>> -> memref<128xi32, #tpu.memory_space<vmem>>
        %dma_start3A_245 = arith.constant 0 : i32
        %dma_start3A_246 = arith.constant 0 : i32
        %dma_start3A_247 = tpu.memref_slice %arg2[%arg0, %dma_start3A_245, %dma_start3A_246] : memref<2x10000x64xf32, #tpu.memory_space<hbm>> -> memref<1x10000x64xf32, #tpu.memory_space<hbm>>
        %dma_start3A_248 = tpu.memref_squeeze %dma_start3A_247 : memref<1x10000x64xf32, #tpu.memory_space<hbm>> -> memref<10000x64xf32, #tpu.memory_space<hbm>>
        %dma_start3A_249 = arith.constant 0 : i32
        %dma_start3A_250 = arith.constant 0 : i32
        %dma_start3A_251 = tpu.memref_slice %dma_start3A_248[%dma_start3A_249, %dma_start3A_250] : memref<10000x64xf32, #tpu.memory_space<hbm>> -> memref<10000x64xf32, #tpu.memory_space<hbm>>
        tpu.enqueue_indirect_dma source(%dma_start3A_251 : memref<10000x64xf32, #tpu.memory_space<hbm>>) target(%arg9 : memref<128x64xf32, #tpu.memory_space<vmem>>) offsets(%dma_start3A_244 : memref<128xi32, #tpu.memory_space<vmem>>) semaphore(%arg15 : memref<!tpu.dma_semaphore, #tpu.memory_space<semaphore_mem>>)
      } else {
      }
      %mul3A_207 = arith.constant 5 : i32
      %mul3A_208 = arith.muli %scan3A_81, %mul3A_207 : i32
      %add3A_209 = arith.constant 4 : i32
      %add3A_210 = arith.addi %mul3A_208, %add3A_209 : i32
      %dma_wait3A_211 = arith.constant 0 : i32
      %dma_wait3A_212 = tpu.memref_slice %arg6[%add3A_210, %dma_wait3A_211] : memref<165x128xi32, #tpu.memory_space<vmem>> -> memref<1x128xi32, #tpu.memory_space<vmem>>
      %dma_wait3A_213 = tpu.memref_squeeze %dma_wait3A_212 : memref<1x128xi32, #tpu.memory_space<vmem>> -> memref<128xi32, #tpu.memory_space<vmem>>
      %dma_wait3A_214 = arith.constant 0 : i32
      %dma_wait3A_215 = arith.constant 0 : i32
      %dma_wait3A_216 = tpu.memref_slice %arg2[%arg0, %dma_wait3A_214, %dma_wait3A_215] : memref<2x10000x64xf32, #tpu.memory_space<hbm>> -> memref<1x10000x64xf32, #tpu.memory_space<hbm>>
      %dma_wait3A_217 = tpu.memref_squeeze %dma_wait3A_216 : memref<1x10000x64xf32, #tpu.memory_space<hbm>> -> memref<10000x64xf32, #tpu.memory_space<hbm>>
      %dma_wait3A_218 = arith.constant 0 : i32
      %dma_wait3A_219 = arith.constant 0 : i32
      %dma_wait3A_220 = tpu.memref_slice %dma_wait3A_217[%dma_wait3A_218, %dma_wait3A_219] : memref<10000x64xf32, #tpu.memory_space<hbm>> -> memref<10000x64xf32, #tpu.memory_space<hbm>>
      tpu.wait_indirect_dma semaphore(%arg18 : memref<!tpu.dma_semaphore, #tpu.memory_space<semaphore_mem>>) src(%dma_wait3A_220 : memref<10000x64xf32, #tpu.memory_space<hbm>>) dst(%arg12 : memref<128x64xf32, #tpu.memory_space<vmem>>)
      %dma_start3A_221 = arith.constant 0 : i32
      %dma_start3A_222 = tpu.memref_slice %arg7[%add3A_210, %dma_start3A_221] : memref<165x128xi32, #tpu.memory_space<vmem>> -> memref<1x128xi32, #tpu.memory_space<vmem>>
      %dma_start3A_223 = tpu.memref_squeeze %dma_start3A_222 : memref<1x128xi32, #tpu.memory_space<vmem>> -> memref<128xi32, #tpu.memory_space<vmem>>
      %dma_start3A_224 = arith.constant 0 : i32
      %dma_start3A_225 = arith.constant 0 : i32
      %dma_start3A_226 = tpu.memref_slice %arg13[%dma_start3A_224, %dma_start3A_225] : memref<10240x64xf32, #tpu.memory_space<vmem_shared>> -> memref<10240x64xf32, #tpu.memory_space<vmem_shared>>
      tpu.enqueue_indirect_dma source(%arg12 : memref<128x64xf32, #tpu.memory_space<vmem>>) target(%dma_start3A_226 : memref<10240x64xf32, #tpu.memory_space<vmem_shared>>) offsets(%dma_start3A_223 : memref<128xi32, #tpu.memory_space<vmem>>) semaphore(%arg23 : memref<!tpu.dma_semaphore, #tpu.memory_space<semaphore_mem>>) {add = true}
      %ge3A_227 = arith.constant 2 : i32
      %ge3A_228 = arith.cmpi sge, %add3A_210, %ge3A_227 : i32
      %convert_element_type3A_229 = arith.extui %ge3A_228 : i1 to i32
      %cond3A_230 = arith.constant 0 : i32
      %cond3A_231 = arith.cmpi ne, %convert_element_type3A_229, %cond3A_230 : i32
      scf.if %cond3A_231 {
        %sub3A = arith.constant 2 : i32
        %sub3A_240 = arith.subi %add3A_210, %sub3A : i32
        %dma_wait3A_241 = arith.constant 0 : i32
        %dma_wait3A_242 = tpu.memref_slice %arg7[%sub3A_240, %dma_wait3A_241] : memref<165x128xi32, #tpu.memory_space<vmem>> -> memref<1x128xi32, #tpu.memory_space<vmem>>
        %dma_wait3A_243 = tpu.memref_squeeze %dma_wait3A_242 : memref<1x128xi32, #tpu.memory_space<vmem>> -> memref<128xi32, #tpu.memory_space<vmem>>
        %dma_wait3A_244 = arith.constant 0 : i32
        %dma_wait3A_245 = arith.constant 0 : i32
        %dma_wait3A_246 = tpu.memref_slice %arg13[%dma_wait3A_244, %dma_wait3A_245] : memref<10240x64xf32, #tpu.memory_space<vmem_shared>> -> memref<10240x64xf32, #tpu.memory_space<vmem_shared>>
        tpu.wait_indirect_dma semaphore(%arg21 : memref<!tpu.dma_semaphore, #tpu.memory_space<semaphore_mem>>) src(%arg10 : memref<128x64xf32, #tpu.memory_space<vmem>>) dst(%dma_wait3A_246 : memref<10240x64xf32, #tpu.memory_space<vmem_shared>>)
      } else {
      }
      %add3A_232 = arith.constant 3 : i32
      %add3A_233 = arith.addi %add3A_210, %add3A_232 : i32
      %lt3A_234 = arith.constant 165 : i32
      %lt3A_235 = arith.cmpi slt, %add3A_233, %lt3A_234 : i32
      %convert_element_type3A_236 = arith.extui %lt3A_235 : i1 to i32
      %cond3A_237 = arith.constant 0 : i32
      %cond3A_238 = arith.cmpi ne, %convert_element_type3A_236, %cond3A_237 : i32
      scf.if %cond3A_238 {
        %add3A_240 = arith.constant 3 : i32
        %add3A_241 = arith.addi %add3A_210, %add3A_240 : i32
        %dma_start3A_242 = arith.constant 0 : i32
        %dma_start3A_243 = tpu.memref_slice %arg6[%add3A_241, %dma_start3A_242] : memref<165x128xi32, #tpu.memory_space<vmem>> -> memref<1x128xi32, #tpu.memory_space<vmem>>
        %dma_start3A_244 = tpu.memref_squeeze %dma_start3A_243 : memref<1x128xi32, #tpu.memory_space<vmem>> -> memref<128xi32, #tpu.memory_space<vmem>>
        %dma_start3A_245 = arith.constant 0 : i32
        %dma_start3A_246 = arith.constant 0 : i32
        %dma_start3A_247 = tpu.memref_slice %arg2[%arg0, %dma_start3A_245, %dma_start3A_246] : memref<2x10000x64xf32, #tpu.memory_space<hbm>> -> memref<1x10000x64xf32, #tpu.memory_space<hbm>>
        %dma_start3A_248 = tpu.memref_squeeze %dma_start3A_247 : memref<1x10000x64xf32, #tpu.memory_space<hbm>> -> memref<10000x64xf32, #tpu.memory_space<hbm>>
        %dma_start3A_249 = arith.constant 0 : i32
        %dma_start3A_250 = arith.constant 0 : i32
        %dma_start3A_251 = tpu.memref_slice %dma_start3A_248[%dma_start3A_249, %dma_start3A_250] : memref<10000x64xf32, #tpu.memory_space<hbm>> -> memref<10000x64xf32, #tpu.memory_space<hbm>>
        tpu.enqueue_indirect_dma source(%dma_start3A_251 : memref<10000x64xf32, #tpu.memory_space<hbm>>) target(%arg10 : memref<128x64xf32, #tpu.memory_space<vmem>>) offsets(%dma_start3A_244 : memref<128xi32, #tpu.memory_space<vmem>>) semaphore(%arg16 : memref<!tpu.dma_semaphore, #tpu.memory_space<semaphore_mem>>)
      } else {
      }
      %scan3A_239 = arith.constant 0 : i32
      scf.yield %scan3A_239 : i32
    }
    %scan3A_62 = arith.constant 33 : i32
    %dma_wait3A = arith.constant 163 : i32
    %dma_wait3A_63 = arith.constant 0 : i32
    %dma_wait3A_64 = tpu.memref_slice %arg7[%dma_wait3A, %dma_wait3A_63] : memref<165x128xi32, #tpu.memory_space<vmem>> -> memref<1x128xi32, #tpu.memory_space<vmem>>
    %dma_wait3A_65 = tpu.memref_squeeze %dma_wait3A_64 : memref<1x128xi32, #tpu.memory_space<vmem>> -> memref<128xi32, #tpu.memory_space<vmem>>
    %dma_wait3A_66 = arith.constant 0 : i32
    %dma_wait3A_67 = arith.constant 0 : i32
    %dma_wait3A_68 = tpu.memref_slice %arg13[%dma_wait3A_66, %dma_wait3A_67] : memref<10240x64xf32, #tpu.memory_space<vmem_shared>> -> memref<10240x64xf32, #tpu.memory_space<vmem_shared>>
    tpu.wait_indirect_dma semaphore(%arg22 : memref<!tpu.dma_semaphore, #tpu.memory_space<semaphore_mem>>) src(%arg11 : memref<128x64xf32, #tpu.memory_space<vmem>>) dst(%dma_wait3A_68 : memref<10240x64xf32, #tpu.memory_space<vmem_shared>>)
    %dma_wait3A_69 = arith.constant 164 : i32
    %dma_wait3A_70 = arith.constant 0 : i32
    %dma_wait3A_71 = tpu.memref_slice %arg7[%dma_wait3A_69, %dma_wait3A_70] : memref<165x128xi32, #tpu.memory_space<vmem>> -> memref<1x128xi32, #tpu.memory_space<vmem>>
    %dma_wait3A_72 = tpu.memref_squeeze %dma_wait3A_71 : memref<1x128xi32, #tpu.memory_space<vmem>> -> memref<128xi32, #tpu.memory_space<vmem>>
    %dma_wait3A_73 = arith.constant 0 : i32
    %dma_wait3A_74 = arith.constant 0 : i32
    %dma_wait3A_75 = tpu.memref_slice %arg13[%dma_wait3A_73, %dma_wait3A_74] : memref<10240x64xf32, #tpu.memory_space<vmem_shared>> -> memref<10240x64xf32, #tpu.memory_space<vmem_shared>>
    tpu.wait_indirect_dma semaphore(%arg23 : memref<!tpu.dma_semaphore, #tpu.memory_space<semaphore_mem>>) src(%arg12 : memref<128x64xf32, #tpu.memory_space<vmem>>) dst(%dma_wait3A_75 : memref<10240x64xf32, #tpu.memory_space<vmem_shared>>)
    %barrier3A_76 = arith.constant 0 : index
    tpu.barrier barrier_id(%barrier3A_76)
    %mul3A_77 = arith.constant 640 : i32
    %mul3A_78 = arith.muli %arg1, %mul3A_77 : i32
    %mul3A_79 = arith.constant 640 : i32
    %mul3A_80 = arith.muli %arg1, %mul3A_79 : i32
    "tpu.region"() ({
      %run_scoped3A = tpu.sem_alloc : memref<!tpu.dma_semaphore, #tpu.memory_space<semaphore_mem>>
      %dma_start3A_81 = arith.constant 0 : i32
      %dma_start3A_82 = tpu.memref_slice %arg5[%arg0, %mul3A_80, %dma_start3A_81] : memref<2x10240x64xf32, #tpu.memory_space<hbm>> -> memref<1x640x64xf32, #tpu.memory_space<hbm>>
      %dma_start3A_83 = tpu.memref_squeeze %dma_start3A_82 : memref<1x640x64xf32, #tpu.memory_space<hbm>> -> memref<640x64xf32, #tpu.memory_space<hbm>>
      %dma_start3A_84 = arith.constant 0 : i32
      %dma_start3A_85 = tpu.memref_slice %arg13[%mul3A_78, %dma_start3A_84] : memref<10240x64xf32, #tpu.memory_space<vmem_shared>> -> memref<640x64xf32, #tpu.memory_space<vmem_shared>>
      tpu.enqueue_dma source(%dma_start3A_85 : memref<640x64xf32, #tpu.memory_space<vmem_shared>>) target(%dma_start3A_83 : memref<640x64xf32, #tpu.memory_space<hbm>>) target_semaphore(%run_scoped3A : memref<!tpu.dma_semaphore, #tpu.memory_space<semaphore_mem>>)
      %dma_wait3A_86 = arith.constant 0 : i32
      %dma_wait3A_87 = tpu.memref_slice %arg5[%arg0, %mul3A_80, %dma_wait3A_86] : memref<2x10240x64xf32, #tpu.memory_space<hbm>> -> memref<1x640x64xf32, #tpu.memory_space<hbm>>
      %dma_wait3A_88 = tpu.memref_squeeze %dma_wait3A_87 : memref<1x640x64xf32, #tpu.memory_space<hbm>> -> memref<640x64xf32, #tpu.memory_space<hbm>>
      %dma_wait3A_89 = arith.constant 0 : i32
      %dma_wait3A_90 = tpu.memref_slice %arg13[%mul3A_78, %dma_wait3A_89] : memref<10240x64xf32, #tpu.memory_space<vmem_shared>> -> memref<640x64xf32, #tpu.memory_space<vmem_shared>>
      tpu.wait_dma2 semaphore(%run_scoped3A : memref<!tpu.dma_semaphore, #tpu.memory_space<semaphore_mem>>) src(%dma_wait3A_90 : memref<640x64xf32, #tpu.memory_space<vmem_shared>>) dst(%dma_wait3A_88 : memref<640x64xf32, #tpu.memory_space<hbm>>)
      tpu.yield
    }) : () -> ()
    return
  }
}

module attributes {stable_mosaic.version = 14 : i64} {
  func.func @body(%arg0: i32, %arg1: memref<5000x128xf32, #tpu.memory_space<vmem>>, %arg2: memref<128x128xf32, #tpu.memory_space<vmem>>, %arg3: memref<5000x1xf32, #tpu.memory_space<vmem>>, %arg4: memref<5000x1xf32, #tpu.memory_space<vmem>>, %arg5: memref<2x5000x64xf32, #tpu.memory_space<vmem>>, %arg6: memref<5000x1xf32, #tpu.memory_space<vmem>>) attributes {dimension_semantics = [#tpu.dimension_semantics<arbitrary>], iteration_bounds = array<i64: 2>, scalar_prefetch = 0 : i64, scratch_operands = 0 : i64, tpu.core_type = #tpu.core_type<tc>, window_params = [{transform_indices = @transform_0, window_bounds = array<i64: 5000, 128>}, {pipeline_mode = #tpu.pipeline_mode<synchronous>, transform_indices = @transform_1, window_bounds = array<i64: 128, 128>}, {transform_indices = @transform_2, window_bounds = array<i64: 5000, 1>}, {transform_indices = @transform_3, window_bounds = array<i64: 5000, 1>}, {transform_indices = @transform_4, window_bounds = array<i64: 2, 5000, 64>}, {transform_indices = @transform_5, window_bounds = array<i64: 5000, 1>}]} {
    %get3A = arith.constant 0 : index
    %get3A_0 = arith.constant 0 : index
    %get3A_1 = vector.load %arg3[%get3A, %get3A_0] : memref<5000x1xf32, #tpu.memory_space<vmem>>, vector<5000x1xf32>
    %get3A_2 = arith.constant 0 : index
    %get3A_3 = arith.constant 0 : index
    %get3A_4 = vector.load %arg4[%get3A_2, %get3A_3] : memref<5000x1xf32, #tpu.memory_space<vmem>>, vector<5000x1xf32>
    %add3A = arith.addf %get3A_1, %get3A_4 : vector<5000x1xf32>
    %add3A_5 = arith.constant 1.000000e+00 : f32
    %add3A_6 = vector.broadcast %add3A_5 : f32 to vector<5000x1xf32>
    %add3A_7 = arith.addf %add3A, %add3A_6 : vector<5000x1xf32>
    %rsqrt3A = math.rsqrt %add3A_7 : vector<5000x1xf32>
    %get3A_8 = arith.constant 0 : index
    %get3A_9 = arith.constant 0 : index
    %get3A_10 = vector.load %arg1[%get3A_8, %get3A_9] : memref<5000x128xf32, #tpu.memory_space<vmem>>, vector<5000x128xf32>
    %get3A_11 = arith.constant 0 : index
    %get3A_12 = arith.constant 0 : index
    %get3A_13 = vector.load %arg2[%get3A_11, %get3A_12] : memref<128x128xf32, #tpu.memory_space<vmem>>, vector<128x128xf32>
    %dot_general3A = arith.constant dense<0.000000e+00> : vector<5000x128xf32>
    %dot_general3A_14 = tpu.matmul %get3A_10, %get3A_13, %dot_general3A {dimension_numbers = #tpu.dot_dimension_numbers<[1], [0], [0], [1], [0, 0, 1, 1], [], []>, transpose_lhs_hint = false} : vector<5000x128xf32>, vector<128x128xf32>, vector<5000x128xf32> -> vector<5000x128xf32>
    %mul3A = vector.broadcast %rsqrt3A : vector<5000x1xf32> to vector<5000x128xf32>
    %mul3A_15 = arith.mulf %dot_general3A_14, %mul3A : vector<5000x128xf32>
    %slice3A = vector.extract_strided_slice %mul3A_15 {offsets = [0, 0], sizes = [5000, 64], strides = [1, 1]} : vector<5000x128xf32> to vector<5000x64xf32>
    %swap3A = arith.constant 0 : index
    %swap3A_16 = arith.constant 0 : index
    %swap3A_17 = arith.constant 0 : index
    %swap3A_18 = vector.load %arg5[%swap3A, %swap3A_16, %swap3A_17] : memref<2x5000x64xf32, #tpu.memory_space<vmem>>, vector<1x5000x64xf32>
    %swap3A_19 = vector.shape_cast %swap3A_18 : vector<1x5000x64xf32> to vector<5000x64xf32>
    %swap3A_20 = vector.shape_cast %slice3A : vector<5000x64xf32> to vector<1x5000x64xf32>
    tpu.vector_store %arg5[%swap3A, %swap3A_16, %swap3A_17], %swap3A_20 {strides = array<i32>} : memref<2x5000x64xf32, #tpu.memory_space<vmem>>, vector<1x5000x64xf32>,
    %slice3A_21 = vector.extract_strided_slice %mul3A_15 {offsets = [0, 64], sizes = [5000, 64], strides = [1, 1]} : vector<5000x128xf32> to vector<5000x64xf32>
    %swap3A_22 = arith.constant 1 : index
    %swap3A_23 = arith.constant 0 : index
    %swap3A_24 = arith.constant 0 : index
    %swap3A_25 = vector.load %arg5[%swap3A_22, %swap3A_23, %swap3A_24] : memref<2x5000x64xf32, #tpu.memory_space<vmem>>, vector<1x5000x64xf32>
    %swap3A_26 = vector.shape_cast %swap3A_25 : vector<1x5000x64xf32> to vector<5000x64xf32>
    %swap3A_27 = vector.shape_cast %slice3A_21 : vector<5000x64xf32> to vector<1x5000x64xf32>
    tpu.vector_store %arg5[%swap3A_22, %swap3A_23, %swap3A_24], %swap3A_27 {strides = array<i32>} : memref<2x5000x64xf32, #tpu.memory_space<vmem>>, vector<1x5000x64xf32>,
    %swap3A_28 = arith.constant 0 : index
    %swap3A_29 = arith.constant 0 : index
    %swap3A_30 = vector.load %arg6[%swap3A_28, %swap3A_29] : memref<5000x1xf32, #tpu.memory_space<vmem>>, vector<5000x1xf32>
    tpu.vector_store %arg6[%swap3A_28, %swap3A_29], %rsqrt3A {strides = array<i32>} : memref<5000x1xf32, #tpu.memory_space<vmem>>, vector<5000x1xf32>,
    return
  }
  func.func @transform_0(%arg0: i32) -> (i32, i32) {
    %c0_i32 = arith.constant 0 : i32
    %c0_i32_0 = arith.constant 0 : i32
    return %arg0, %c0_i32 : i32, i32
  }
  func.func @transform_1(%arg0: i32) -> (i32, i32) {
    %c0_i32 = arith.constant 0 : i32
    %c0_i32_0 = arith.constant 0 : i32
    %c0_i32_1 = arith.constant 0 : i32
    return %c0_i32, %c0_i32_0 : i32, i32
  }
  func.func @transform_2(%arg0: i32) -> (i32, i32) {
    %c0_i32 = arith.constant 0 : i32
    %c0_i32_0 = arith.constant 0 : i32
    return %arg0, %c0_i32 : i32, i32
  }
  func.func @transform_3(%arg0: i32) -> (i32, i32) {
    %c0_i32 = arith.constant 0 : i32
    %c0_i32_0 = arith.constant 0 : i32
    return %arg0, %c0_i32 : i32, i32
  }
  func.func @transform_4(%arg0: i32) -> (i32, i32, i32) {
    %c0_i32 = arith.constant 0 : i32
    %c0_i32_0 = arith.constant 0 : i32
    %c0_i32_1 = arith.constant 0 : i32
    return %c0_i32, %arg0, %c0_i32_0 : i32, i32, i32
  }
  func.func @transform_5(%arg0: i32) -> (i32, i32) {
    %c0_i32 = arith.constant 0 : i32
    %c0_i32_0 = arith.constant 0 : i32
    return %arg0, %c0_i32 : i32, i32
  }
}

module attributes {stable_mosaic.version = 14 : i64} {
  func.func @body(%arg0: i32, %arg1: memref<2x5000x64xf32, #tpu.memory_space<vmem>>, %arg2: memref<5000x1xf32, #tpu.memory_space<vmem>>, %arg3: memref<1x128xf32, #tpu.memory_space<vmem>>, %arg4: memref<1x128xf32, #tpu.memory_space<vmem>>, %arg5: memref<1x128xf32, #tpu.memory_space<vmem>>, %arg6: memref<128x128xf32, #tpu.memory_space<vmem>>, %arg7: memref<2x5000x64xf32, #tpu.memory_space<vmem>>, %arg8: memref<1x128xf32, #tpu.memory_space<vmem>>, %arg9: memref<1x128xf32, #tpu.memory_space<vmem>>) attributes {dimension_semantics = [#tpu.dimension_semantics<arbitrary>], iteration_bounds = array<i64: 4>, scalar_prefetch = 0 : i64, scratch_operands = 2 : i64, tpu.core_type = #tpu.core_type<tc>, window_params = [{transform_indices = @transform_0, window_bounds = array<i64: 2, 5000, 64>}, {transform_indices = @transform_1, window_bounds = array<i64: 5000, 1>}, {pipeline_mode = #tpu.pipeline_mode<synchronous>, transform_indices = @transform_2, window_bounds = array<i64: 1, 128>}, {pipeline_mode = #tpu.pipeline_mode<synchronous>, transform_indices = @transform_3, window_bounds = array<i64: 1, 128>}, {pipeline_mode = #tpu.pipeline_mode<synchronous>, transform_indices = @transform_4, window_bounds = array<i64: 1, 128>}, {pipeline_mode = #tpu.pipeline_mode<synchronous>, transform_indices = @transform_5, window_bounds = array<i64: 128, 128>}, {transform_indices = @transform_6, window_bounds = array<i64: 2, 5000, 64>}]} {
    %get3A = arith.constant 0 : index
    %get3A_0 = arith.constant 0 : index
    %get3A_1 = vector.load %arg2[%get3A, %get3A_0] : memref<5000x1xf32, #tpu.memory_space<vmem>>, vector<5000x1xf32>
    %get3A_2 = arith.constant 0 : index
    %get3A_3 = arith.constant 0 : index
    %get3A_4 = arith.constant 0 : index
    %get3A_5 = vector.load %arg1[%get3A_2, %get3A_3, %get3A_4] : memref<2x5000x64xf32, #tpu.memory_space<vmem>>, vector<1x5000x64xf32>
    %get3A_6 = vector.shape_cast %get3A_5 : vector<1x5000x64xf32> to vector<5000x64xf32>
    %get3A_7 = arith.constant 1 : index
    %get3A_8 = arith.constant 0 : index
    %get3A_9 = arith.constant 0 : index
    %get3A_10 = vector.load %arg1[%get3A_7, %get3A_8, %get3A_9] : memref<2x5000x64xf32, #tpu.memory_space<vmem>>, vector<1x5000x64xf32>
    %get3A_11 = vector.shape_cast %get3A_10 : vector<1x5000x64xf32> to vector<5000x64xf32>
    %concatenate3A = tpu.concatenate %get3A_6, %get3A_11 in 1 : vector<5000x64xf32>, vector<5000x64xf32> -> vector<5000x128xf32>
    %mul3A = vector.broadcast %get3A_1 : vector<5000x1xf32> to vector<5000x128xf32>
    %mul3A_12 = arith.mulf %mul3A, %concatenate3A : vector<5000x128xf32>
    %get3A_13 = arith.constant 0 : index
    %get3A_14 = arith.constant 0 : index
    %get3A_15 = vector.load %arg3[%get3A_13, %get3A_14] : memref<1x128xf32, #tpu.memory_space<vmem>>, vector<1x128xf32>
    %add3A = vector.broadcast %get3A_15 : vector<1x128xf32> to vector<5000x128xf32>
    %add3A_16 = arith.addf %mul3A_12, %add3A : vector<5000x128xf32>
    %eq3A = arith.constant 0 : i32
    %eq3A_17 = arith.cmpi eq, %arg0, %eq3A : i32
    %convert_element_type3A = arith.extui %eq3A_17 : i1 to i32
    %cond3A = arith.constant 0 : i32
    %cond3A_18 = arith.cmpi ne, %convert_element_type3A, %cond3A : i32
    scf.if %cond3A_18 {
      %broadcast_in_dim3A = arith.constant 0.000000e+00 : f32
      %broadcast_in_dim3A_27 = vector.broadcast %broadcast_in_dim3A : f32 to vector<1x128xf32>
      %swap3A = arith.constant 0 : index
      %swap3A_28 = arith.constant 0 : index
      %swap3A_29 = vector.load %arg8[%swap3A, %swap3A_28] : memref<1x128xf32, #tpu.memory_space<vmem>>, vector<1x128xf32>
      tpu.vector_store %arg8[%swap3A, %swap3A_28], %broadcast_in_dim3A_27 {strides = array<i32>} : memref<1x128xf32, #tpu.memory_space<vmem>>, vector<1x128xf32>,
      %broadcast_in_dim3A_30 = arith.constant 0.000000e+00 : f32
      %broadcast_in_dim3A_31 = vector.broadcast %broadcast_in_dim3A_30 : f32 to vector<1x128xf32>
      %swap3A_32 = arith.constant 0 : index
      %swap3A_33 = arith.constant 0 : index
      %swap3A_34 = vector.load %arg9[%swap3A_32, %swap3A_33] : memref<1x128xf32, #tpu.memory_space<vmem>>, vector<1x128xf32>
      tpu.vector_store %arg9[%swap3A_32, %swap3A_33], %broadcast_in_dim3A_31 {strides = array<i32>} : memref<1x128xf32, #tpu.memory_space<vmem>>, vector<1x128xf32>,
    } else {
    }
    %lt3A = arith.constant 2 : i32
    %lt3A_19 = arith.cmpi slt, %arg0, %lt3A : i32
    %convert_element_type3A_20 = arith.extui %lt3A_19 : i1 to i32
    %cond3A_21 = arith.constant 0 : i32
    %cond3A_22 = arith.cmpi ne, %convert_element_type3A_20, %cond3A_21 : i32
    scf.if %cond3A_22 {
      %get3A_27 = arith.constant 0 : index
      %get3A_28 = arith.constant 0 : index
      %get3A_29 = vector.load %arg8[%get3A_27, %get3A_28] : memref<1x128xf32, #tpu.memory_space<vmem>>, vector<1x128xf32>
      %reduce_sum3A = arith.constant dense<0.000000e+00> : vector<128xf32>
      %reduce_sum3A_30 = vector.multi_reduction <add>, %add3A_16, %reduce_sum3A [0] : vector<5000x128xf32> to vector<128xf32>
      %broadcast_in_dim3A = vector.shape_cast %reduce_sum3A_30 : vector<128xf32> to vector<1x128xf32>
      %add3A_31 = arith.addf %get3A_29, %broadcast_in_dim3A : vector<1x128xf32>
      %swap3A = arith.constant 0 : index
      %swap3A_32 = arith.constant 0 : index
      %swap3A_33 = vector.load %arg8[%swap3A, %swap3A_32] : memref<1x128xf32, #tpu.memory_space<vmem>>, vector<1x128xf32>
      tpu.vector_store %arg8[%swap3A, %swap3A_32], %add3A_31 {strides = array<i32>} : memref<1x128xf32, #tpu.memory_space<vmem>>, vector<1x128xf32>,
      %get3A_34 = arith.constant 0 : index
      %get3A_35 = arith.constant 0 : index
      %get3A_36 = vector.load %arg9[%get3A_34, %get3A_35] : memref<1x128xf32, #tpu.memory_space<vmem>>, vector<1x128xf32>
      %mul3A_37 = arith.mulf %add3A_16, %add3A_16 : vector<5000x128xf32>
      %reduce_sum3A_38 = arith.constant dense<0.000000e+00> : vector<128xf32>
      %reduce_sum3A_39 = vector.multi_reduction <add>, %mul3A_37, %reduce_sum3A_38 [0] : vector<5000x128xf32> to vector<128xf32>
      %broadcast_in_dim3A_40 = vector.shape_cast %reduce_sum3A_39 : vector<128xf32> to vector<1x128xf32>
      %add3A_41 = arith.addf %get3A_36, %broadcast_in_dim3A_40 : vector<1x128xf32>
      %swap3A_42 = arith.constant 0 : index
      %swap3A_43 = arith.constant 0 : index
      %swap3A_44 = vector.load %arg9[%swap3A_42, %swap3A_43] : memref<1x128xf32, #tpu.memory_space<vmem>>, vector<1x128xf32>
      tpu.vector_store %arg9[%swap3A_42, %swap3A_43], %add3A_41 {strides = array<i32>} : memref<1x128xf32, #tpu.memory_space<vmem>>, vector<1x128xf32>,
    } else {
    }
    %ge3A = arith.constant 2 : i32
    %ge3A_23 = arith.cmpi sge, %arg0, %ge3A : i32
    %convert_element_type3A_24 = arith.extui %ge3A_23 : i1 to i32
    %cond3A_25 = arith.constant 0 : i32
    %cond3A_26 = arith.cmpi ne, %convert_element_type3A_24, %cond3A_25 : i32
    scf.if %cond3A_26 {
      %get3A_27 = arith.constant 0 : index
      %get3A_28 = arith.constant 0 : index
      %get3A_29 = vector.load %arg8[%get3A_27, %get3A_28] : memref<1x128xf32, #tpu.memory_space<vmem>>, vector<1x128xf32>
      %mul3A_30 = arith.constant 9.99999974E-5 : f32
      %mul3A_31 = vector.broadcast %mul3A_30 : f32 to vector<1x128xf32>
      %mul3A_32 = arith.mulf %get3A_29, %mul3A_31 : vector<1x128xf32>
      %get3A_33 = arith.constant 0 : index
      %get3A_34 = arith.constant 0 : index
      %get3A_35 = vector.load %arg9[%get3A_33, %get3A_34] : memref<1x128xf32, #tpu.memory_space<vmem>>, vector<1x128xf32>
      %mul3A_36 = arith.constant 9.99999974E-5 : f32
      %mul3A_37 = vector.broadcast %mul3A_36 : f32 to vector<1x128xf32>
      %mul3A_38 = arith.mulf %get3A_35, %mul3A_37 : vector<1x128xf32>
      %mul3A_39 = arith.mulf %mul3A_32, %mul3A_32 : vector<1x128xf32>
      %sub3A = arith.subf %mul3A_38, %mul3A_39 : vector<1x128xf32>
      %add3A_40 = arith.constant 9.99999974E-6 : f32
      %add3A_41 = vector.broadcast %add3A_40 : f32 to vector<1x128xf32>
      %add3A_42 = arith.addf %sub3A, %add3A_41 : vector<1x128xf32>
      %rsqrt3A = math.rsqrt %add3A_42 : vector<1x128xf32>
      %sub3A_43 = vector.broadcast %mul3A_32 : vector<1x128xf32> to vector<5000x128xf32>
      %sub3A_44 = arith.subf %add3A_16, %sub3A_43 : vector<5000x128xf32>
      %mul3A_45 = vector.broadcast %rsqrt3A : vector<1x128xf32> to vector<5000x128xf32>
      %mul3A_46 = arith.mulf %sub3A_44, %mul3A_45 : vector<5000x128xf32>
      %get3A_47 = arith.constant 0 : index
      %get3A_48 = arith.constant 0 : index
      %get3A_49 = vector.load %arg4[%get3A_47, %get3A_48] : memref<1x128xf32, #tpu.memory_space<vmem>>, vector<1x128xf32>
      %mul3A_50 = vector.broadcast %get3A_49 : vector<1x128xf32> to vector<5000x128xf32>
      %mul3A_51 = arith.mulf %mul3A_46, %mul3A_50 : vector<5000x128xf32>
      %get3A_52 = arith.constant 0 : index
      %get3A_53 = arith.constant 0 : index
      %get3A_54 = vector.load %arg5[%get3A_52, %get3A_53] : memref<1x128xf32, #tpu.memory_space<vmem>>, vector<1x128xf32>
      %add3A_55 = vector.broadcast %get3A_54 : vector<1x128xf32> to vector<5000x128xf32>
      %add3A_56 = arith.addf %mul3A_51, %add3A_55 : vector<5000x128xf32>
      %max3A = arith.constant 0.000000e+00 : f32
      %max3A_57 = vector.broadcast %max3A : f32 to vector<5000x128xf32>
      %max3A_58 = arith.maximumf %add3A_56, %max3A_57 : vector<5000x128xf32>
      %get3A_59 = arith.constant 0 : index
      %get3A_60 = arith.constant 0 : index
      %get3A_61 = vector.load %arg6[%get3A_59, %get3A_60] : memref<128x128xf32, #tpu.memory_space<vmem>>, vector<128x128xf32>
      %dot_general3A = arith.constant dense<0.000000e+00> : vector<5000x128xf32>
      %dot_general3A_62 = tpu.matmul %max3A_58, %get3A_61, %dot_general3A {dimension_numbers = #tpu.dot_dimension_numbers<[1], [0], [0], [1], [0, 0, 1, 1], [], []>, transpose_lhs_hint = false} : vector<5000x128xf32>, vector<128x128xf32>, vector<5000x128xf32> -> vector<5000x128xf32>
      %get3A_63 = arith.constant 0 : index
      %get3A_64 = arith.constant 0 : index
      %get3A_65 = vector.load %arg2[%get3A_63, %get3A_64] : memref<5000x1xf32, #tpu.memory_space<vmem>>, vector<5000x1xf32>
      %mul3A_66 = vector.broadcast %get3A_65 : vector<5000x1xf32> to vector<5000x128xf32>
      %mul3A_67 = arith.mulf %dot_general3A_62, %mul3A_66 : vector<5000x128xf32>
      %slice3A = vector.extract_strided_slice %mul3A_67 {offsets = [0, 0], sizes = [5000, 64], strides = [1, 1]} : vector<5000x128xf32> to vector<5000x64xf32>
      %swap3A = arith.constant 0 : index
      %swap3A_68 = arith.constant 0 : index
      %swap3A_69 = arith.constant 0 : index
      %swap3A_70 = vector.load %arg7[%swap3A, %swap3A_68, %swap3A_69] : memref<2x5000x64xf32, #tpu.memory_space<vmem>>, vector<1x5000x64xf32>
      %swap3A_71 = vector.shape_cast %swap3A_70 : vector<1x5000x64xf32> to vector<5000x64xf32>
      %swap3A_72 = vector.shape_cast %slice3A : vector<5000x64xf32> to vector<1x5000x64xf32>
      tpu.vector_store %arg7[%swap3A, %swap3A_68, %swap3A_69], %swap3A_72 {strides = array<i32>} : memref<2x5000x64xf32, #tpu.memory_space<vmem>>, vector<1x5000x64xf32>,
      %slice3A_73 = vector.extract_strided_slice %mul3A_67 {offsets = [0, 64], sizes = [5000, 64], strides = [1, 1]} : vector<5000x128xf32> to vector<5000x64xf32>
      %swap3A_74 = arith.constant 1 : index
      %swap3A_75 = arith.constant 0 : index
      %swap3A_76 = arith.constant 0 : index
      %swap3A_77 = vector.load %arg7[%swap3A_74, %swap3A_75, %swap3A_76] : memref<2x5000x64xf32, #tpu.memory_space<vmem>>, vector<1x5000x64xf32>
      %swap3A_78 = vector.shape_cast %swap3A_77 : vector<1x5000x64xf32> to vector<5000x64xf32>
      %swap3A_79 = vector.shape_cast %slice3A_73 : vector<5000x64xf32> to vector<1x5000x64xf32>
      tpu.vector_store %arg7[%swap3A_74, %swap3A_75, %swap3A_76], %swap3A_79 {strides = array<i32>} : memref<2x5000x64xf32, #tpu.memory_space<vmem>>, vector<1x5000x64xf32>,
    } else {
    }
    return
  }
  func.func @transform_0(%arg0: i32) -> (i32, i32, i32) {
    %jit3A = arith.constant 2 : i32
    %eq3A = arith.constant 0 : i32
    %eq3A_0 = arith.cmpi eq, %jit3A, %eq3A : i32
    %jit3A_1 = arith.constant 1 : i32
    %select_n3A = arith.select %eq3A_0, %jit3A_1, %jit3A : i32
    %rem3A = arith.remsi %arg0, %select_n3A : i32
    %ne3A = arith.constant 0 : i32
    %ne3A_2 = arith.cmpi ne, %rem3A, %ne3A : i32
    %lt3A = arith.constant 0 : i32
    %lt3A_3 = arith.cmpi slt, %rem3A, %lt3A : i32
    %lt3A_4 = arith.constant 0 : i32
    %lt3A_5 = arith.cmpi slt, %select_n3A, %lt3A_4 : i32
    %ne3A_6 = arith.xori %lt3A_3, %lt3A_5 : i1
    %and3A = arith.andi %ne3A_6, %ne3A_2 : i1
    %add3A = arith.addi %rem3A, %select_n3A : i32
    %select_n3A_7 = arith.select %and3A, %add3A, %rem3A : i32
    %c0_i32 = arith.constant 0 : i32
    %c0_i32_8 = arith.constant 0 : i32
    %c0_i32_9 = arith.constant 0 : i32
    return %c0_i32, %select_n3A_7, %c0_i32_8 : i32, i32, i32
  }
  func.func @transform_1(%arg0: i32) -> (i32, i32) {
    %jit3A = arith.constant 2 : i32
    %eq3A = arith.constant 0 : i32
    %eq3A_0 = arith.cmpi eq, %jit3A, %eq3A : i32
    %jit3A_1 = arith.constant 1 : i32
    %select_n3A = arith.select %eq3A_0, %jit3A_1, %jit3A : i32
    %rem3A = arith.remsi %arg0, %select_n3A : i32
    %ne3A = arith.constant 0 : i32
    %ne3A_2 = arith.cmpi ne, %rem3A, %ne3A : i32
    %lt3A = arith.constant 0 : i32
    %lt3A_3 = arith.cmpi slt, %rem3A, %lt3A : i32
    %lt3A_4 = arith.constant 0 : i32
    %lt3A_5 = arith.cmpi slt, %select_n3A, %lt3A_4 : i32
    %ne3A_6 = arith.xori %lt3A_3, %lt3A_5 : i1
    %and3A = arith.andi %ne3A_6, %ne3A_2 : i1
    %add3A = arith.addi %rem3A, %select_n3A : i32
    %select_n3A_7 = arith.select %and3A, %add3A, %rem3A : i32
    %c0_i32 = arith.constant 0 : i32
    %c0_i32_8 = arith.constant 0 : i32
    return %select_n3A_7, %c0_i32 : i32, i32
  }
  func.func @transform_2(%arg0: i32) -> (i32, i32) {
    %c0_i32 = arith.constant 0 : i32
    %c0_i32_0 = arith.constant 0 : i32
    %c0_i32_1 = arith.constant 0 : i32
    return %c0_i32, %c0_i32_0 : i32, i32
  }
  func.func @transform_3(%arg0: i32) -> (i32, i32) {
    %c0_i32 = arith.constant 0 : i32
    %c0_i32_0 = arith.constant 0 : i32
    %c0_i32_1 = arith.constant 0 : i32
    return %c0_i32, %c0_i32_0 : i32, i32
  }
  func.func @transform_4(%arg0: i32) -> (i32, i32) {
    %c0_i32 = arith.constant 0 : i32
    %c0_i32_0 = arith.constant 0 : i32
    %c0_i32_1 = arith.constant 0 : i32
    return %c0_i32, %c0_i32_0 : i32, i32
  }
  func.func @transform_5(%arg0: i32) -> (i32, i32) {
    %c0_i32 = arith.constant 0 : i32
    %c0_i32_0 = arith.constant 0 : i32
    %c0_i32_1 = arith.constant 0 : i32
    return %c0_i32, %c0_i32_0 : i32, i32
  }
  func.func @transform_6(%arg0: i32) -> (i32, i32, i32) {
    %sub3A = arith.constant 2 : i32
    %sub3A_0 = arith.subi %arg0, %sub3A : i32
    %max3A = arith.constant 0 : i32
    %max3A_1 = arith.maxsi %sub3A_0, %max3A : i32
    %c0_i32 = arith.constant 0 : i32
    %c0_i32_2 = arith.constant 0 : i32
    %c0_i32_3 = arith.constant 0 : i32
    return %c0_i32, %max3A_1, %c0_i32_2 : i32, i32, i32
  }
}

module attributes {stable_mosaic.version = 14 : i64} {
  func.func @body(%arg0: i32, %arg1: memref<2x5000x64xf32, #tpu.memory_space<vmem>>, %arg2: memref<5000x1xf32, #tpu.memory_space<vmem>>, %arg3: memref<1x128xf32, #tpu.memory_space<vmem>>, %arg4: memref<1x128xf32, #tpu.memory_space<vmem>>, %arg5: memref<1x128xf32, #tpu.memory_space<vmem>>, %arg6: memref<1x1x5000xi32, #tpu.memory_space<vmem>>, %arg7: memref<512x128xf32, #tpu.memory_space<vmem>>, %arg8: memref<1x512xf32, #tpu.memory_space<vmem>>, %arg9: memref<1x512xf32, #tpu.memory_space<vmem>>, %arg10: memref<16x128xf32, #tpu.memory_space<vmem>>, %arg11: memref<1x16xf32, #tpu.memory_space<vmem>>, %arg12: memref<64x16xf32, #tpu.memory_space<vmem>>, %arg13: memref<64x128xf32, #tpu.memory_space<vmem>>, %arg14: memref<64x128xf32, #tpu.memory_space<vmem>>, %arg15: memref<1x128xf32, #tpu.memory_space<vmem>>, %arg16: memref<1x128xf32, #tpu.memory_space<vmem>>, %arg17: memref<64x128xf32, #tpu.memory_space<vmem>>, %arg18: memref<64x1xf32, #tpu.memory_space<vmem>>) attributes {dimension_semantics = [#tpu.dimension_semantics<arbitrary>], iteration_bounds = array<i64: 5>, scalar_prefetch = 0 : i64, scratch_operands = 4 : i64, tpu.core_type = #tpu.core_type<tc>, window_params = [{transform_indices = @transform_0, window_bounds = array<i64: 2, 5000, 64>}, {transform_indices = @transform_1, window_bounds = array<i64: 5000, 1>}, {pipeline_mode = #tpu.pipeline_mode<synchronous>, transform_indices = @transform_2, window_bounds = array<i64: 1, 128>}, {pipeline_mode = #tpu.pipeline_mode<synchronous>, transform_indices = @transform_3, window_bounds = array<i64: 1, 128>}, {pipeline_mode = #tpu.pipeline_mode<synchronous>, transform_indices = @transform_4, window_bounds = array<i64: 1, 128>}, {transform_indices = @transform_5, window_bounds = array<i64: 1, 1, 5000>}, {pipeline_mode = #tpu.pipeline_mode<synchronous>, transform_indices = @transform_6, window_bounds = array<i64: 512, 128>}, {pipeline_mode = #tpu.pipeline_mode<synchronous>, transform_indices = @transform_7, window_bounds = array<i64: 1, 512>}, {pipeline_mode = #tpu.pipeline_mode<synchronous>, transform_indices = @transform_8, window_bounds = array<i64: 1, 512>}, {pipeline_mode = #tpu.pipeline_mode<synchronous>, transform_indices = @transform_9, window_bounds = array<i64: 16, 128>}, {pipeline_mode = #tpu.pipeline_mode<synchronous>, transform_indices = @transform_10, window_bounds = array<i64: 1, 16>}, {pipeline_mode = #tpu.pipeline_mode<synchronous>, transform_indices = @transform_11, window_bounds = array<i64: 64, 16>}, {pipeline_mode = #tpu.pipeline_mode<synchronous>, transform_indices = @transform_12, window_bounds = array<i64: 64, 128>}, {pipeline_mode = #tpu.pipeline_mode<synchronous>, transform_indices = @transform_13, window_bounds = array<i64: 64, 128>}]} {
    %eq3A = arith.constant 0 : i32
    %eq3A_0 = arith.cmpi eq, %arg0, %eq3A : i32
    %convert_element_type3A = arith.extui %eq3A_0 : i1 to i32
    %cond3A = arith.constant 0 : i32
    %cond3A_1 = arith.cmpi ne, %convert_element_type3A, %cond3A : i32
    scf.if %cond3A_1 {
      %broadcast_in_dim3A = arith.constant 0.000000e+00 : f32
      %broadcast_in_dim3A_11 = vector.broadcast %broadcast_in_dim3A : f32 to vector<1x128xf32>
      %swap3A = arith.constant 0 : index
      %swap3A_12 = arith.constant 0 : index
      %swap3A_13 = vector.load %arg15[%swap3A, %swap3A_12] : memref<1x128xf32, #tpu.memory_space<vmem>>, vector<1x128xf32>
      tpu.vector_store %arg15[%swap3A, %swap3A_12], %broadcast_in_dim3A_11 {strides = array<i32>} : memref<1x128xf32, #tpu.memory_space<vmem>>, vector<1x128xf32>,
      %broadcast_in_dim3A_14 = arith.constant 0.000000e+00 : f32
      %broadcast_in_dim3A_15 = vector.broadcast %broadcast_in_dim3A_14 : f32 to vector<1x128xf32>
      %swap3A_16 = arith.constant 0 : index
      %swap3A_17 = arith.constant 0 : index
      %swap3A_18 = vector.load %arg16[%swap3A_16, %swap3A_17] : memref<1x128xf32, #tpu.memory_space<vmem>>, vector<1x128xf32>
      tpu.vector_store %arg16[%swap3A_16, %swap3A_17], %broadcast_in_dim3A_15 {strides = array<i32>} : memref<1x128xf32, #tpu.memory_space<vmem>>, vector<1x128xf32>,
      %broadcast_in_dim3A_19 = arith.constant 0.000000e+00 : f32
      %broadcast_in_dim3A_20 = vector.broadcast %broadcast_in_dim3A_19 : f32 to vector<64x128xf32>
      %swap3A_21 = arith.constant 0 : index
      %swap3A_22 = arith.constant 0 : index
      %swap3A_23 = vector.load %arg17[%swap3A_21, %swap3A_22] : memref<64x128xf32, #tpu.memory_space<vmem>>, vector<64x128xf32>
      tpu.vector_store %arg17[%swap3A_21, %swap3A_22], %broadcast_in_dim3A_20 {strides = array<i32>} : memref<64x128xf32, #tpu.memory_space<vmem>>, vector<64x128xf32>,
      %broadcast_in_dim3A_24 = arith.constant 0.000000e+00 : f32
      %broadcast_in_dim3A_25 = vector.broadcast %broadcast_in_dim3A_24 : f32 to vector<64x1xf32>
      %swap3A_26 = arith.constant 0 : index
      %swap3A_27 = arith.constant 0 : index
      %swap3A_28 = vector.load %arg18[%swap3A_26, %swap3A_27] : memref<64x1xf32, #tpu.memory_space<vmem>>, vector<64x1xf32>
      tpu.vector_store %arg18[%swap3A_26, %swap3A_27], %broadcast_in_dim3A_25 {strides = array<i32>} : memref<64x1xf32, #tpu.memory_space<vmem>>, vector<64x1xf32>,
    } else {
    }
    %lt3A = arith.constant 4 : i32
    %lt3A_2 = arith.cmpi slt, %arg0, %lt3A : i32
    %convert_element_type3A_3 = arith.extui %lt3A_2 : i1 to i32
    %cond3A_4 = arith.constant 0 : i32
    %cond3A_5 = arith.cmpi ne, %convert_element_type3A_3, %cond3A_4 : i32
    scf.if %cond3A_5 {
      %get3A = arith.constant 0 : index
      %get3A_11 = arith.constant 0 : index
      %get3A_12 = vector.load %arg2[%get3A, %get3A_11] : memref<5000x1xf32, #tpu.memory_space<vmem>>, vector<5000x1xf32>
      %get3A_13 = arith.constant 0 : index
      %get3A_14 = arith.constant 0 : index
      %get3A_15 = arith.constant 0 : index
      %get3A_16 = vector.load %arg1[%get3A_13, %get3A_14, %get3A_15] : memref<2x5000x64xf32, #tpu.memory_space<vmem>>, vector<1x5000x64xf32>
      %get3A_17 = vector.shape_cast %get3A_16 : vector<1x5000x64xf32> to vector<5000x64xf32>
      %get3A_18 = arith.constant 1 : index
      %get3A_19 = arith.constant 0 : index
      %get3A_20 = arith.constant 0 : index
      %get3A_21 = vector.load %arg1[%get3A_18, %get3A_19, %get3A_20] : memref<2x5000x64xf32, #tpu.memory_space<vmem>>, vector<1x5000x64xf32>
      %get3A_22 = vector.shape_cast %get3A_21 : vector<1x5000x64xf32> to vector<5000x64xf32>
      %concatenate3A = tpu.concatenate %get3A_17, %get3A_22 in 1 : vector<5000x64xf32>, vector<5000x64xf32> -> vector<5000x128xf32>
      %mul3A = vector.broadcast %get3A_12 : vector<5000x1xf32> to vector<5000x128xf32>
      %mul3A_23 = arith.mulf %mul3A, %concatenate3A : vector<5000x128xf32>
      %get3A_24 = arith.constant 0 : index
      %get3A_25 = arith.constant 0 : index
      %get3A_26 = vector.load %arg3[%get3A_24, %get3A_25] : memref<1x128xf32, #tpu.memory_space<vmem>>, vector<1x128xf32>
      %add3A = vector.broadcast %get3A_26 : vector<1x128xf32> to vector<5000x128xf32>
      %add3A_27 = arith.addf %mul3A_23, %add3A : vector<5000x128xf32>
      %lt3A_28 = arith.constant 2 : i32
      %lt3A_29 = arith.cmpi slt, %arg0, %lt3A_28 : i32
      %convert_element_type3A_30 = arith.extui %lt3A_29 : i1 to i32
      %cond3A_31 = arith.constant 0 : i32
      %cond3A_32 = arith.cmpi ne, %convert_element_type3A_30, %cond3A_31 : i32
      scf.if %cond3A_32 {
        %get3A_37 = arith.constant 0 : index
        %get3A_38 = arith.constant 0 : index
        %get3A_39 = vector.load %arg15[%get3A_37, %get3A_38] : memref<1x128xf32, #tpu.memory_space<vmem>>, vector<1x128xf32>
        %reduce_sum3A = arith.constant dense<0.000000e+00> : vector<128xf32>
        %reduce_sum3A_40 = vector.multi_reduction <add>, %add3A_27, %reduce_sum3A [0] : vector<5000x128xf32> to vector<128xf32>
        %broadcast_in_dim3A = vector.shape_cast %reduce_sum3A_40 : vector<128xf32> to vector<1x128xf32>
        %add3A_41 = arith.addf %get3A_39, %broadcast_in_dim3A : vector<1x128xf32>
        %swap3A = arith.constant 0 : index
        %swap3A_42 = arith.constant 0 : index
        %swap3A_43 = vector.load %arg15[%swap3A, %swap3A_42] : memref<1x128xf32, #tpu.memory_space<vmem>>, vector<1x128xf32>
        tpu.vector_store %arg15[%swap3A, %swap3A_42], %add3A_41 {strides = array<i32>} : memref<1x128xf32, #tpu.memory_space<vmem>>, vector<1x128xf32>,
        %get3A_44 = arith.constant 0 : index
        %get3A_45 = arith.constant 0 : index
        %get3A_46 = vector.load %arg16[%get3A_44, %get3A_45] : memref<1x128xf32, #tpu.memory_space<vmem>>, vector<1x128xf32>
        %mul3A_47 = arith.mulf %add3A_27, %add3A_27 : vector<5000x128xf32>
        %reduce_sum3A_48 = arith.constant dense<0.000000e+00> : vector<128xf32>
        %reduce_sum3A_49 = vector.multi_reduction <add>, %mul3A_47, %reduce_sum3A_48 [0] : vector<5000x128xf32> to vector<128xf32>
        %broadcast_in_dim3A_50 = vector.shape_cast %reduce_sum3A_49 : vector<128xf32> to vector<1x128xf32>
        %add3A_51 = arith.addf %get3A_46, %broadcast_in_dim3A_50 : vector<1x128xf32>
        %swap3A_52 = arith.constant 0 : index
        %swap3A_53 = arith.constant 0 : index
        %swap3A_54 = vector.load %arg16[%swap3A_52, %swap3A_53] : memref<1x128xf32, #tpu.memory_space<vmem>>, vector<1x128xf32>
        tpu.vector_store %arg16[%swap3A_52, %swap3A_53], %add3A_51 {strides = array<i32>} : memref<1x128xf32, #tpu.memory_space<vmem>>, vector<1x128xf32>,
      } else {
      }
      %ge3A = arith.constant 2 : i32
      %ge3A_33 = arith.cmpi sge, %arg0, %ge3A : i32
      %convert_element_type3A_34 = arith.extui %ge3A_33 : i1 to i32
      %cond3A_35 = arith.constant 0 : i32
      %cond3A_36 = arith.cmpi ne, %convert_element_type3A_34, %cond3A_35 : i32
      scf.if %cond3A_36 {
        %get3A_37 = arith.constant 0 : index
        %get3A_38 = arith.constant 0 : index
        %get3A_39 = vector.load %arg15[%get3A_37, %get3A_38] : memref<1x128xf32, #tpu.memory_space<vmem>>, vector<1x128xf32>
        %mul3A_40 = arith.constant 9.99999974E-5 : f32
        %mul3A_41 = vector.broadcast %mul3A_40 : f32 to vector<1x128xf32>
        %mul3A_42 = arith.mulf %get3A_39, %mul3A_41 : vector<1x128xf32>
        %get3A_43 = arith.constant 0 : index
        %get3A_44 = arith.constant 0 : index
        %get3A_45 = vector.load %arg16[%get3A_43, %get3A_44] : memref<1x128xf32, #tpu.memory_space<vmem>>, vector<1x128xf32>
        %mul3A_46 = arith.constant 9.99999974E-5 : f32
        %mul3A_47 = vector.broadcast %mul3A_46 : f32 to vector<1x128xf32>
        %mul3A_48 = arith.mulf %get3A_45, %mul3A_47 : vector<1x128xf32>
        %mul3A_49 = arith.mulf %mul3A_42, %mul3A_42 : vector<1x128xf32>
        %sub3A = arith.subf %mul3A_48, %mul3A_49 : vector<1x128xf32>
        %add3A_50 = arith.constant 9.99999974E-6 : f32
        %add3A_51 = vector.broadcast %add3A_50 : f32 to vector<1x128xf32>
        %add3A_52 = arith.addf %sub3A, %add3A_51 : vector<1x128xf32>
        %rsqrt3A = math.rsqrt %add3A_52 : vector<1x128xf32>
        %sub3A_53 = vector.broadcast %mul3A_42 : vector<1x128xf32> to vector<5000x128xf32>
        %sub3A_54 = arith.subf %add3A_27, %sub3A_53 : vector<5000x128xf32>
        %mul3A_55 = vector.broadcast %rsqrt3A : vector<1x128xf32> to vector<5000x128xf32>
        %mul3A_56 = arith.mulf %sub3A_54, %mul3A_55 : vector<5000x128xf32>
        %get3A_57 = arith.constant 0 : index
        %get3A_58 = arith.constant 0 : index
        %get3A_59 = vector.load %arg4[%get3A_57, %get3A_58] : memref<1x128xf32, #tpu.memory_space<vmem>>, vector<1x128xf32>
        %mul3A_60 = vector.broadcast %get3A_59 : vector<1x128xf32> to vector<5000x128xf32>
        %mul3A_61 = arith.mulf %mul3A_56, %mul3A_60 : vector<5000x128xf32>
        %get3A_62 = arith.constant 0 : index
        %get3A_63 = arith.constant 0 : index
        %get3A_64 = vector.load %arg5[%get3A_62, %get3A_63] : memref<1x128xf32, #tpu.memory_space<vmem>>, vector<1x128xf32>
        %add3A_65 = vector.broadcast %get3A_64 : vector<1x128xf32> to vector<5000x128xf32>
        %add3A_66 = arith.addf %mul3A_61, %add3A_65 : vector<5000x128xf32>
        %max3A = arith.constant 0.000000e+00 : f32
        %max3A_67 = vector.broadcast %max3A : f32 to vector<5000x128xf32>
        %max3A_68 = arith.maximumf %add3A_66, %max3A_67 : vector<5000x128xf32>
        %iota3A = tpu.iota {dimensions = array<i32: 0>} : vector<64x5000xi32>
        %get3A_69 = arith.constant 0 : index
        %get3A_70 = arith.constant 0 : index
        %get3A_71 = arith.constant 0 : index
        %get3A_72 = vector.load %arg6[%get3A_69, %get3A_70, %get3A_71] : memref<1x1x5000xi32, #tpu.memory_space<vmem>>, vector<1x1x5000xi32>
        %get3A_73 = vector.shape_cast %get3A_72 : vector<1x1x5000xi32> to vector<1x5000xi32>
        %eq3A_74 = vector.broadcast %get3A_73 : vector<1x5000xi32> to vector<64x5000xi32>
        %eq3A_75 = arith.cmpi eq, %iota3A, %eq3A_74 : vector<64x5000xi32>
        %convert_element_type3A_76 = arith.extui %eq3A_75 : vector<64x5000xi1> to vector<64x5000xi32>
        %convert_element_type3A_77 = arith.sitofp %convert_element_type3A_76 : vector<64x5000xi32> to vector<64x5000xf32>
        %get3A_78 = arith.constant 0 : index
        %get3A_79 = arith.constant 0 : index
        %get3A_80 = vector.load %arg17[%get3A_78, %get3A_79] : memref<64x128xf32, #tpu.memory_space<vmem>>, vector<64x128xf32>
        %dot_general3A = arith.constant dense<0.000000e+00> : vector<64x128xf32>
        %dot_general3A_81 = tpu.matmul %convert_element_type3A_77, %max3A_68, %dot_general3A {dimension_numbers = #tpu.dot_dimension_numbers<[1], [0], [0], [1], [0, 0, 1, 1], [], []>, transpose_lhs_hint = false} : vector<64x5000xf32>, vector<5000x128xf32>, vector<64x128xf32> -> vector<64x128xf32>
        %add3A_82 = arith.addf %get3A_80, %dot_general3A_81 : vector<64x128xf32>
        %swap3A = arith.constant 0 : index
        %swap3A_83 = arith.constant 0 : index
        %swap3A_84 = vector.load %arg17[%swap3A, %swap3A_83] : memref<64x128xf32, #tpu.memory_space<vmem>>, vector<64x128xf32>
        tpu.vector_store %arg17[%swap3A, %swap3A_83], %add3A_82 {strides = array<i32>} : memref<64x128xf32, #tpu.memory_space<vmem>>, vector<64x128xf32>,
        %get3A_85 = arith.constant 0 : index
        %get3A_86 = arith.constant 0 : index
        %get3A_87 = vector.load %arg18[%get3A_85, %get3A_86] : memref<64x1xf32, #tpu.memory_space<vmem>>, vector<64x1xf32>
        %reduce_sum3A = arith.constant dense<0.000000e+00> : vector<64xf32>
        %reduce_sum3A_88 = vector.multi_reduction <add>, %convert_element_type3A_77, %reduce_sum3A [1] : vector<64x5000xf32> to vector<64xf32>
        %broadcast_in_dim3A = vector.shape_cast %reduce_sum3A_88 : vector<64xf32> to vector<64x1xf32>
        %add3A_89 = arith.addf %get3A_87, %broadcast_in_dim3A : vector<64x1xf32>
        %swap3A_90 = arith.constant 0 : index
        %swap3A_91 = arith.constant 0 : index
        %swap3A_92 = vector.load %arg18[%swap3A_90, %swap3A_91] : memref<64x1xf32, #tpu.memory_space<vmem>>, vector<64x1xf32>
        tpu.vector_store %arg18[%swap3A_90, %swap3A_91], %add3A_89 {strides = array<i32>} : memref<64x1xf32, #tpu.memory_space<vmem>>, vector<64x1xf32>,
      } else {
      }
    } else {
    }
    %eq3A_6 = arith.constant 4 : i32
    %eq3A_7 = arith.cmpi eq, %arg0, %eq3A_6 : i32
    %convert_element_type3A_8 = arith.extui %eq3A_7 : i1 to i32
    %cond3A_9 = arith.constant 0 : i32
    %cond3A_10 = arith.cmpi ne, %convert_element_type3A_8, %cond3A_9 : i32
    scf.if %cond3A_10 {
      %get3A = arith.constant 0 : index
      %get3A_11 = arith.constant 0 : index
      %get3A_12 = vector.load %arg17[%get3A, %get3A_11] : memref<64x128xf32, #tpu.memory_space<vmem>>, vector<64x128xf32>
      %get3A_13 = arith.constant 0 : index
      %get3A_14 = arith.constant 0 : index
      %get3A_15 = vector.load %arg18[%get3A_13, %get3A_14] : memref<64x1xf32, #tpu.memory_space<vmem>>, vector<64x1xf32>
      %max3A = arith.constant 1.000000e+00 : f32
      %max3A_16 = vector.broadcast %max3A : f32 to vector<64x1xf32>
      %max3A_17 = arith.maximumf %get3A_15, %max3A_16 : vector<64x1xf32>
      %div3A = vector.broadcast %max3A_17 : vector<64x1xf32> to vector<64x128xf32>
      %div3A_18 = arith.divf %get3A_12, %div3A : vector<64x128xf32>
      %get3A_19 = arith.constant 0 : index
      %get3A_20 = arith.constant 0 : index
      %get3A_21 = vector.load %arg7[%get3A_19, %get3A_20] : memref<512x128xf32, #tpu.memory_space<vmem>>, vector<512x128xf32>
      %dot_general3A = arith.constant dense<0.000000e+00> : vector<64x512xf32>
      %dot_general3A_22 = tpu.matmul %div3A_18, %get3A_21, %dot_general3A {dimension_numbers = #tpu.dot_dimension_numbers<[1], [1], [0], [0], [0, 0, 1, 0], [], []>, transpose_lhs_hint = false} : vector<64x128xf32>, vector<512x128xf32>, vector<64x512xf32> -> vector<64x512xf32>
      %get3A_23 = arith.constant 0 : index
      %get3A_24 = arith.constant 0 : index
      %get3A_25 = vector.load %arg8[%get3A_23, %get3A_24] : memref<1x512xf32, #tpu.memory_space<vmem>>, vector<1x512xf32>
      %add3A = vector.broadcast %get3A_25 : vector<1x512xf32> to vector<64x512xf32>
      %add3A_26 = arith.addf %dot_general3A_22, %add3A : vector<64x512xf32>
      %get3A_27 = arith.constant 0 : index
      %get3A_28 = arith.constant 0 : index
      %get3A_29 = vector.load %arg9[%get3A_27, %get3A_28] : memref<1x512xf32, #tpu.memory_space<vmem>>, vector<1x512xf32>
      %add3A_30 = vector.broadcast %get3A_29 : vector<1x512xf32> to vector<64x512xf32>
      %add3A_31 = arith.addf %add3A_26, %add3A_30 : vector<64x512xf32>
      %slice3A = vector.extract_strided_slice %add3A_31 {offsets = [0, 0], sizes = [64, 128], strides = [1, 1]} : vector<64x512xf32> to vector<64x128xf32>
      %logistic3A = arith.negf %slice3A : vector<64x128xf32>
      %logistic3A_32 = math.exp %logistic3A : vector<64x128xf32>
      %logistic3A_33 = arith.constant 1.000000e+00 : f32
      %logistic3A_34 = vector.broadcast %logistic3A_33 : f32 to vector<64x128xf32>
      %logistic3A_35 = arith.addf %logistic3A_34, %logistic3A_32 : vector<64x128xf32>
      %logistic3A_36 = arith.divf %logistic3A_34, %logistic3A_35 : vector<64x128xf32>
      %slice3A_37 = vector.extract_strided_slice %add3A_31 {offsets = [0, 256], sizes = [64, 128], strides = [1, 1]} : vector<64x512xf32> to vector<64x128xf32>
      %tanh3A = math.tanh %slice3A_37 : vector<64x128xf32>
      %slice3A_38 = vector.extract_strided_slice %add3A_31 {offsets = [0, 384], sizes = [64, 128], strides = [1, 1]} : vector<64x512xf32> to vector<64x128xf32>
      %logistic3A_39 = arith.negf %slice3A_38 : vector<64x128xf32>
      %logistic3A_40 = math.exp %logistic3A_39 : vector<64x128xf32>
      %logistic3A_41 = arith.constant 1.000000e+00 : f32
      %logistic3A_42 = vector.broadcast %logistic3A_41 : f32 to vector<64x128xf32>
      %logistic3A_43 = arith.addf %logistic3A_42, %logistic3A_40 : vector<64x128xf32>
      %logistic3A_44 = arith.divf %logistic3A_42, %logistic3A_43 : vector<64x128xf32>
      %mul3A = arith.mulf %logistic3A_36, %tanh3A : vector<64x128xf32>
      %tanh3A_45 = math.tanh %mul3A : vector<64x128xf32>
      %mul3A_46 = arith.mulf %logistic3A_44, %tanh3A_45 : vector<64x128xf32>
      %get3A_47 = arith.constant 0 : index
      %get3A_48 = arith.constant 0 : index
      %get3A_49 = vector.load %arg10[%get3A_47, %get3A_48] : memref<16x128xf32, #tpu.memory_space<vmem>>, vector<16x128xf32>
      %dot_general3A_50 = arith.constant dense<0.000000e+00> : vector<64x16xf32>
      %dot_general3A_51 = tpu.matmul %mul3A_46, %get3A_49, %dot_general3A_50 {dimension_numbers = #tpu.dot_dimension_numbers<[1], [1], [0], [0], [0, 0, 1, 0], [], []>, transpose_lhs_hint = false} : vector<64x128xf32>, vector<16x128xf32>, vector<64x16xf32> -> vector<64x16xf32>
      %get3A_52 = arith.constant 0 : index
      %get3A_53 = arith.constant 0 : index
      %get3A_54 = vector.load %arg11[%get3A_52, %get3A_53] : memref<1x16xf32, #tpu.memory_space<vmem>>, vector<1x16xf32>
      %add3A_55 = vector.broadcast %get3A_54 : vector<1x16xf32> to vector<64x16xf32>
      %add3A_56 = arith.addf %dot_general3A_51, %add3A_55 : vector<64x16xf32>
      %reduce_max3A = arith.constant dense<0xFF800000> : vector<64xf32>
      %reduce_max3A_57 = vector.multi_reduction <maximumf>, %add3A_56, %reduce_max3A [1] : vector<64x16xf32> to vector<64xf32>
      %broadcast_in_dim3A = vector.shape_cast %reduce_max3A_57 : vector<64xf32> to vector<64x1xf32>
      %sub3A = vector.broadcast %broadcast_in_dim3A : vector<64x1xf32> to vector<64x16xf32>
      %sub3A_58 = arith.subf %add3A_56, %sub3A : vector<64x16xf32>
      %exp3A = math.exp %sub3A_58 : vector<64x16xf32>
      %reduce_sum3A = arith.constant dense<0.000000e+00> : vector<64xf32>
      %reduce_sum3A_59 = vector.multi_reduction <add>, %exp3A, %reduce_sum3A [1] : vector<64x16xf32> to vector<64xf32>
      %broadcast_in_dim3A_60 = vector.shape_cast %reduce_sum3A_59 : vector<64xf32> to vector<64x1xf32>
      %log3A = math.log %broadcast_in_dim3A_60 : vector<64x1xf32>
      %sub3A_61 = vector.broadcast %broadcast_in_dim3A : vector<64x1xf32> to vector<64x16xf32>
      %sub3A_62 = arith.subf %add3A_56, %sub3A_61 : vector<64x16xf32>
      %sub3A_63 = vector.broadcast %log3A : vector<64x1xf32> to vector<64x16xf32>
      %sub3A_64 = arith.subf %sub3A_62, %sub3A_63 : vector<64x16xf32>
      %swap3A = arith.constant 0 : index
      %swap3A_65 = arith.constant 0 : index
      %swap3A_66 = vector.load %arg12[%swap3A, %swap3A_65] : memref<64x16xf32, #tpu.memory_space<vmem>>, vector<64x16xf32>
      tpu.vector_store %arg12[%swap3A, %swap3A_65], %sub3A_64 {strides = array<i32>} : memref<64x16xf32, #tpu.memory_space<vmem>>, vector<64x16xf32>,
      %swap3A_67 = arith.constant 0 : index
      %swap3A_68 = arith.constant 0 : index
      %swap3A_69 = vector.load %arg13[%swap3A_67, %swap3A_68] : memref<64x128xf32, #tpu.memory_space<vmem>>, vector<64x128xf32>
      tpu.vector_store %arg13[%swap3A_67, %swap3A_68], %mul3A_46 {strides = array<i32>} : memref<64x128xf32, #tpu.memory_space<vmem>>, vector<64x128xf32>,
      %swap3A_70 = arith.constant 0 : index
      %swap3A_71 = arith.constant 0 : index
      %swap3A_72 = vector.load %arg14[%swap3A_70, %swap3A_71] : memref<64x128xf32, #tpu.memory_space<vmem>>, vector<64x128xf32>
      tpu.vector_store %arg14[%swap3A_70, %swap3A_71], %mul3A {strides = array<i32>} : memref<64x128xf32, #tpu.memory_space<vmem>>, vector<64x128xf32>,
    } else {
    }
    return
  }
  func.func @transform_0(%arg0: i32) -> (i32, i32, i32) {
    %jit3A = arith.constant 2 : i32
    %eq3A = arith.constant 0 : i32
    %eq3A_0 = arith.cmpi eq, %jit3A, %eq3A : i32
    %jit3A_1 = arith.constant 1 : i32
    %select_n3A = arith.select %eq3A_0, %jit3A_1, %jit3A : i32
    %rem3A = arith.remsi %arg0, %select_n3A : i32
    %ne3A = arith.constant 0 : i32
    %ne3A_2 = arith.cmpi ne, %rem3A, %ne3A : i32
    %lt3A = arith.constant 0 : i32
    %lt3A_3 = arith.cmpi slt, %rem3A, %lt3A : i32
    %lt3A_4 = arith.constant 0 : i32
    %lt3A_5 = arith.cmpi slt, %select_n3A, %lt3A_4 : i32
    %ne3A_6 = arith.xori %lt3A_3, %lt3A_5 : i1
    %and3A = arith.andi %ne3A_6, %ne3A_2 : i1
    %add3A = arith.addi %rem3A, %select_n3A : i32
    %select_n3A_7 = arith.select %and3A, %add3A, %rem3A : i32
    %c0_i32 = arith.constant 0 : i32
    %c0_i32_8 = arith.constant 0 : i32
    %c0_i32_9 = arith.constant 0 : i32
    return %c0_i32, %select_n3A_7, %c0_i32_8 : i32, i32, i32
  }
  func.func @transform_1(%arg0: i32) -> (i32, i32) {
    %jit3A = arith.constant 2 : i32
    %eq3A = arith.constant 0 : i32
    %eq3A_0 = arith.cmpi eq, %jit3A, %eq3A : i32
    %jit3A_1 = arith.constant 1 : i32
    %select_n3A = arith.select %eq3A_0, %jit3A_1, %jit3A : i32
    %rem3A = arith.remsi %arg0, %select_n3A : i32
    %ne3A = arith.constant 0 : i32
    %ne3A_2 = arith.cmpi ne, %rem3A, %ne3A : i32
    %lt3A = arith.constant 0 : i32
    %lt3A_3 = arith.cmpi slt, %rem3A, %lt3A : i32
    %lt3A_4 = arith.constant 0 : i32
    %lt3A_5 = arith.cmpi slt, %select_n3A, %lt3A_4 : i32
    %ne3A_6 = arith.xori %lt3A_3, %lt3A_5 : i1
    %and3A = arith.andi %ne3A_6, %ne3A_2 : i1
    %add3A = arith.addi %rem3A, %select_n3A : i32
    %select_n3A_7 = arith.select %and3A, %add3A, %rem3A : i32
    %c0_i32 = arith.constant 0 : i32
    %c0_i32_8 = arith.constant 0 : i32
    return %select_n3A_7, %c0_i32 : i32, i32
  }
  func.func @transform_2(%arg0: i32) -> (i32, i32) {
    %c0_i32 = arith.constant 0 : i32
    %c0_i32_0 = arith.constant 0 : i32
    %c0_i32_1 = arith.constant 0 : i32
    return %c0_i32, %c0_i32_0 : i32, i32
  }
  func.func @transform_3(%arg0: i32) -> (i32, i32) {
    %c0_i32 = arith.constant 0 : i32
    %c0_i32_0 = arith.constant 0 : i32
    %c0_i32_1 = arith.constant 0 : i32
    return %c0_i32, %c0_i32_0 : i32, i32
  }
  func.func @transform_4(%arg0: i32) -> (i32, i32) {
    %c0_i32 = arith.constant 0 : i32
    %c0_i32_0 = arith.constant 0 : i32
    %c0_i32_1 = arith.constant 0 : i32
    return %c0_i32, %c0_i32_0 : i32, i32
  }
  func.func @transform_5(%arg0: i32) -> (i32, i32, i32) {
    %jit3A = arith.constant 2 : i32
    %eq3A = arith.constant 0 : i32
    %eq3A_0 = arith.cmpi eq, %jit3A, %eq3A : i32
    %jit3A_1 = arith.constant 1 : i32
    %select_n3A = arith.select %eq3A_0, %jit3A_1, %jit3A : i32
    %rem3A = arith.remsi %arg0, %select_n3A : i32
    %ne3A = arith.constant 0 : i32
    %ne3A_2 = arith.cmpi ne, %rem3A, %ne3A : i32
    %lt3A = arith.constant 0 : i32
    %lt3A_3 = arith.cmpi slt, %rem3A, %lt3A : i32
    %lt3A_4 = arith.constant 0 : i32
    %lt3A_5 = arith.cmpi slt, %select_n3A, %lt3A_4 : i32
    %ne3A_6 = arith.xori %lt3A_3, %lt3A_5 : i1
    %and3A = arith.andi %ne3A_6, %ne3A_2 : i1
    %add3A = arith.addi %rem3A, %select_n3A : i32
    %select_n3A_7 = arith.select %and3A, %add3A, %rem3A : i32
    %c0_i32 = arith.constant 0 : i32
    %c0_i32_8 = arith.constant 0 : i32
    %c0_i32_9 = arith.constant 0 : i32
    return %select_n3A_7, %c0_i32, %c0_i32_8 : i32, i32, i32
  }
  func.func @transform_6(%arg0: i32) -> (i32, i32) {
    %c0_i32 = arith.constant 0 : i32
    %c0_i32_0 = arith.constant 0 : i32
    %c0_i32_1 = arith.constant 0 : i32
    return %c0_i32, %c0_i32_0 : i32, i32
  }
  func.func @transform_7(%arg0: i32) -> (i32, i32) {
    %c0_i32 = arith.constant 0 : i32
    %c0_i32_0 = arith.constant 0 : i32
    %c0_i32_1 = arith.constant 0 : i32
    return %c0_i32, %c0_i32_0 : i32, i32
  }
  func.func @transform_8(%arg0: i32) -> (i32, i32) {
    %c0_i32 = arith.constant 0 : i32
    %c0_i32_0 = arith.constant 0 : i32
    %c0_i32_1 = arith.constant 0 : i32
    return %c0_i32, %c0_i32_0 : i32, i32
  }
  func.func @transform_9(%arg0: i32) -> (i32, i32) {
    %c0_i32 = arith.constant 0 : i32
    %c0_i32_0 = arith.constant 0 : i32
    %c0_i32_1 = arith.constant 0 : i32
    return %c0_i32, %c0_i32_0 : i32, i32
  }
  func.func @transform_10(%arg0: i32) -> (i32, i32) {
    %c0_i32 = arith.constant 0 : i32
    %c0_i32_0 = arith.constant 0 : i32
    %c0_i32_1 = arith.constant 0 : i32
    return %c0_i32, %c0_i32_0 : i32, i32
  }
  func.func @transform_11(%arg0: i32) -> (i32, i32) {
    %c0_i32 = arith.constant 0 : i32
    %c0_i32_0 = arith.constant 0 : i32
    %c0_i32_1 = arith.constant 0 : i32
    return %c0_i32, %c0_i32_0 : i32, i32
  }
  func.func @transform_12(%arg0: i32) -> (i32, i32) {
    %c0_i32 = arith.constant 0 : i32
    %c0_i32_0 = arith.constant 0 : i32
    %c0_i32_1 = arith.constant 0 : i32
    return %c0_i32, %c0_i32_0 : i32, i32
  }
  func.func @transform_13(%arg0: i32) -> (i32, i32) {
    %c0_i32 = arith.constant 0 : i32
    %c0_i32_0 = arith.constant 0 : i32
    %c0_i32_1 = arith.constant 0 : i32
    return %c0_i32, %c0_i32_0 : i32, i32
  }
}

</mosaic_0001>

<sc_bundles>
// kernel: kernel.11.cloned.1.call-start
scs
__scs_entry_jumppad:
0x0: {  	(pc) =	sbr.rel $0x88, $3  }
0x1: {  	(tag) =	ssettag $0x0;
	lr =	simm.s32 $0x1  }
0x2: {  	[smem:$0x3F91] =	sst lr;
	_ =	strace $0xD0000000  }
0x3: {  	_ = 	snop  }
0x4: {  	_ = 	snop  }
0x5: {  	_ = 	snop  }
0x6: {  	_ = 	snop  }
0x7: {  	_ = 	snop  }
__scs_overlays_trampoline_lowered:
0x8: {  	[smem:$0x3FA0] =	sst s0  }
0x9: {  	[smem:$0x3FA1] =	sst s1  }
0xa: {  	[smem:$0x3FA2] =	sst s2  }
0xb: {  	[smem:$0x3FA3] =	sst s3  }
0xc: {  	[smem:$0x3FA4] =	sst s4  }
0xd: {  	[smem:$0x3FA5] =	sst s5  }
0xe: {  	[smem:$0x3FA6] =	sst s6  }
0xf: {  	[smem:$0x3FA7] =	sst s7  }
0x10: {  	[smem:$0x3FA8] =	sst s8  }
0x11: {  	[smem:$0x3FA9] =	sst s9;
	s0 =	simm.s32 @!p0 $0x0  }
0x12: {  	s1 =	sld [smem:$0x3F8F];
	s0 =	simm.s32 @p0 $0x1  }
0x13: {  	[smem:$0x3FAA] =	sst s0;
	s0 =	simm.s32 @!p1 $0x0  }
0x14: {  	s2 =	sld [smem:$0x3F8E];
	s0 =	simm.s32 @p1 $0x1  }
0x15: {  	[smem:$0x3FAB] =	sst s0;
	s0 =	simm.s32 @!p2 $0x0  }
0x16: {  	s3 =	sld [smem:$0x3FDB];
	s0 =	simm.s32 @p2 $0x1  }
0x17: {  	s4 =	simm.s32 $0x1BF5;
	[smem:$0x3FAD] =	sst s0  }
0x18: {  	s0 =	sld [smem:$0x3F90];
	_ =	swait.ge [sflag:s4], $0x0  }
0x19: {  	s7 =	sld [smem:$0x3F91]  }
0x1a: {  	s8 =	sadd.s32 $0xFFFFE003, lr  }
0x1b: {  	s9 =	sadd.s32 $0xFFFFFEF7, lr;
	s5 =	simm.s32 $0xFFFFFFFF;
	p2 =	slt.u32 s8, $0xFFFFF086  }
0x1c: {  	p1 =	slt.u32 s9, $0xF7A;
	s5 =	simm.s32 @!p2 $0x0  }
0x1d: {  	s5 =	simm.s32 @p1 $0x1;
	p0 =	seq.s32 s7, s2  }
0x1e: {  	s7 =	smul.u32 @!p0 $0xF7A, s2;
	p2 =	seq.s32 @!p0 s5, $0x0  }
0x1f: {  	s9 =	smul.u32 $0xF7A, s1;
	s8 =	simm.s32 @!p0 $0x1BF5;
	p2 =	por !p2, p0  }
0x20: {  	[sflag:s8] =	ssyncset.s32 @!p0 $0xFFFFF086;
	s6 =	sadd.s32 @!p0 s3, s7;
	s7 =	simm.s32 @!p0 $0x108  }
0x21: {  	s3 =	sadd.s32 s3, s9;
	s6 =	sadd.s32 @!p0 $0x88, s6;
	s7 =	simm.s32 @p2 $0x1082  }
0x22: {  	[simem:s7], [sflag:s8] =	dma.local @!p0 [hbm:s6], $0xF7A  }
0x23: {  	s9 =	sor.u32 $0xD0000000, s2;
	s6 =	simm.s32 $0x108;
	_ =	swait.ge @!p0 [sflag:s8], $0x0  }
0x24: {  	s3 =	sadd.s32 $0x88, s3;
	s6 =	simm.s32 @!p1 $0x1082;
	[sflag:s4] =	ssyncset.s32 $0xFFFFF086  }
0x25: {  	[simem:s6], [sflag:s4] =	dma.local [hbm:s3], $0xF7A  }
0x26: {  	[smem:$0x3F91] =	sst s1;
	(tag) =	ssettag s2;
	_ =	strace s9  }
0x27: {  	s1 =	sld [smem:$0x3FA1]  }
0x28: {  	s2 =	sld [smem:$0x3FA2]  }
0x29: {  	s4 =	sld [smem:$0x3FA4]  }
0x2a: {  	p0 =	seq.s32 s5, $0x0;
	s5 =	sld [smem:$0x3FA5]  }
0x2b: {  	s6 =	sld [smem:$0x3FA6]  }
0x2c: {  	s7 =	sld [smem:$0x3FA7]  }
0x2d: {  	s3 =	simm.s32 $0x108;
	s8 =	sld [smem:$0x3FA8]  }
0x2e: {  	s3 =	simm.s32 @!p0 $0x1082;
	s9 =	sld [smem:$0x3FA9]  }
0x2f: {  	lr =	sadd.s32 s0, s3;
	s0 =	sld [smem:$0x3FA0]  }
0x30: {  	s3 =	sld [smem:$0x3FA3]  }
0x31: {  	[smem:$0x3FAC] =	sst s10  }
0x32: {  	s10 =	sld [smem:$0x3FAA];
	_ =	sdelay $0x3  }
0x33: {  	p0 =	seq.s32 s10, $0x1;
	s10 =	sld [smem:$0x3FAC];
	_ =	sdelay $0x3  }
0x34: {  	[smem:$0x3FAC] =	sst s10  }
0x35: {  	s10 =	sld [smem:$0x3FAB];
	_ =	sdelay $0x3  }
0x36: {  	p1 =	seq.s32 s10, $0x1;
	s10 =	sld [smem:$0x3FAC];
	_ =	sdelay $0x3  }
0x37: {  	[smem:$0x3FAC] =	sst s10  }
0x38: {  	s10 =	sld [smem:$0x3FAD]  }
0x39: {  	_ = 	snop;
	(pc) =	sbr.ind lr, $3  }
0x3a: {  	_ = 	snop  }
0x3b: {  	_ = 	snop  }
0x3c: {  	p2 =	seq.s32 s10, $0x1;
	s10 =	sld [smem:$0x3FAC]  }
0x3d: {  	_ =	shalt  }
0x3e: {  	_ =	shalt  }
0x3f: {  	_ =	shalt  }
0x40: {  	_ =	shalt  }
0x41: {  	_ =	shalt  }
0x42: {  	_ =	shalt  }
0x43: {  	_ =	shalt  }
0x44: {  	_ =	shalt  }
0x45: {  	_ =	shalt  }
0x46: {  	_ =	shalt  }
0x47: {  	_ =	shalt  }
0x48: {  	_ =	shalt  }
0x49: {  	_ =	shalt  }
0x4a: {  	_ =	shalt  }
0x4b: {  	_ =	shalt  }
0x4c: {  	_ =	shalt  }
0x4d: {  	_ =	shalt  }
0x4e: {  	_ =	shalt  }
0x4f: {  	_ =	shalt  }
0x50: {  	_ =	shalt  }
0x51: {  	_ =	shalt  }
0x52: {  	_ =	shalt  }
0x53: {  	_ =	shalt  }
0x54: {  	_ =	shalt  }
0x55: {  	_ =	shalt  }
0x56: {  	_ =	shalt  }
0x57: {  	_ =	shalt  }
0x58: {  	_ =	shalt  }
0x59: {  	_ =	shalt  }
0x5a: {  	_ =	shalt  }
0x5b: {  	_ =	shalt  }
0x5c: {  	_ =	shalt  }
0x5d: {  	_ =	shalt  }
0x5e: {  	_ =	shalt  }
0x5f: {  	_ =	shalt  }
0x60: {  	_ =	shalt  }
0x61: {  	_ =	shalt  }
0x62: {  	_ =	shalt  }
0x63: {  	_ =	shalt  }
0x64: {  	_ =	shalt  }
0x65: {  	_ =	shalt  }
0x66: {  	_ =	shalt  }
0x67: {  	_ =	shalt  }
0x68: {  	_ =	shalt  }
0x69: {  	_ =	shalt  }
0x6a: {  	_ =	shalt  }
0x6b: {  	_ =	shalt  }
0x6c: {  	_ =	shalt  }
0x6d: {  	_ =	shalt  }
0x6e: {  	_ =	shalt  }
0x6f: {  	_ =	shalt  }
0x70: {  	_ =	shalt  }
0x71: {  	_ =	shalt  }
0x72: {  	_ =	shalt  }
0x73: {  	_ =	shalt  }
0x74: {  	_ =	shalt  }
0x75: {  	_ =	shalt  }
0x76: {  	_ =	shalt  }
0x77: {  	_ =	shalt  }
0x78: {  	_ =	shalt  }
0x79: {  	_ =	shalt  }
0x7a: {  	_ =	shalt  }
0x7b: {  	_ =	shalt  }
0x7c: {  	_ =	shalt  }
0x7d: {  	_ =	shalt  }
0x7e: {  	_ =	shalt  }
0x7f: {  	_ =	shalt  }
0x80: {  	_ =	shalt  }
0x81: {  	_ =	shalt  }
0x82: {  	_ =	shalt  }
0x83: {  	_ =	shalt  }
0x84: {  	_ =	shalt  }
0x85: {  	_ =	shalt  }
0x86: {  	_ =	shalt  }
0x87: {  	_ =	shalt  }
.Lfunc_end0:
.L_simem_size_0:
called_computation.1_lowered:
.L_overlay_start_0:
0x88: {  	s2 =	sld [smem:$0x3FD9]  }
0x89: {  	s3 =	sld [smem:$0x3FFE];
	_ =	sdelay $0x1  }
0x8a: {  	s1 =	srdreg.scid  }
0x8b: {  	s0 =	sand.u32 $0x1, s1  }
0x8c: {  	s16 =	sshll.u32 s0, $0xA;
	s2 =	sadd.s32 s3, s2  }
0x8d: {  	s2 =	sadd.s32 s2, s16  }
0x8e: {  	[smem:$0x3FB8] =	sst s2  }
0x8f: {  	_ = 	snop  }
0x90: {  	(tm) =	ssettm $0x1  }
0x91: {  	s17 =	sld [smem:$0x3FFB];
	_ =	sdelay $0x3  }
0x92: {  	_ =	strace s17  }
0x93: {  	s2 =	sld [smem:$0x3FFC];
	_ =	sdelay $0x3  }
0x94: {  	_ =	strace s2  }
0x95: {  	s2 =	sld [smem:$0x3FFD];
	_ =	sdelay $0x3  }
0x96: {  	_ =	strace s2  }
0x97: {  	_ =	strace $0x8FFFFFFF  }
0x98: {  	s18 =	sld [smem:$0x3FDB];
	_ =	sdelay $0x1  }
0x99: {  	s19 =	simm.s32 $_scs_section_size  }
0x9a: {  	s4 =	simm.s32 $_size__tile_overlayer_lowered;
	s5 =	simm.s32 $_tile_overlayer_lowered  }
0x9b: {  	s22 =	simm.s32 $0x1BFF;
	s21 =	sshll.u32 s5, $0x1;
	s2 =	sadd.s32 s19, s18  }
0x9c: {  	s6 =	simm.s32 $0x0;
	s20 =	sshll.u32 s4, $0x1;
	s4 =	sadd.s32 s21, s2  }
0x9d: {  	[timem:s6], [sflag:s22] =	dma.local [hbm:s4], s20  }
0x9e: {  	_ =	swait.ge [sflag:s22], s20  }
0x9f: {  	s3 =	ssub.s32 $0x0, s20;
	[sflag:s22] =	ssyncset.done $0x0  }
0xa0: {  	[sflag:s22] =	ssyncadd.s32 s3;
	_ =	sdelay $0x1  }
0xa1: {  	s23 =	simm.s32 $0x1B8B  }
0xa2: {  	_ =	swait.ge [sflag:s23], $0x1  }
0xa3: {  	[sflag:s23] =	ssyncset.done $0x0  }
0xa4: {  	s25 =	simm.s32 $0x1B8E;
	s24 =	sld [smem:$0x3FFE];
	[sflag:s23] =	ssyncadd.s32 $0xFFFFFFFF  }
0xa5: {  	s26 =	simm.s32 $execute0_lowered;
	[smem:$0x3FD2] =	sst s25  }
0xa6: {  	s4 =	sshll.u32 s26, $0x1;
	_ =	strace $0x80000049;
	[dreg:$0x1] =	wrdreg $0xFFFFFFFF  }
0xa7: {  	s28 =	simm.s32 $_size_execute0_lowered;
	s2 =	sadd.s32 s2, s4;
	[dreg:$0x0] =	wrdreg $0x0  }
0xa8: {  	s4 =	sshll.u32 s28, $0x1;
	[dreg:$0x2] =	wrdreg s2  }
0xa9: {  	[dreg:$0x3] =	wrdreg s4  }
0xaa: {  	[dreg:$0x4] =	wrdreg $0xC0  }
0xab: {  	_ =	task [dreg:s6], $0x5FFFF  }
0xac: {  	[dreg:$0x1] =	wrdreg $0xFFFFFFFF  }
0xad: {  	[dreg:$0x0] =	wrdreg $0x60  }
0xae: {  	[dreg:$0x2] =	wrdreg s24  }
0xaf: {  	[dreg:$0x3] =	wrdreg $0x145000  }
0xb0: {  	[dreg:$0x4] =	wrdreg $0x9  }
0xb1: {  	_ =	task.clear_ibuf [dreg:s6], $0x5FFFF;
	_ =	strace $0x90000049  }
0xb2: {  	s29 =	simm.s32 $0x9;
	_ =	strace $0x8000004B  }
0xb3: {  	_ =	swait.ge [sflag:s29], $0x1  }
0xb4: {  	[sflag:s29] =	ssyncadd.s32 $0xFFFFFFFF  }
0xb5: {  	_ =	strace $0x9000004B  }
0xb6: {  	_ =	sfence  }
0xb7: {  	s30 =	sld [smem:$0x0];
	_ =	sdelay $0x2  }
0xb8: {  	s31 =	sshll.u32 s1, $0xD;
	s1 =	sshrl.u32 s1, $0x2  }
0xb9: {  	s3 =	sand.u32 $0x4000, s31;
	s1 =	sadd.s32 s1, s30  }
0xba: {  	s0 =	sor.u32 s3, s0;
	s1 =	sshll.u32 s1, $0x11  }
0xbb: {  	s0 =	sor.u32 s1, s0  }
0xbc: {  	s0 =	sadd.s32 $0x8F2B, s0  }
0xbd: {  	[sflag:s0] =	ssyncadd.remote.s32 $0x1  }
0xbe: {  	_ =	sfence.sel $0xFFFF  }
0xbf: {  	[dreg:$0x0] =	wrdreg $0xFFFFFFFF;
	(pc) =	sbr.abs _section_cstart, $3  }
0xc0: {  	[dreg:$0x1] =	wrdreg $0xFFFFFFFF  }
0xc1: {  	_ =	task.clear_ibuf [dreg:s6], $0x2FFFF;
	_ =	strace $0x9FFFFFFF  }
0xc2: {  	(tm) =	ssettm $0x7FFFFFFF  }
0xc3: {  	_ =	shalt  }
tec
execute0_lowered:
.L_overlay_start_1:
0x0: {  	(tag) =	ssettag $0x1  }
0x1: {  	s0 =	srdreg.scid  }
0x2: {  	s1 =	rddreg [dreg:$0x0];
	s8 =	stileid.u32  }
0x3: {  	s2 =	rddreg [dreg:$0x1];
	s3 =	simm.s32 $0x0;
	s14 =	simm.s32 $0xA500  }
0x4: {  	s15 =	simm.s32 $0xB;
	s16 =	simm.s32 $0x5280;
	s5 =	smul.u32 $0xA50, s8  }
0x5: {  	s17 =	simm.s32 $0x80;
	s18 =	simm.s32 $0xC500;
	s6 =	smul.u32 $0xA000, s8  }
0x6: {  	s28 =	simm.s32 $0x12500;
	s0 =	sand.u32 $0x1, s0;
	s8 =	smul.u32 $0x28000, s8  }
0x7: {  	s29 =	simm.s32 $0x3;
	s31 =	simm.s32 $0x6;
	s4 =	smul.u32 $0x13880, s0  }
0x8: {  	s30 =	simm.s32 $0xA;
	[smem:$0x7FF] =	sst s3;
	s7 =	smul.u32 $0xA0000, s0  }
0x9: {  	_ =	strace $0x8000004A;
	s0 =	ssub.s32 $0x2, s0;
	s5 =	sadd.s32 s5, s1  }
0xa: {  	s20 =	sshrl.u32 s8, $0x2;
	s21 =	sshrl.u32 s0, $0x1;
	s11 =	sadd.s32 s4, s1  }
0xb: {  	s19 =	sadd.s32 s6, s7;
	s8 =	sadd.s32 s20, s2;
	s0 =	ssub.s32 s0, s21  }
0xc: {  	s26 =	sadd.s32 $0x1DE00, s5;
	s10 =	sadd.s32 $0x13800, s5;
	s20 =	simm.s32 $0xE500  }
0xd: {  	s21 =	simm.s32 $0x1;
	s4 =	sshrl.u32 s19, $0x3;
	s22 =	sadd.s32 $0x2000, s8  }
0xe: {  	s23 =	sadd.s32 $0x4000, s8;
	s24 =	sadd.s32 $0x6000, s8;
	[dreg:$0x7] =	wrdreg s26  }
0xf: {  	s25 =	sadd.s32 $0x8000, s8;
	s11 =	sadd.s32 $0x76600, s11;
	[dreg:$0x3] =	wrdreg s22  }
.Ltmp0:
0x10: {  	s13 =	smax.u32 s0, $0x1;
	[dreg:$0x4] =	wrdreg s23;
	(pc) =	sbr.rel .LBB2_1-.Ltmp0, $4  }
0x11: {  	s0 =	simm.s32 $0x4;
	s26 =	simm.s32 $0x5;
	[dreg:$0x5] =	wrdreg s24  }
0x12: {  	s1 =	sadd.s32 s4, s1;
	s4 =	sadd.s32 s6, s2;
	[dreg:$0x6] =	wrdreg s25  }
0x13: {  	s23 =	simm.s32 $0x10500;
	s24 =	simm.s32 $0x2;
	s22 =	simm.s32 $0x7  }
0x14: {  	v0 =	vimm.f32 $0.0e+00;
	s25 =	simm.s32 $0x9;
	s12 =	sadd.s32 $0x28400, s1;
	s1 =	simm.s32 $0x8  }
.LBB2_6:
0x15: {  	_ =	swait.ge [sflag:s25], $0x2000  }
0x16: {  	[sflag:s25] =	ssyncset.done $0x0  }
0x17: {  	[sflag:s25] =	ssyncadd.s32 $0xFFFFE000  }
0x18: {  	s5 =	stileid.u32;
	_ =	swait.ge [sflag:s30], $0x2000  }
0x19: {  	s6 =	sshrl.u32 s4, $0x3;
	s3 =	sadd.s32 $0x1, s3;
	[sflag:s30] =	ssyncset.done $0x0  }
0x1a: {  	s5 =	sshll.u32 s5, $0x6;
	p0 =	sne.s32 s3, s13;
	[sflag:s30] =	ssyncadd.s32 $0xFFFFE000  }
.Ltmp1:
0x1b: {  	s5 =	sor.u32 $0x1C0B, s5;
	[bflag:$0x0] =	sbarrier.arrive $0xFFFF;
	(pc) =	sbr.rel @!p0 .LBB2_7-.Ltmp1, $4  }
0x1c: {  	[hbm:s12], [sflag:s5] =	dma.local [spmem:s6], $0x1400  }
0x1d: {  	_ =	swait.ge [sflag:s15], $0x1400  }
0x1e: {  	[sflag:s15] =	ssyncset.done $0x0  }
0x1f: {  	[sflag:s15] =	ssyncadd.s32 $0xFFFFEC00  }
.LBB2_1:
0x20: {  	s19 =	simm.s32 $0x100;
	s5 =	simm.s32 $0x0  }
.LBB2_2:
0x21: {  	p0 =	sne.s32 s19, $0x7F00;
	[tilespmem:s5+$0xA530] =	vst v0;
	s6 =	smov.u32 s19;
	s19 =	sadd.s32 $0x100, s19  }
.Ltmp2:
0x22: {  	[tilespmem:s5+$0xA520] =	vst v0;
	(pc) =	sbr.rel @p0 .LBB2_2-.Ltmp2, $3  }
0x23: {  	[tilespmem:s5+$0xA500] =	vst v0  }
0x24: {  	[tilespmem:s5+$0xA510] =	vst v0;
	_ =	sdelay $0x1  }
0x25: {  	s5 =	sshra.s32 s6, $0x2  }
0x26: {  	[tilespmem:s5+$0xA530] =	vst v0  }
0x27: {  	[tilespmem:s5+$0xA520] =	vst v0  }
0x28: {  	[tilespmem:s5+$0xA500] =	vst v0  }
0x29: {  	[tilespmem:s5+$0xA510] =	vst v0  }
0x2a: {  	[spmem:s4] =	stream.linear.scatter [tilespmem:s14], [sflag:$0xB], $0x2000, $0x38;
	[tilespmem:$0x1E500] =	vst v63  }
0x2b: {  	_ =	swait.ge [sflag:s15], $0x2000  }
0x2c: {  	[sflag:s15] =	ssyncset.done $0x0  }
0x2d: {  	s8 =	rddreg [dreg:$0x3];
	[sflag:s15] =	ssyncadd.s32 $0xFFFFE000  }
0x2e: {  	[spmem:s8] =	stream.linear.scatter [tilespmem:s14], [sflag:$0xB], $0x2000, $0x38;
	[tilespmem:$0x1E500] =	vst v63  }
0x2f: {  	_ =	swait.ge [sflag:s15], $0x2000  }
0x30: {  	[sflag:s15] =	ssyncset.done $0x0  }
0x31: {  	s9 =	rddreg [dreg:$0x4];
	[sflag:s15] =	ssyncadd.s32 $0xFFFFE000  }
0x32: {  	[spmem:s9] =	stream.linear.scatter [tilespmem:s14], [sflag:$0xB], $0x2000, $0x38;
	[tilespmem:$0x1E500] =	vst v63  }
0x33: {  	_ =	swait.ge [sflag:s15], $0x2000  }
0x34: {  	[sflag:s15] =	ssyncset.done $0x0  }
0x35: {  	s19 =	rddreg [dreg:$0x5];
	[sflag:s15] =	ssyncadd.s32 $0xFFFFE000  }
0x36: {  	[spmem:s19] =	stream.linear.scatter [tilespmem:s14], [sflag:$0xB], $0x2000, $0x38;
	[tilespmem:$0x1E500] =	vst v63  }
0x37: {  	_ =	swait.ge [sflag:s15], $0x2000  }
0x38: {  	[sflag:s15] =	ssyncset.done $0x0  }
0x39: {  	s6 =	rddreg [dreg:$0x6];
	[sflag:s15] =	ssyncadd.s32 $0xFFFFE000  }
0x3a: {  	[spmem:s6] =	stream.linear.scatter [tilespmem:s14], [sflag:$0xB], $0x2000, $0x38;
	[tilespmem:$0x1E500] =	vst v63  }
0x3b: {  	_ =	swait.ge [sflag:s15], $0x2000  }
0x3c: {  	[sflag:s15] =	ssyncset.done $0x0  }
0x3d: {  	s19 =	simm.s32 $0x0;
	s7 =	rddreg [dreg:$0x7];
	[sflag:s15] =	ssyncadd.s32 $0xFFFFE000  }
0x3e: {  	[tilespmem:s19], [sflag:$0xB] =	stream.linear.gather [hbm4b:s7+s19], $0x5280, $0x38;
	[tilespmem:$0x1E500] =	vst v63  }
0x3f: {  	_ =	swait.ge [sflag:s15], $0x5280  }
0x40: {  	[sflag:s15] =	ssyncset.done $0x0  }
0x41: {  	[sflag:s15] =	ssyncadd.s32 $0xFFFFAD80  }
0x42: {  	[tilespmem:s16], [sflag:$0xB] =	stream.linear.gather [hbm4b:s10+s19], $0x5280, $0x38;
	[tilespmem:$0x1E500] =	vst v63  }
0x43: {  	_ =	swait.ge [sflag:s15], $0x5280  }
0x44: {  	[sflag:s15] =	ssyncset.done $0x0  }
0x45: {  	[sflag:s15] =	ssyncadd.s32 $0xFFFFAD80  }
0x46: {  	[bflag:$0x0] =	sbarrier.arrive $0xFFFF  }
0x47: {  	[tilespmem:s14], [sflag:$0x1] =	stream.indirect.gather [hbm4b:s11+s17], $0x40, s19, s17, $0xb8;
	[tilespmem:$0x1E500] =	vst v63  }
0x48: {  	_ = 	snop  }
0x49: {  	[tilespmem:s18], [sflag:$0x2] =	stream.indirect.gather [hbm4b:s11+s17], $0x40, s17, s17, $0xb8;
	[tilespmem:$0x1E500] =	vst v63  }
0x4a: {  	s8 =	simm.s32 $0x100  }
0x4b: {  	[tilespmem:s20], [sflag:$0x3] =	stream.indirect.gather [hbm4b:s11+s17], $0x40, s8, s17, $0xb8;
	[tilespmem:$0x1E500] =	vst v63  }
0x4c: {  	_ =	swait.ge [sflag:s21], $0x2000  }
0x4d: {  	[sflag:s21] =	ssyncset.done $0x0  }
0x4e: {  	[sflag:s21] =	ssyncadd.s32 $0xFFFFE000  }
0x4f: {  	[spmem:s2] =	stream.indirect.scatter.add.f32 [tilespmem:s14], [sflag:$0x6], $0x40, s16, s17, $0xb8;
	[tilespmem:$0x1E500] =	vst v63  }
0x50: {  	s9 =	simm.s32 $0x180  }
0x51: {  	[tilespmem:s23], [sflag:$0x4] =	stream.indirect.gather [hbm4b:s11+s17], $0x40, s9, s17, $0xb8;
	[tilespmem:$0x1E500] =	vst v63  }
0x52: {  	_ =	swait.ge [sflag:s24], $0x2000  }
0x53: {  	[sflag:s24] =	ssyncset.done $0x0  }
0x54: {  	s6 =	simm.s32 $0x5300;
	[sflag:s24] =	ssyncadd.s32 $0xFFFFE000  }
0x55: {  	[spmem:s2] =	stream.indirect.scatter.add.f32 [tilespmem:s18], [sflag:$0x7], $0x40, s6, s17, $0xb8;
	[tilespmem:$0x1E500] =	vst v63  }
0x56: {  	s7 =	simm.s32 $0x200  }
0x57: {  	[tilespmem:s28], [sflag:$0x5] =	stream.indirect.gather [hbm4b:s11+s17], $0x40, s7, s17, $0xb8;
	[tilespmem:$0x1E500] =	vst v63  }
0x58: {  	_ =	swait.ge [sflag:s29], $0x2000  }
0x59: {  	[sflag:s29] =	ssyncset.done $0x0  }
0x5a: {  	s8 =	simm.s32 $0x5380;
	[sflag:s29] =	ssyncadd.s32 $0xFFFFE000  }
0x5b: {  	[spmem:s2] =	stream.indirect.scatter.add.f32 [tilespmem:s20], [sflag:$0x8], $0x40, s8, s17, $0xb8;
	[tilespmem:$0x1E500] =	vst v63  }
0x5c: {  	_ =	swait.ge [sflag:s31], $0x2000  }
0x5d: {  	[sflag:s31] =	ssyncset.done $0x0  }
0x5e: {  	s9 =	simm.s32 $0x280;
	[sflag:s31] =	ssyncadd.s32 $0xFFFFE000  }
0x5f: {  	[tilespmem:s14], [sflag:$0x1] =	stream.indirect.gather [hbm4b:s11+s17], $0x40, s9, s17, $0xb8;
	[tilespmem:$0x1E500] =	vst v63  }
0x60: {  	_ =	swait.ge [sflag:s0], $0x2000  }
0x61: {  	[sflag:s0] =	ssyncset.done $0x0  }
0x62: {  	s6 =	simm.s32 $0x5400;
	[sflag:s0] =	ssyncadd.s32 $0xFFFFE000  }
0x63: {  	[spmem:s2] =	stream.indirect.scatter.add.f32 [tilespmem:s23], [sflag:$0x9], $0x40, s6, s17, $0xb8;
	[tilespmem:$0x1E500] =	vst v63  }
0x64: {  	_ =	swait.ge [sflag:s22], $0x2000  }
0x65: {  	[sflag:s22] =	ssyncset.done $0x0  }
0x66: {  	s7 =	simm.s32 $0x300;
	[sflag:s22] =	ssyncadd.s32 $0xFFFFE000  }
0x67: {  	[tilespmem:s18], [sflag:$0x2] =	stream.indirect.gather [hbm4b:s11+s17], $0x40, s7, s17, $0xb8;
	[tilespmem:$0x1E500] =	vst v63  }
0x68: {  	_ =	swait.ge [sflag:s26], $0x2000  }
0x69: {  	[sflag:s26] =	ssyncset.done $0x0  }
0x6a: {  	s8 =	simm.s32 $0x5480;
	[sflag:s26] =	ssyncadd.s32 $0xFFFFE000  }
0x6b: {  	[spmem:s2] =	stream.indirect.scatter.add.f32 [tilespmem:s28], [sflag:$0xA], $0x40, s8, s17, $0xb8;
	[tilespmem:$0x1E500] =	vst v63  }
0x6c: {  	_ =	swait.ge [sflag:s1], $0x2000  }
0x6d: {  	[sflag:s1] =	ssyncset.done $0x0  }
0x6e: {  	s9 =	simm.s32 $0x380;
	[sflag:s1] =	ssyncadd.s32 $0xFFFFE000  }
0x6f: {  	[tilespmem:s20], [sflag:$0x3] =	stream.indirect.gather [hbm4b:s11+s17], $0x40, s9, s17, $0xb8;
	[tilespmem:$0x1E500] =	vst v63  }
.LBB2_4:
0x70: {  	_ =	swait.ge [sflag:s21], $0x2000  }
0x71: {  	s5 =	sshra.s32 s19, $0x2;
	[sflag:s21] =	ssyncset.done $0x0  }
0x72: {  	s6 =	sadd.s32 $0x5500, s5;
	[sflag:s21] =	ssyncadd.s32 $0xFFFFE000  }
0x73: {  	[spmem:s2] =	stream.indirect.scatter.add.f32 [tilespmem:s14], [sflag:$0x6], $0x40, s6, s17, $0xb8;
	[tilespmem:$0x1E500] =	vst v63  }
0x74: {  	_ =	swait.ge [sflag:s25], $0x2000  }
0x75: {  	[sflag:s25] =	ssyncset.done $0x0  }
0x76: {  	s8 =	sadd.s32 $0x400, s5;
	[sflag:s25] =	ssyncadd.s32 $0xFFFFE000  }
0x77: {  	[tilespmem:s23], [sflag:$0x4] =	stream.indirect.gather [hbm4b:s11+s17], $0x40, s8, s17, $0xb8;
	[tilespmem:$0x1E500] =	vst v63  }
0x78: {  	_ =	swait.ge [sflag:s24], $0x2000  }
0x79: {  	[sflag:s24] =	ssyncset.done $0x0  }
0x7a: {  	s9 =	sadd.s32 $0x5580, s5;
	[sflag:s24] =	ssyncadd.s32 $0xFFFFE000  }
0x7b: {  	[spmem:s2] =	stream.indirect.scatter.add.f32 [tilespmem:s18], [sflag:$0x7], $0x40, s9, s17, $0xb8;
	[tilespmem:$0x1E500] =	vst v63  }
0x7c: {  	_ =	swait.ge [sflag:s30], $0x2000  }
0x7d: {  	[sflag:s30] =	ssyncset.done $0x0  }
0x7e: {  	s7 =	sadd.s32 $0x480, s5;
	[sflag:s30] =	ssyncadd.s32 $0xFFFFE000  }
0x7f: {  	[tilespmem:s28], [sflag:$0x5] =	stream.indirect.gather [hbm4b:s11+s17], $0x40, s7, s17, $0xb8;
	[tilespmem:$0x1E500] =	vst v63  }
0x80: {  	_ =	swait.ge [sflag:s29], $0x2000  }
0x81: {  	[sflag:s29] =	ssyncset.done $0x0  }
0x82: {  	s8 =	sadd.s32 $0x5600, s5;
	[sflag:s29] =	ssyncadd.s32 $0xFFFFE000  }
0x83: {  	[spmem:s2] =	stream.indirect.scatter.add.f32 [tilespmem:s20], [sflag:$0x8], $0x40, s8, s17, $0xb8;
	[tilespmem:$0x1E500] =	vst v63  }
0x84: {  	_ =	swait.ge [sflag:s31], $0x2000  }
0x85: {  	p0 =	seq.s32 s19, $0x13600;
	[sflag:s31] =	ssyncset.done $0x0  }
0x86: {  	s6 =	simm.s32 @p0 $0x4;
	[sflag:s31] =	ssyncadd.s32 $0xFFFFE000  }
0x87: {  	_ =	swait.ge @p0 [sflag:s6], $0x2000  }
0x88: {  	[sflag:s6] =	ssyncset.done @p0 $0x0  }
0x89: {  	[sflag:s6] =	ssyncadd.s32 @p0 $0xFFFFE000;
	s6 =	sshra.s32 @p0 s19, $0x2  }
0x8a: {  	s7 =	simm.s32 @p0 $0x80;
	s8 =	simm.s32 @p0 $0x10500;
	s6 =	sadd.s32 @p0 $0x5680, s6  }
0x8b: {  	[spmem:s2] =	stream.indirect.scatter.add.f32 @p0 [tilespmem:s8], [sflag:$0x9], $0x40, s6, s7, $0xb8;
	[tilespmem:$0x1E500] =	vst v63  }
0x8c: {  	s6 =	simm.s32 @p0 $0x7  }
0x8d: {  	_ =	swait.ge @p0 [sflag:s6], $0x2000  }
0x8e: {  	[sflag:s6] =	ssyncset.done @p0 $0x0  }
0x8f: {  	[sflag:s6] =	ssyncadd.s32 @p0 $0xFFFFE000;
	s6 =	sshra.s32 @!p0 s19, $0x2  }
0x90: {  	s9 =	simm.s32 @!p0 $0xA500;
	s8 =	simm.s32 @!p0 $0x80;
	s7 =	sadd.s32 @!p0 $0x500, s6  }
0x91: {  	[tilespmem:s9], [sflag:$0x1] =	stream.indirect.gather @!p0 [hbm4b:s11+s8], $0x40, s7, s8, $0xb8;
	[tilespmem:$0x1E500] =	vst v63  }
0x92: {  	s7 =	simm.s32 @!p0 $0x4  }
0x93: {  	_ =	swait.ge @!p0 [sflag:s7], $0x2000  }
0x94: {  	[sflag:s7] =	ssyncset.done @!p0 $0x0  }
0x95: {  	s9 =	simm.s32 @!p0 $0x10500;
	[sflag:s7] =	ssyncadd.s32 @!p0 $0xFFFFE000;
	s7 =	sadd.s32 @!p0 $0x5680, s6  }
0x96: {  	[spmem:s2] =	stream.indirect.scatter.add.f32 @!p0 [tilespmem:s9], [sflag:$0x9], $0x40, s7, s8, $0xb8;
	[tilespmem:$0x1E500] =	vst v63  }
0x97: {  	s7 =	simm.s32 @!p0 $0x7  }
0x98: {  	_ =	swait.ge @!p0 [sflag:s7], $0x2000  }
0x99: {  	[sflag:s7] =	ssyncset.done @!p0 $0x0  }
0x9a: {  	s6 =	sadd.s32 @!p0 $0x580, s6;
	[sflag:s7] =	ssyncadd.s32 @!p0 $0xFFFFE000;
	s7 =	simm.s32 @!p0 $0xC500  }
0x9b: {  	[tilespmem:s7], [sflag:$0x2] =	stream.indirect.gather @!p0 [hbm4b:s11+s8], $0x40, s6, s8, $0xb8;
	[tilespmem:$0x1E500] =	vst v63  }
0x9c: {  	_ =	swait.ge [sflag:s26], $0x2000  }
0x9d: {  	[sflag:s26] =	ssyncset.done $0x0  }
.Ltmp3:
0x9e: {  	s9 =	sadd.s32 $0x5700, s5;
	[sflag:s26] =	ssyncadd.s32 $0xFFFFE000;
	(pc) =	sbr.rel @p0 .LBB2_6-.Ltmp3, $4  }
0x9f: {  	[spmem:s2] =	stream.indirect.scatter.add.f32 [tilespmem:s28], [sflag:$0xA], $0x40, s9, s17, $0xb8;
	[tilespmem:$0x1E500] =	vst v63  }
0xa0: {  	_ =	swait.ge [sflag:s1], $0x2000  }
0xa1: {  	[sflag:s1] =	ssyncset.done $0x0  }
0xa2: {  	[sflag:s1] =	ssyncadd.s32 $0xFFFFE000  }
.Ltmp4:
0xa3: {  	(pc) =	sbr.rel .LBB2_4-.Ltmp4, $3  }
0xa4: {  	_ =	sdelay $0x1  }
0xa5: {  	s5 =	sadd.s32 $0x600, s5;
	s19 =	sadd.s32 $0xA00, s19  }
0xa6: {  	[tilespmem:s20], [sflag:$0x3] =	stream.indirect.gather [hbm4b:s11+s17], $0x40, s5, s17, $0xb8;
	[tilespmem:$0x1E500] =	vst v63  }
.LBB2_7:
0xa7: {  	_ =	sfence.sel $0x180000  }
0xa8: {  	[bflag:$0x0] =	sbarrier.arrive $0xFFFF  }
0xa9: {  	_ =	strace $0x9000004A  }
0xaa: {  	s0 =	stileid.u32;
	[bflag:$0x2] =	sbarrier.arrive $0xFFFF  }
0xab: {  	p0 =	sne.s32 s0, $0x0;
	s0 =	rddreg [dreg:$0x2]  }
0xac: {  	s0 =	sadd.s32 @!p0 $0x100000, s0  }
0xad: {  	[sflag:s0] =	ssyncadd.tile.s32 @!p0 $0x1;
	_ =	shalt  }
.Lfunc_end2:
_tile_overlayer_lowered:
.L_overlay_start_2:
0xae: {  	(tag) =	ssettag $0x2  }
0xaf: {  	s0 =	rddreg [dreg:$0x0];
	s2 =	stileid.u32  }
0xb0: {  	s1 =	rddreg [dreg:$0x1];
	p0 =	sne.s32 s2, $0x0  }
0xb1: {  	s3 =	rddreg [dreg:$0x2];
	[bflag:$0x3] =	sbarrier.arrive $0xFFFF;
	s2 =	simm.s32 @!p0 $0x1C0B  }
0xb2: {  	[timem:s3], [sflag:s2] =	dma.local @!p0 [hbm:s0], s1  }
0xb3: {  	s0 =	simm.s32 @!p0 $0xB  }
0xb4: {  	_ =	swait.ge @!p0 [sflag:s0], s1  }
0xb5: {  	s1 =	ssub.s32 @!p0 $0x0, s1;
	[sflag:s0] =	ssyncset.done @!p0 $0x0  }
0xb6: {  	[sflag:s0] =	ssyncadd.s32 @!p0 s1  }
0xb7: {  	[bflag:$0x3] =	sbarrier.arrive $0xFFFF  }
0xb8: {  	_ =	shalt  }

// kernel: kernel.14.cloned.1.call-start
scs
__scs_entry_jumppad:
0x0: {  	(pc) =	sbr.rel $0x88, $3  }
0x1: {  	(tag) =	ssettag $0x0;
	lr =	simm.s32 $0x1  }
0x2: {  	[smem:$0x3F91] =	sst lr;
	_ =	strace $0xD0000000  }
0x3: {  	_ = 	snop  }
0x4: {  	_ = 	snop  }
0x5: {  	_ = 	snop  }
0x6: {  	_ = 	snop  }
0x7: {  	_ = 	snop  }
__scs_overlays_trampoline_lowered:
0x8: {  	[smem:$0x3FA0] =	sst s0  }
0x9: {  	[smem:$0x3FA1] =	sst s1  }
0xa: {  	[smem:$0x3FA2] =	sst s2  }
0xb: {  	[smem:$0x3FA3] =	sst s3  }
0xc: {  	[smem:$0x3FA4] =	sst s4  }
0xd: {  	[smem:$0x3FA5] =	sst s5  }
0xe: {  	[smem:$0x3FA6] =	sst s6  }
0xf: {  	[smem:$0x3FA7] =	sst s7  }
0x10: {  	[smem:$0x3FA8] =	sst s8  }
0x11: {  	[smem:$0x3FA9] =	sst s9;
	s0 =	simm.s32 @!p0 $0x0  }
0x12: {  	s1 =	sld [smem:$0x3F8F];
	s0 =	simm.s32 @p0 $0x1  }
0x13: {  	[smem:$0x3FAA] =	sst s0;
	s0 =	simm.s32 @!p1 $0x0  }
0x14: {  	s2 =	sld [smem:$0x3F8E];
	s0 =	simm.s32 @p1 $0x1  }
0x15: {  	[smem:$0x3FAB] =	sst s0;
	s0 =	simm.s32 @!p2 $0x0  }
0x16: {  	s3 =	sld [smem:$0x3FDB];
	s0 =	simm.s32 @p2 $0x1  }
0x17: {  	s4 =	simm.s32 $0x1BF5;
	[smem:$0x3FAD] =	sst s0  }
0x18: {  	s0 =	sld [smem:$0x3F90];
	_ =	swait.ge [sflag:s4], $0x0  }
0x19: {  	s7 =	sld [smem:$0x3F91]  }
0x1a: {  	s8 =	sadd.s32 $0xFFFFE003, lr  }
0x1b: {  	s9 =	sadd.s32 $0xFFFFFEF7, lr;
	s5 =	simm.s32 $0xFFFFFFFF;
	p2 =	slt.u32 s8, $0xFFFFF086  }
0x1c: {  	p1 =	slt.u32 s9, $0xF7A;
	s5 =	simm.s32 @!p2 $0x0  }
0x1d: {  	s5 =	simm.s32 @p1 $0x1;
	p0 =	seq.s32 s7, s2  }
0x1e: {  	s7 =	smul.u32 @!p0 $0xF7A, s2;
	p2 =	seq.s32 @!p0 s5, $0x0  }
0x1f: {  	s9 =	smul.u32 $0xF7A, s1;
	s8 =	simm.s32 @!p0 $0x1BF5;
	p2 =	por !p2, p0  }
0x20: {  	[sflag:s8] =	ssyncset.s32 @!p0 $0xFFFFF086;
	s6 =	sadd.s32 @!p0 s3, s7;
	s7 =	simm.s32 @!p0 $0x108  }
0x21: {  	s3 =	sadd.s32 s3, s9;
	s6 =	sadd.s32 @!p0 $0x88, s6;
	s7 =	simm.s32 @p2 $0x1082  }
0x22: {  	[simem:s7], [sflag:s8] =	dma.local @!p0 [hbm:s6], $0xF7A  }
0x23: {  	s9 =	sor.u32 $0xD0000000, s2;
	s6 =	simm.s32 $0x108;
	_ =	swait.ge @!p0 [sflag:s8], $0x0  }
0x24: {  	s3 =	sadd.s32 $0x88, s3;
	s6 =	simm.s32 @!p1 $0x1082;
	[sflag:s4] =	ssyncset.s32 $0xFFFFF086  }
0x25: {  	[simem:s6], [sflag:s4] =	dma.local [hbm:s3], $0xF7A  }
0x26: {  	[smem:$0x3F91] =	sst s1;
	(tag) =	ssettag s2;
	_ =	strace s9  }
0x27: {  	s1 =	sld [smem:$0x3FA1]  }
0x28: {  	s2 =	sld [smem:$0x3FA2]  }
0x29: {  	s4 =	sld [smem:$0x3FA4]  }
0x2a: {  	p0 =	seq.s32 s5, $0x0;
	s5 =	sld [smem:$0x3FA5]  }
0x2b: {  	s6 =	sld [smem:$0x3FA6]  }
0x2c: {  	s7 =	sld [smem:$0x3FA7]  }
0x2d: {  	s3 =	simm.s32 $0x108;
	s8 =	sld [smem:$0x3FA8]  }
0x2e: {  	s3 =	simm.s32 @!p0 $0x1082;
	s9 =	sld [smem:$0x3FA9]  }
0x2f: {  	lr =	sadd.s32 s0, s3;
	s0 =	sld [smem:$0x3FA0]  }
0x30: {  	s3 =	sld [smem:$0x3FA3]  }
0x31: {  	[smem:$0x3FAC] =	sst s10  }
0x32: {  	s10 =	sld [smem:$0x3FAA];
	_ =	sdelay $0x3  }
0x33: {  	p0 =	seq.s32 s10, $0x1;
	s10 =	sld [smem:$0x3FAC];
	_ =	sdelay $0x3  }
0x34: {  	[smem:$0x3FAC] =	sst s10  }
0x35: {  	s10 =	sld [smem:$0x3FAB];
	_ =	sdelay $0x3  }
0x36: {  	p1 =	seq.s32 s10, $0x1;
	s10 =	sld [smem:$0x3FAC];
	_ =	sdelay $0x3  }
0x37: {  	[smem:$0x3FAC] =	sst s10  }
0x38: {  	s10 =	sld [smem:$0x3FAD]  }
0x39: {  	_ = 	snop;
	(pc) =	sbr.ind lr, $3  }
0x3a: {  	_ = 	snop  }
0x3b: {  	_ = 	snop  }
0x3c: {  	p2 =	seq.s32 s10, $0x1;
	s10 =	sld [smem:$0x3FAC]  }
0x3d: {  	_ =	shalt  }
0x3e: {  	_ =	shalt  }
0x3f: {  	_ =	shalt  }
0x40: {  	_ =	shalt  }
0x41: {  	_ =	shalt  }
0x42: {  	_ =	shalt  }
0x43: {  	_ =	shalt  }
0x44: {  	_ =	shalt  }
0x45: {  	_ =	shalt  }
0x46: {  	_ =	shalt  }
0x47: {  	_ =	shalt  }
0x48: {  	_ =	shalt  }
0x49: {  	_ =	shalt  }
0x4a: {  	_ =	shalt  }
0x4b: {  	_ =	shalt  }
0x4c: {  	_ =	shalt  }
0x4d: {  	_ =	shalt  }
0x4e: {  	_ =	shalt  }
0x4f: {  	_ =	shalt  }
0x50: {  	_ =	shalt  }
0x51: {  	_ =	shalt  }
0x52: {  	_ =	shalt  }
0x53: {  	_ =	shalt  }
0x54: {  	_ =	shalt  }
0x55: {  	_ =	shalt  }
0x56: {  	_ =	shalt  }
0x57: {  	_ =	shalt  }
0x58: {  	_ =	shalt  }
0x59: {  	_ =	shalt  }
0x5a: {  	_ =	shalt  }
0x5b: {  	_ =	shalt  }
0x5c: {  	_ =	shalt  }
0x5d: {  	_ =	shalt  }
0x5e: {  	_ =	shalt  }
0x5f: {  	_ =	shalt  }
0x60: {  	_ =	shalt  }
0x61: {  	_ =	shalt  }
0x62: {  	_ =	shalt  }
0x63: {  	_ =	shalt  }
0x64: {  	_ =	shalt  }
0x65: {  	_ =	shalt  }
0x66: {  	_ =	shalt  }
0x67: {  	_ =	shalt  }
0x68: {  	_ =	shalt  }
0x69: {  	_ =	shalt  }
0x6a: {  	_ =	shalt  }
0x6b: {  	_ =	shalt  }
0x6c: {  	_ =	shalt  }
0x6d: {  	_ =	shalt  }
0x6e: {  	_ =	shalt  }
0x6f: {  	_ =	shalt  }
0x70: {  	_ =	shalt  }
0x71: {  	_ =	shalt  }
0x72: {  	_ =	shalt  }
0x73: {  	_ =	shalt  }
0x74: {  	_ =	shalt  }
0x75: {  	_ =	shalt  }
0x76: {  	_ =	shalt  }
0x77: {  	_ =	shalt  }
0x78: {  	_ =	shalt  }
0x79: {  	_ =	shalt  }
0x7a: {  	_ =	shalt  }
0x7b: {  	_ =	shalt  }
0x7c: {  	_ =	shalt  }
0x7d: {  	_ =	shalt  }
0x7e: {  	_ =	shalt  }
0x7f: {  	_ =	shalt  }
0x80: {  	_ =	shalt  }
0x81: {  	_ =	shalt  }
0x82: {  	_ =	shalt  }
0x83: {  	_ =	shalt  }
0x84: {  	_ =	shalt  }
0x85: {  	_ =	shalt  }
0x86: {  	_ =	shalt  }
0x87: {  	_ =	shalt  }
.Lfunc_end0:
.L_simem_size_0:
called_computation.2_lowered:
.L_overlay_start_0:
0x88: {  	s2 =	sld [smem:$0x3FD9]  }
0x89: {  	s3 =	sld [smem:$0x3FFE];
	_ =	sdelay $0x1  }
0x8a: {  	s1 =	srdreg.scid  }
0x8b: {  	s0 =	sand.u32 $0x1, s1  }
0x8c: {  	s16 =	sshll.u32 s0, $0xA;
	s2 =	sadd.s32 s3, s2  }
0x8d: {  	s2 =	sadd.s32 s2, s16  }
0x8e: {  	[smem:$0x3FB8] =	sst s2  }
0x8f: {  	_ = 	snop  }
0x90: {  	(tm) =	ssettm $0x1  }
0x91: {  	s17 =	sld [smem:$0x3FFB];
	_ =	sdelay $0x3  }
0x92: {  	_ =	strace s17  }
0x93: {  	s2 =	sld [smem:$0x3FFC];
	_ =	sdelay $0x3  }
0x94: {  	_ =	strace s2  }
0x95: {  	s2 =	sld [smem:$0x3FFD];
	_ =	sdelay $0x3  }
0x96: {  	_ =	strace s2  }
0x97: {  	_ =	strace $0x8FFFFFFF  }
0x98: {  	s18 =	sld [smem:$0x3FDB];
	_ =	sdelay $0x1  }
0x99: {  	s19 =	simm.s32 $_scs_section_size  }
0x9a: {  	s4 =	simm.s32 $_size__tile_overlayer_lowered;
	s5 =	simm.s32 $_tile_overlayer_lowered  }
0x9b: {  	s22 =	simm.s32 $0x1BFF;
	s21 =	sshll.u32 s5, $0x1;
	s2 =	sadd.s32 s19, s18  }
0x9c: {  	s6 =	simm.s32 $0x0;
	s20 =	sshll.u32 s4, $0x1;
	s4 =	sadd.s32 s21, s2  }
0x9d: {  	[timem:s6], [sflag:s22] =	dma.local [hbm:s4], s20  }
0x9e: {  	_ =	swait.ge [sflag:s22], s20  }
0x9f: {  	s3 =	ssub.s32 $0x0, s20;
	[sflag:s22] =	ssyncset.done $0x0  }
0xa0: {  	[sflag:s22] =	ssyncadd.s32 s3;
	_ =	sdelay $0x1  }
0xa1: {  	s23 =	simm.s32 $0x1B8B  }
0xa2: {  	_ =	swait.ge [sflag:s23], $0x1  }
0xa3: {  	[sflag:s23] =	ssyncset.done $0x0  }
0xa4: {  	s25 =	simm.s32 $0x1B8E;
	s24 =	sld [smem:$0x3FFE];
	[sflag:s23] =	ssyncadd.s32 $0xFFFFFFFF  }
0xa5: {  	s26 =	simm.s32 $execute0_lowered;
	[smem:$0x3FD2] =	sst s25  }
0xa6: {  	s4 =	sshll.u32 s26, $0x1;
	_ =	strace $0x8000004C;
	[dreg:$0x1] =	wrdreg $0xFFFFFFFF  }
0xa7: {  	s28 =	simm.s32 $_size_execute0_lowered;
	s2 =	sadd.s32 s2, s4;
	[dreg:$0x0] =	wrdreg $0x0  }
0xa8: {  	s4 =	sshll.u32 s28, $0x1;
	[dreg:$0x2] =	wrdreg s2  }
0xa9: {  	[dreg:$0x3] =	wrdreg s4  }
0xaa: {  	[dreg:$0x4] =	wrdreg $0xC0  }
0xab: {  	_ =	task [dreg:s6], $0x5FFFF  }
0xac: {  	[dreg:$0x1] =	wrdreg $0xFFFFFFFF  }
0xad: {  	[dreg:$0x0] =	wrdreg $0x60  }
0xae: {  	[dreg:$0x2] =	wrdreg s24  }
0xaf: {  	[dreg:$0x3] =	wrdreg $0x145000  }
0xb0: {  	[dreg:$0x4] =	wrdreg $0x9  }
0xb1: {  	_ =	task.clear_ibuf [dreg:s6], $0x5FFFF;
	_ =	strace $0x9000004C  }
0xb2: {  	s29 =	simm.s32 $0x9;
	_ =	strace $0x8000004E  }
0xb3: {  	_ =	swait.ge [sflag:s29], $0x1  }
0xb4: {  	[sflag:s29] =	ssyncadd.s32 $0xFFFFFFFF  }
0xb5: {  	_ =	strace $0x9000004E  }
0xb6: {  	_ =	sfence  }
0xb7: {  	s30 =	sld [smem:$0x0];
	_ =	sdelay $0x2  }
0xb8: {  	s31 =	sshll.u32 s1, $0xD;
	s1 =	sshrl.u32 s1, $0x2  }
0xb9: {  	s3 =	sand.u32 $0x4000, s31;
	s1 =	sadd.s32 s1, s30  }
0xba: {  	s0 =	sor.u32 s3, s0;
	s1 =	sshll.u32 s1, $0x11  }
0xbb: {  	s0 =	sor.u32 s1, s0  }
0xbc: {  	s0 =	sadd.s32 $0x8F2B, s0  }
0xbd: {  	[sflag:s0] =	ssyncadd.remote.s32 $0x1  }
0xbe: {  	_ =	sfence.sel $0xFFFF  }
0xbf: {  	[dreg:$0x0] =	wrdreg $0xFFFFFFFF;
	(pc) =	sbr.abs _section_cstart, $3  }
0xc0: {  	[dreg:$0x1] =	wrdreg $0xFFFFFFFF  }
0xc1: {  	_ =	task.clear_ibuf [dreg:s6], $0x2FFFF;
	_ =	strace $0x9FFFFFFF  }
0xc2: {  	(tm) =	ssettm $0x7FFFFFFF  }
0xc3: {  	_ =	shalt  }
tec
execute0_lowered:
.L_overlay_start_1:
0x0: {  	(tag) =	ssettag $0x1  }
0x1: {  	s0 =	srdreg.scid  }
0x2: {  	s1 =	rddreg [dreg:$0x0];
	s8 =	stileid.u32  }
0x3: {  	s2 =	rddreg [dreg:$0x1];
	s3 =	simm.s32 $0x0;
	s14 =	simm.s32 $0xA500  }
0x4: {  	s15 =	simm.s32 $0xB;
	s16 =	simm.s32 $0x5280;
	s5 =	smul.u32 $0xA50, s8  }
0x5: {  	s17 =	simm.s32 $0x80;
	s18 =	simm.s32 $0xC500;
	s6 =	smul.u32 $0xA000, s8  }
0x6: {  	s28 =	simm.s32 $0x12500;
	s0 =	sand.u32 $0x1, s0;
	s8 =	smul.u32 $0x28000, s8  }
0x7: {  	s29 =	simm.s32 $0x3;
	s31 =	simm.s32 $0x6;
	s4 =	smul.u32 $0x13880, s0  }
0x8: {  	s30 =	simm.s32 $0xA;
	[smem:$0x7FF] =	sst s3;
	s7 =	smul.u32 $0xA0000, s0  }
0x9: {  	_ =	strace $0x8000004D;
	s0 =	ssub.s32 $0x2, s0;
	s5 =	sadd.s32 s5, s1  }
0xa: {  	s20 =	sshrl.u32 s8, $0x2;
	s21 =	sshrl.u32 s0, $0x1;
	s11 =	sadd.s32 s4, s1  }
0xb: {  	s19 =	sadd.s32 s6, s7;
	s8 =	sadd.s32 s20, s2;
	s0 =	ssub.s32 s0, s21  }
0xc: {  	s26 =	sadd.s32 $0x1DE00, s5;
	s10 =	sadd.s32 $0x13800, s5;
	s20 =	simm.s32 $0xE500  }
0xd: {  	s21 =	simm.s32 $0x1;
	s4 =	sshrl.u32 s19, $0x3;
	s22 =	sadd.s32 $0x2000, s8  }
0xe: {  	s23 =	sadd.s32 $0x4000, s8;
	s24 =	sadd.s32 $0x6000, s8;
	[dreg:$0x7] =	wrdreg s26  }
0xf: {  	s25 =	sadd.s32 $0x8000, s8;
	s11 =	sadd.s32 $0x28400, s11;
	[dreg:$0x3] =	wrdreg s22  }
.Ltmp0:
0x10: {  	s13 =	smax.u32 s0, $0x1;
	[dreg:$0x4] =	wrdreg s23;
	(pc) =	sbr.rel .LBB2_1-.Ltmp0, $4  }
0x11: {  	s0 =	simm.s32 $0x4;
	s26 =	simm.s32 $0x5;
	[dreg:$0x5] =	wrdreg s24  }
0x12: {  	s1 =	sadd.s32 s4, s1;
	s4 =	sadd.s32 s6, s2;
	[dreg:$0x6] =	wrdreg s25  }
0x13: {  	s23 =	simm.s32 $0x10500;
	s24 =	simm.s32 $0x2;
	s22 =	simm.s32 $0x7  }
0x14: {  	v0 =	vimm.f32 $0.0e+00;
	s25 =	simm.s32 $0x9;
	s12 =	sadd.s32 $0x4F600, s1;
	s1 =	simm.s32 $0x8  }
.LBB2_6:
0x15: {  	_ =	swait.ge [sflag:s25], $0x2000  }
0x16: {  	[sflag:s25] =	ssyncset.done $0x0  }
0x17: {  	[sflag:s25] =	ssyncadd.s32 $0xFFFFE000  }
0x18: {  	s5 =	stileid.u32;
	_ =	swait.ge [sflag:s30], $0x2000  }
0x19: {  	s6 =	sshrl.u32 s4, $0x3;
	s3 =	sadd.s32 $0x1, s3;
	[sflag:s30] =	ssyncset.done $0x0  }
0x1a: {  	s5 =	sshll.u32 s5, $0x6;
	p0 =	sne.s32 s3, s13;
	[sflag:s30] =	ssyncadd.s32 $0xFFFFE000  }
.Ltmp1:
0x1b: {  	s5 =	sor.u32 $0x1C0B, s5;
	[bflag:$0x0] =	sbarrier.arrive $0xFFFF;
	(pc) =	sbr.rel @!p0 .LBB2_7-.Ltmp1, $4  }
0x1c: {  	[hbm:s12], [sflag:s5] =	dma.local [spmem:s6], $0x1400  }
0x1d: {  	_ =	swait.ge [sflag:s15], $0x1400  }
0x1e: {  	[sflag:s15] =	ssyncset.done $0x0  }
0x1f: {  	[sflag:s15] =	ssyncadd.s32 $0xFFFFEC00  }
.LBB2_1:
0x20: {  	s19 =	simm.s32 $0x100;
	s5 =	simm.s32 $0x0  }
.LBB2_2:
0x21: {  	p0 =	sne.s32 s19, $0x7F00;
	[tilespmem:s5+$0xA530] =	vst v0;
	s6 =	smov.u32 s19;
	s19 =	sadd.s32 $0x100, s19  }
.Ltmp2:
0x22: {  	[tilespmem:s5+$0xA520] =	vst v0;
	(pc) =	sbr.rel @p0 .LBB2_2-.Ltmp2, $3  }
0x23: {  	[tilespmem:s5+$0xA500] =	vst v0  }
0x24: {  	[tilespmem:s5+$0xA510] =	vst v0;
	_ =	sdelay $0x1  }
0x25: {  	s5 =	sshra.s32 s6, $0x2  }
0x26: {  	[tilespmem:s5+$0xA530] =	vst v0  }
0x27: {  	[tilespmem:s5+$0xA520] =	vst v0  }
0x28: {  	[tilespmem:s5+$0xA500] =	vst v0  }
0x29: {  	[tilespmem:s5+$0xA510] =	vst v0  }
0x2a: {  	[spmem:s4] =	stream.linear.scatter [tilespmem:s14], [sflag:$0xB], $0x2000, $0x38;
	[tilespmem:$0x1E500] =	vst v63  }
0x2b: {  	_ =	swait.ge [sflag:s15], $0x2000  }
0x2c: {  	[sflag:s15] =	ssyncset.done $0x0  }
0x2d: {  	s8 =	rddreg [dreg:$0x3];
	[sflag:s15] =	ssyncadd.s32 $0xFFFFE000  }
0x2e: {  	[spmem:s8] =	stream.linear.scatter [tilespmem:s14], [sflag:$0xB], $0x2000, $0x38;
	[tilespmem:$0x1E500] =	vst v63  }
0x2f: {  	_ =	swait.ge [sflag:s15], $0x2000  }
0x30: {  	[sflag:s15] =	ssyncset.done $0x0  }
0x31: {  	s9 =	rddreg [dreg:$0x4];
	[sflag:s15] =	ssyncadd.s32 $0xFFFFE000  }
0x32: {  	[spmem:s9] =	stream.linear.scatter [tilespmem:s14], [sflag:$0xB], $0x2000, $0x38;
	[tilespmem:$0x1E500] =	vst v63  }
0x33: {  	_ =	swait.ge [sflag:s15], $0x2000  }
0x34: {  	[sflag:s15] =	ssyncset.done $0x0  }
0x35: {  	s19 =	rddreg [dreg:$0x5];
	[sflag:s15] =	ssyncadd.s32 $0xFFFFE000  }
0x36: {  	[spmem:s19] =	stream.linear.scatter [tilespmem:s14], [sflag:$0xB], $0x2000, $0x38;
	[tilespmem:$0x1E500] =	vst v63  }
0x37: {  	_ =	swait.ge [sflag:s15], $0x2000  }
0x38: {  	[sflag:s15] =	ssyncset.done $0x0  }
0x39: {  	s6 =	rddreg [dreg:$0x6];
	[sflag:s15] =	ssyncadd.s32 $0xFFFFE000  }
0x3a: {  	[spmem:s6] =	stream.linear.scatter [tilespmem:s14], [sflag:$0xB], $0x2000, $0x38;
	[tilespmem:$0x1E500] =	vst v63  }
0x3b: {  	_ =	swait.ge [sflag:s15], $0x2000  }
0x3c: {  	[sflag:s15] =	ssyncset.done $0x0  }
0x3d: {  	s19 =	simm.s32 $0x0;
	s7 =	rddreg [dreg:$0x7];
	[sflag:s15] =	ssyncadd.s32 $0xFFFFE000  }
0x3e: {  	[tilespmem:s19], [sflag:$0xB] =	stream.linear.gather [hbm4b:s7+s19], $0x5280, $0x38;
	[tilespmem:$0x1E500] =	vst v63  }
0x3f: {  	_ =	swait.ge [sflag:s15], $0x5280  }
0x40: {  	[sflag:s15] =	ssyncset.done $0x0  }
0x41: {  	[sflag:s15] =	ssyncadd.s32 $0xFFFFAD80  }
0x42: {  	[tilespmem:s16], [sflag:$0xB] =	stream.linear.gather [hbm4b:s10+s19], $0x5280, $0x38;
	[tilespmem:$0x1E500] =	vst v63  }
0x43: {  	_ =	swait.ge [sflag:s15], $0x5280  }
0x44: {  	[sflag:s15] =	ssyncset.done $0x0  }
0x45: {  	[sflag:s15] =	ssyncadd.s32 $0xFFFFAD80  }
0x46: {  	[bflag:$0x0] =	sbarrier.arrive $0xFFFF  }
0x47: {  	[tilespmem:s14], [sflag:$0x1] =	stream.indirect.gather [hbm4b:s11+s17], $0x40, s19, s17, $0xb8;
	[tilespmem:$0x1E500] =	vst v63  }
0x48: {  	_ = 	snop  }
0x49: {  	[tilespmem:s18], [sflag:$0x2] =	stream.indirect.gather [hbm4b:s11+s17], $0x40, s17, s17, $0xb8;
	[tilespmem:$0x1E500] =	vst v63  }
0x4a: {  	s8 =	simm.s32 $0x100  }
0x4b: {  	[tilespmem:s20], [sflag:$0x3] =	stream.indirect.gather [hbm4b:s11+s17], $0x40, s8, s17, $0xb8;
	[tilespmem:$0x1E500] =	vst v63  }
0x4c: {  	_ =	swait.ge [sflag:s21], $0x2000  }
0x4d: {  	[sflag:s21] =	ssyncset.done $0x0  }
0x4e: {  	[sflag:s21] =	ssyncadd.s32 $0xFFFFE000  }
0x4f: {  	[spmem:s2] =	stream.indirect.scatter.add.f32 [tilespmem:s14], [sflag:$0x6], $0x40, s16, s17, $0xb8;
	[tilespmem:$0x1E500] =	vst v63  }
0x50: {  	s9 =	simm.s32 $0x180  }
0x51: {  	[tilespmem:s23], [sflag:$0x4] =	stream.indirect.gather [hbm4b:s11+s17], $0x40, s9, s17, $0xb8;
	[tilespmem:$0x1E500] =	vst v63  }
0x52: {  	_ =	swait.ge [sflag:s24], $0x2000  }
0x53: {  	[sflag:s24] =	ssyncset.done $0x0  }
0x54: {  	s6 =	simm.s32 $0x5300;
	[sflag:s24] =	ssyncadd.s32 $0xFFFFE000  }
0x55: {  	[spmem:s2] =	stream.indirect.scatter.add.f32 [tilespmem:s18], [sflag:$0x7], $0x40, s6, s17, $0xb8;
	[tilespmem:$0x1E500] =	vst v63  }
0x56: {  	s7 =	simm.s32 $0x200  }
0x57: {  	[tilespmem:s28], [sflag:$0x5] =	stream.indirect.gather [hbm4b:s11+s17], $0x40, s7, s17, $0xb8;
	[tilespmem:$0x1E500] =	vst v63  }
0x58: {  	_ =	swait.ge [sflag:s29], $0x2000  }
0x59: {  	[sflag:s29] =	ssyncset.done $0x0  }
0x5a: {  	s8 =	simm.s32 $0x5380;
	[sflag:s29] =	ssyncadd.s32 $0xFFFFE000  }
0x5b: {  	[spmem:s2] =	stream.indirect.scatter.add.f32 [tilespmem:s20], [sflag:$0x8], $0x40, s8, s17, $0xb8;
	[tilespmem:$0x1E500] =	vst v63  }
0x5c: {  	_ =	swait.ge [sflag:s31], $0x2000  }
0x5d: {  	[sflag:s31] =	ssyncset.done $0x0  }
0x5e: {  	s9 =	simm.s32 $0x280;
	[sflag:s31] =	ssyncadd.s32 $0xFFFFE000  }
0x5f: {  	[tilespmem:s14], [sflag:$0x1] =	stream.indirect.gather [hbm4b:s11+s17], $0x40, s9, s17, $0xb8;
	[tilespmem:$0x1E500] =	vst v63  }
0x60: {  	_ =	swait.ge [sflag:s0], $0x2000  }
0x61: {  	[sflag:s0] =	ssyncset.done $0x0  }
0x62: {  	s6 =	simm.s32 $0x5400;
	[sflag:s0] =	ssyncadd.s32 $0xFFFFE000  }
0x63: {  	[spmem:s2] =	stream.indirect.scatter.add.f32 [tilespmem:s23], [sflag:$0x9], $0x40, s6, s17, $0xb8;
	[tilespmem:$0x1E500] =	vst v63  }
0x64: {  	_ =	swait.ge [sflag:s22], $0x2000  }
0x65: {  	[sflag:s22] =	ssyncset.done $0x0  }
0x66: {  	s7 =	simm.s32 $0x300;
	[sflag:s22] =	ssyncadd.s32 $0xFFFFE000  }
0x67: {  	[tilespmem:s18], [sflag:$0x2] =	stream.indirect.gather [hbm4b:s11+s17], $0x40, s7, s17, $0xb8;
	[tilespmem:$0x1E500] =	vst v63  }
0x68: {  	_ =	swait.ge [sflag:s26], $0x2000  }
0x69: {  	[sflag:s26] =	ssyncset.done $0x0  }
0x6a: {  	s8 =	simm.s32 $0x5480;
	[sflag:s26] =	ssyncadd.s32 $0xFFFFE000  }
0x6b: {  	[spmem:s2] =	stream.indirect.scatter.add.f32 [tilespmem:s28], [sflag:$0xA], $0x40, s8, s17, $0xb8;
	[tilespmem:$0x1E500] =	vst v63  }
0x6c: {  	_ =	swait.ge [sflag:s1], $0x2000  }
0x6d: {  	[sflag:s1] =	ssyncset.done $0x0  }
0x6e: {  	s9 =	simm.s32 $0x380;
	[sflag:s1] =	ssyncadd.s32 $0xFFFFE000  }
0x6f: {  	[tilespmem:s20], [sflag:$0x3] =	stream.indirect.gather [hbm4b:s11+s17], $0x40, s9, s17, $0xb8;
	[tilespmem:$0x1E500] =	vst v63  }
.LBB2_4:
0x70: {  	_ =	swait.ge [sflag:s21], $0x2000  }
0x71: {  	s5 =	sshra.s32 s19, $0x2;
	[sflag:s21] =	ssyncset.done $0x0  }
0x72: {  	s6 =	sadd.s32 $0x5500, s5;
	[sflag:s21] =	ssyncadd.s32 $0xFFFFE000  }
0x73: {  	[spmem:s2] =	stream.indirect.scatter.add.f32 [tilespmem:s14], [sflag:$0x6], $0x40, s6, s17, $0xb8;
	[tilespmem:$0x1E500] =	vst v63  }
0x74: {  	_ =	swait.ge [sflag:s25], $0x2000  }
0x75: {  	[sflag:s25] =	ssyncset.done $0x0  }
0x76: {  	s8 =	sadd.s32 $0x400, s5;
	[sflag:s25] =	ssyncadd.s32 $0xFFFFE000  }
0x77: {  	[tilespmem:s23], [sflag:$0x4] =	stream.indirect.gather [hbm4b:s11+s17], $0x40, s8, s17, $0xb8;
	[tilespmem:$0x1E500] =	vst v63  }
0x78: {  	_ =	swait.ge [sflag:s24], $0x2000  }
0x79: {  	[sflag:s24] =	ssyncset.done $0x0  }
0x7a: {  	s9 =	sadd.s32 $0x5580, s5;
	[sflag:s24] =	ssyncadd.s32 $0xFFFFE000  }
0x7b: {  	[spmem:s2] =	stream.indirect.scatter.add.f32 [tilespmem:s18], [sflag:$0x7], $0x40, s9, s17, $0xb8;
	[tilespmem:$0x1E500] =	vst v63  }
0x7c: {  	_ =	swait.ge [sflag:s30], $0x2000  }
0x7d: {  	[sflag:s30] =	ssyncset.done $0x0  }
0x7e: {  	s7 =	sadd.s32 $0x480, s5;
	[sflag:s30] =	ssyncadd.s32 $0xFFFFE000  }
0x7f: {  	[tilespmem:s28], [sflag:$0x5] =	stream.indirect.gather [hbm4b:s11+s17], $0x40, s7, s17, $0xb8;
	[tilespmem:$0x1E500] =	vst v63  }
0x80: {  	_ =	swait.ge [sflag:s29], $0x2000  }
0x81: {  	[sflag:s29] =	ssyncset.done $0x0  }
0x82: {  	s8 =	sadd.s32 $0x5600, s5;
	[sflag:s29] =	ssyncadd.s32 $0xFFFFE000  }
0x83: {  	[spmem:s2] =	stream.indirect.scatter.add.f32 [tilespmem:s20], [sflag:$0x8], $0x40, s8, s17, $0xb8;
	[tilespmem:$0x1E500] =	vst v63  }
0x84: {  	_ =	swait.ge [sflag:s31], $0x2000  }
0x85: {  	p0 =	seq.s32 s19, $0x13600;
	[sflag:s31] =	ssyncset.done $0x0  }
0x86: {  	s6 =	simm.s32 @p0 $0x4;
	[sflag:s31] =	ssyncadd.s32 $0xFFFFE000  }
0x87: {  	_ =	swait.ge @p0 [sflag:s6], $0x2000  }
0x88: {  	[sflag:s6] =	ssyncset.done @p0 $0x0  }
0x89: {  	[sflag:s6] =	ssyncadd.s32 @p0 $0xFFFFE000;
	s6 =	sshra.s32 @p0 s19, $0x2  }
0x8a: {  	s7 =	simm.s32 @p0 $0x80;
	s8 =	simm.s32 @p0 $0x10500;
	s6 =	sadd.s32 @p0 $0x5680, s6  }
0x8b: {  	[spmem:s2] =	stream.indirect.scatter.add.f32 @p0 [tilespmem:s8], [sflag:$0x9], $0x40, s6, s7, $0xb8;
	[tilespmem:$0x1E500] =	vst v63  }
0x8c: {  	s6 =	simm.s32 @p0 $0x7  }
0x8d: {  	_ =	swait.ge @p0 [sflag:s6], $0x2000  }
0x8e: {  	[sflag:s6] =	ssyncset.done @p0 $0x0  }
0x8f: {  	[sflag:s6] =	ssyncadd.s32 @p0 $0xFFFFE000;
	s6 =	sshra.s32 @!p0 s19, $0x2  }
0x90: {  	s9 =	simm.s32 @!p0 $0xA500;
	s8 =	simm.s32 @!p0 $0x80;
	s7 =	sadd.s32 @!p0 $0x500, s6  }
0x91: {  	[tilespmem:s9], [sflag:$0x1] =	stream.indirect.gather @!p0 [hbm4b:s11+s8], $0x40, s7, s8, $0xb8;
	[tilespmem:$0x1E500] =	vst v63  }
0x92: {  	s7 =	simm.s32 @!p0 $0x4  }
0x93: {  	_ =	swait.ge @!p0 [sflag:s7], $0x2000  }
0x94: {  	[sflag:s7] =	ssyncset.done @!p0 $0x0  }
0x95: {  	s9 =	simm.s32 @!p0 $0x10500;
	[sflag:s7] =	ssyncadd.s32 @!p0 $0xFFFFE000;
	s7 =	sadd.s32 @!p0 $0x5680, s6  }
0x96: {  	[spmem:s2] =	stream.indirect.scatter.add.f32 @!p0 [tilespmem:s9], [sflag:$0x9], $0x40, s7, s8, $0xb8;
	[tilespmem:$0x1E500] =	vst v63  }
0x97: {  	s7 =	simm.s32 @!p0 $0x7  }
0x98: {  	_ =	swait.ge @!p0 [sflag:s7], $0x2000  }
0x99: {  	[sflag:s7] =	ssyncset.done @!p0 $0x0  }
0x9a: {  	s6 =	sadd.s32 @!p0 $0x580, s6;
	[sflag:s7] =	ssyncadd.s32 @!p0 $0xFFFFE000;
	s7 =	simm.s32 @!p0 $0xC500  }
0x9b: {  	[tilespmem:s7], [sflag:$0x2] =	stream.indirect.gather @!p0 [hbm4b:s11+s8], $0x40, s6, s8, $0xb8;
	[tilespmem:$0x1E500] =	vst v63  }
0x9c: {  	_ =	swait.ge [sflag:s26], $0x2000  }
0x9d: {  	[sflag:s26] =	ssyncset.done $0x0  }
.Ltmp3:
0x9e: {  	s9 =	sadd.s32 $0x5700, s5;
	[sflag:s26] =	ssyncadd.s32 $0xFFFFE000;
	(pc) =	sbr.rel @p0 .LBB2_6-.Ltmp3, $4  }
0x9f: {  	[spmem:s2] =	stream.indirect.scatter.add.f32 [tilespmem:s28], [sflag:$0xA], $0x40, s9, s17, $0xb8;
	[tilespmem:$0x1E500] =	vst v63  }
0xa0: {  	_ =	swait.ge [sflag:s1], $0x2000  }
0xa1: {  	[sflag:s1] =	ssyncset.done $0x0  }
0xa2: {  	[sflag:s1] =	ssyncadd.s32 $0xFFFFE000  }
.Ltmp4:
0xa3: {  	(pc) =	sbr.rel .LBB2_4-.Ltmp4, $3  }
0xa4: {  	_ =	sdelay $0x1  }
0xa5: {  	s5 =	sadd.s32 $0x600, s5;
	s19 =	sadd.s32 $0xA00, s19  }
0xa6: {  	[tilespmem:s20], [sflag:$0x3] =	stream.indirect.gather [hbm4b:s11+s17], $0x40, s5, s17, $0xb8;
	[tilespmem:$0x1E500] =	vst v63  }
.LBB2_7:
0xa7: {  	_ =	sfence.sel $0x180000  }
0xa8: {  	[bflag:$0x0] =	sbarrier.arrive $0xFFFF  }
0xa9: {  	_ =	strace $0x9000004D  }
0xaa: {  	s0 =	stileid.u32;
	[bflag:$0x2] =	sbarrier.arrive $0xFFFF  }
0xab: {  	p0 =	sne.s32 s0, $0x0;
	s0 =	rddreg [dreg:$0x2]  }
0xac: {  	s0 =	sadd.s32 @!p0 $0x100000, s0  }
0xad: {  	[sflag:s0] =	ssyncadd.tile.s32 @!p0 $0x1;
	_ =	shalt  }
.Lfunc_end2:
_tile_overlayer_lowered:
.L_overlay_start_2:
0xae: {  	(tag) =	ssettag $0x2  }
0xaf: {  	s0 =	rddreg [dreg:$0x0];
	s2 =	stileid.u32  }
0xb0: {  	s1 =	rddreg [dreg:$0x1];
	p0 =	sne.s32 s2, $0x0  }
0xb1: {  	s3 =	rddreg [dreg:$0x2];
	[bflag:$0x3] =	sbarrier.arrive $0xFFFF;
	s2 =	simm.s32 @!p0 $0x1C0B  }
0xb2: {  	[timem:s3], [sflag:s2] =	dma.local @!p0 [hbm:s0], s1  }
0xb3: {  	s0 =	simm.s32 @!p0 $0xB  }
0xb4: {  	_ =	swait.ge @!p0 [sflag:s0], s1  }
0xb5: {  	s1 =	ssub.s32 @!p0 $0x0, s1;
	[sflag:s0] =	ssyncset.done @!p0 $0x0  }
0xb6: {  	[sflag:s0] =	ssyncadd.s32 @!p0 s1  }
0xb7: {  	[bflag:$0x3] =	sbarrier.arrive $0xFFFF  }
0xb8: {  	_ =	shalt  }

// kernel: kernel.8.cloned.1.call-start
scs
__scs_entry_jumppad:
0x0: {  	(pc) =	sbr.rel $0x88, $3  }
0x1: {  	(tag) =	ssettag $0x0;
	lr =	simm.s32 $0x1  }
0x2: {  	[smem:$0x3F91] =	sst lr;
	_ =	strace $0xD0000000  }
0x3: {  	_ = 	snop  }
0x4: {  	_ = 	snop  }
0x5: {  	_ = 	snop  }
0x6: {  	_ = 	snop  }
0x7: {  	_ = 	snop  }
__scs_overlays_trampoline_lowered:
0x8: {  	[smem:$0x3FA0] =	sst s0  }
0x9: {  	[smem:$0x3FA1] =	sst s1  }
0xa: {  	[smem:$0x3FA2] =	sst s2  }
0xb: {  	[smem:$0x3FA3] =	sst s3  }
0xc: {  	[smem:$0x3FA4] =	sst s4  }
0xd: {  	[smem:$0x3FA5] =	sst s5  }
0xe: {  	[smem:$0x3FA6] =	sst s6  }
0xf: {  	[smem:$0x3FA7] =	sst s7  }
0x10: {  	[smem:$0x3FA8] =	sst s8  }
0x11: {  	[smem:$0x3FA9] =	sst s9;
	s0 =	simm.s32 @!p0 $0x0  }
0x12: {  	s1 =	sld [smem:$0x3F8F];
	s0 =	simm.s32 @p0 $0x1  }
0x13: {  	[smem:$0x3FAA] =	sst s0;
	s0 =	simm.s32 @!p1 $0x0  }
0x14: {  	s2 =	sld [smem:$0x3F8E];
	s0 =	simm.s32 @p1 $0x1  }
0x15: {  	[smem:$0x3FAB] =	sst s0;
	s0 =	simm.s32 @!p2 $0x0  }
0x16: {  	s3 =	sld [smem:$0x3FDB];
	s0 =	simm.s32 @p2 $0x1  }
0x17: {  	s4 =	simm.s32 $0x1BF5;
	[smem:$0x3FAD] =	sst s0  }
0x18: {  	s0 =	sld [smem:$0x3F90];
	_ =	swait.ge [sflag:s4], $0x0  }
0x19: {  	s7 =	sld [smem:$0x3F91]  }
0x1a: {  	s8 =	sadd.s32 $0xFFFFE003, lr  }
0x1b: {  	s9 =	sadd.s32 $0xFFFFFEF7, lr;
	s5 =	simm.s32 $0xFFFFFFFF;
	p2 =	slt.u32 s8, $0xFFFFF086  }
0x1c: {  	p1 =	slt.u32 s9, $0xF7A;
	s5 =	simm.s32 @!p2 $0x0  }
0x1d: {  	s5 =	simm.s32 @p1 $0x1;
	p0 =	seq.s32 s7, s2  }
0x1e: {  	s7 =	smul.u32 @!p0 $0xF7A, s2;
	p2 =	seq.s32 @!p0 s5, $0x0  }
0x1f: {  	s9 =	smul.u32 $0xF7A, s1;
	s8 =	simm.s32 @!p0 $0x1BF5;
	p2 =	por !p2, p0  }
0x20: {  	[sflag:s8] =	ssyncset.s32 @!p0 $0xFFFFF086;
	s6 =	sadd.s32 @!p0 s3, s7;
	s7 =	simm.s32 @!p0 $0x108  }
0x21: {  	s3 =	sadd.s32 s3, s9;
	s6 =	sadd.s32 @!p0 $0x88, s6;
	s7 =	simm.s32 @p2 $0x1082  }
0x22: {  	[simem:s7], [sflag:s8] =	dma.local @!p0 [hbm:s6], $0xF7A  }
0x23: {  	s9 =	sor.u32 $0xD0000000, s2;
	s6 =	simm.s32 $0x108;
	_ =	swait.ge @!p0 [sflag:s8], $0x0  }
0x24: {  	s3 =	sadd.s32 $0x88, s3;
	s6 =	simm.s32 @!p1 $0x1082;
	[sflag:s4] =	ssyncset.s32 $0xFFFFF086  }
0x25: {  	[simem:s6], [sflag:s4] =	dma.local [hbm:s3], $0xF7A  }
0x26: {  	[smem:$0x3F91] =	sst s1;
	(tag) =	ssettag s2;
	_ =	strace s9  }
0x27: {  	s1 =	sld [smem:$0x3FA1]  }
0x28: {  	s2 =	sld [smem:$0x3FA2]  }
0x29: {  	s4 =	sld [smem:$0x3FA4]  }
0x2a: {  	p0 =	seq.s32 s5, $0x0;
	s5 =	sld [smem:$0x3FA5]  }
0x2b: {  	s6 =	sld [smem:$0x3FA6]  }
0x2c: {  	s7 =	sld [smem:$0x3FA7]  }
0x2d: {  	s3 =	simm.s32 $0x108;
	s8 =	sld [smem:$0x3FA8]  }
0x2e: {  	s3 =	simm.s32 @!p0 $0x1082;
	s9 =	sld [smem:$0x3FA9]  }
0x2f: {  	lr =	sadd.s32 s0, s3;
	s0 =	sld [smem:$0x3FA0]  }
0x30: {  	s3 =	sld [smem:$0x3FA3]  }
0x31: {  	[smem:$0x3FAC] =	sst s10  }
0x32: {  	s10 =	sld [smem:$0x3FAA];
	_ =	sdelay $0x3  }
0x33: {  	p0 =	seq.s32 s10, $0x1;
	s10 =	sld [smem:$0x3FAC];
	_ =	sdelay $0x3  }
0x34: {  	[smem:$0x3FAC] =	sst s10  }
0x35: {  	s10 =	sld [smem:$0x3FAB];
	_ =	sdelay $0x3  }
0x36: {  	p1 =	seq.s32 s10, $0x1;
	s10 =	sld [smem:$0x3FAC];
	_ =	sdelay $0x3  }
0x37: {  	[smem:$0x3FAC] =	sst s10  }
0x38: {  	s10 =	sld [smem:$0x3FAD]  }
0x39: {  	_ = 	snop;
	(pc) =	sbr.ind lr, $3  }
0x3a: {  	_ = 	snop  }
0x3b: {  	_ = 	snop  }
0x3c: {  	p2 =	seq.s32 s10, $0x1;
	s10 =	sld [smem:$0x3FAC]  }
0x3d: {  	_ =	shalt  }
0x3e: {  	_ =	shalt  }
0x3f: {  	_ =	shalt  }
0x40: {  	_ =	shalt  }
0x41: {  	_ =	shalt  }
0x42: {  	_ =	shalt  }
0x43: {  	_ =	shalt  }
0x44: {  	_ =	shalt  }
0x45: {  	_ =	shalt  }
0x46: {  	_ =	shalt  }
0x47: {  	_ =	shalt  }
0x48: {  	_ =	shalt  }
0x49: {  	_ =	shalt  }
0x4a: {  	_ =	shalt  }
0x4b: {  	_ =	shalt  }
0x4c: {  	_ =	shalt  }
0x4d: {  	_ =	shalt  }
0x4e: {  	_ =	shalt  }
0x4f: {  	_ =	shalt  }
0x50: {  	_ =	shalt  }
0x51: {  	_ =	shalt  }
0x52: {  	_ =	shalt  }
0x53: {  	_ =	shalt  }
0x54: {  	_ =	shalt  }
0x55: {  	_ =	shalt  }
0x56: {  	_ =	shalt  }
0x57: {  	_ =	shalt  }
0x58: {  	_ =	shalt  }
0x59: {  	_ =	shalt  }
0x5a: {  	_ =	shalt  }
0x5b: {  	_ =	shalt  }
0x5c: {  	_ =	shalt  }
0x5d: {  	_ =	shalt  }
0x5e: {  	_ =	shalt  }
0x5f: {  	_ =	shalt  }
0x60: {  	_ =	shalt  }
0x61: {  	_ =	shalt  }
0x62: {  	_ =	shalt  }
0x63: {  	_ =	shalt  }
0x64: {  	_ =	shalt  }
0x65: {  	_ =	shalt  }
0x66: {  	_ =	shalt  }
0x67: {  	_ =	shalt  }
0x68: {  	_ =	shalt  }
0x69: {  	_ =	shalt  }
0x6a: {  	_ =	shalt  }
0x6b: {  	_ =	shalt  }
0x6c: {  	_ =	shalt  }
0x6d: {  	_ =	shalt  }
0x6e: {  	_ =	shalt  }
0x6f: {  	_ =	shalt  }
0x70: {  	_ =	shalt  }
0x71: {  	_ =	shalt  }
0x72: {  	_ =	shalt  }
0x73: {  	_ =	shalt  }
0x74: {  	_ =	shalt  }
0x75: {  	_ =	shalt  }
0x76: {  	_ =	shalt  }
0x77: {  	_ =	shalt  }
0x78: {  	_ =	shalt  }
0x79: {  	_ =	shalt  }
0x7a: {  	_ =	shalt  }
0x7b: {  	_ =	shalt  }
0x7c: {  	_ =	shalt  }
0x7d: {  	_ =	shalt  }
0x7e: {  	_ =	shalt  }
0x7f: {  	_ =	shalt  }
0x80: {  	_ =	shalt  }
0x81: {  	_ =	shalt  }
0x82: {  	_ =	shalt  }
0x83: {  	_ =	shalt  }
0x84: {  	_ =	shalt  }
0x85: {  	_ =	shalt  }
0x86: {  	_ =	shalt  }
0x87: {  	_ =	shalt  }
.Lfunc_end0:
.L_simem_size_0:
called_computation_lowered:
.L_overlay_start_0:
0x88: {  	s2 =	sld [smem:$0x3FD9]  }
0x89: {  	s3 =	sld [smem:$0x3FFE];
	_ =	sdelay $0x1  }
0x8a: {  	s1 =	srdreg.scid  }
0x8b: {  	s0 =	sand.u32 $0x1, s1  }
0x8c: {  	s16 =	sshll.u32 s0, $0xA;
	s2 =	sadd.s32 s3, s2  }
0x8d: {  	s2 =	sadd.s32 s2, s16  }
0x8e: {  	[smem:$0x3FB8] =	sst s2  }
0x8f: {  	_ = 	snop  }
0x90: {  	(tm) =	ssettm $0x1  }
0x91: {  	s17 =	sld [smem:$0x3FFB];
	_ =	sdelay $0x3  }
0x92: {  	_ =	strace s17  }
0x93: {  	s2 =	sld [smem:$0x3FFC];
	_ =	sdelay $0x3  }
0x94: {  	_ =	strace s2  }
0x95: {  	s2 =	sld [smem:$0x3FFD];
	_ =	sdelay $0x3  }
0x96: {  	_ =	strace s2  }
0x97: {  	_ =	strace $0x8FFFFFFF  }
0x98: {  	s18 =	sld [smem:$0x3FDB];
	_ =	sdelay $0x1  }
0x99: {  	s19 =	simm.s32 $_scs_section_size  }
0x9a: {  	s4 =	simm.s32 $_size__tile_overlayer_lowered;
	s5 =	simm.s32 $_tile_overlayer_lowered  }
0x9b: {  	s22 =	simm.s32 $0x1BFF;
	s21 =	sshll.u32 s5, $0x1;
	s2 =	sadd.s32 s19, s18  }
0x9c: {  	s6 =	simm.s32 $0x0;
	s20 =	sshll.u32 s4, $0x1;
	s4 =	sadd.s32 s21, s2  }
0x9d: {  	[timem:s6], [sflag:s22] =	dma.local [hbm:s4], s20  }
0x9e: {  	_ =	swait.ge [sflag:s22], s20  }
0x9f: {  	s3 =	ssub.s32 $0x0, s20;
	[sflag:s22] =	ssyncset.done $0x0  }
0xa0: {  	[sflag:s22] =	ssyncadd.s32 s3;
	_ =	sdelay $0x1  }
0xa1: {  	s23 =	simm.s32 $0x1B8B  }
0xa2: {  	_ =	swait.ge [sflag:s23], $0x1  }
0xa3: {  	[sflag:s23] =	ssyncset.done $0x0  }
0xa4: {  	s25 =	simm.s32 $0x1B8E;
	s24 =	sld [smem:$0x3FFE];
	[sflag:s23] =	ssyncadd.s32 $0xFFFFFFFF  }
0xa5: {  	s26 =	simm.s32 $execute0_lowered;
	[smem:$0x3FD2] =	sst s25  }
0xa6: {  	s4 =	sshll.u32 s26, $0x1;
	_ =	strace $0x80000046;
	[dreg:$0x1] =	wrdreg $0xFFFFFFFF  }
0xa7: {  	s28 =	simm.s32 $_size_execute0_lowered;
	s2 =	sadd.s32 s2, s4;
	[dreg:$0x0] =	wrdreg $0x0  }
0xa8: {  	s4 =	sshll.u32 s28, $0x1;
	[dreg:$0x2] =	wrdreg s2  }
0xa9: {  	[dreg:$0x3] =	wrdreg s4  }
0xaa: {  	[dreg:$0x4] =	wrdreg $0xC0  }
0xab: {  	_ =	task [dreg:s6], $0x5FFFF  }
0xac: {  	[dreg:$0x1] =	wrdreg $0xFFFFFFFF  }
0xad: {  	[dreg:$0x0] =	wrdreg $0x60  }
0xae: {  	[dreg:$0x2] =	wrdreg s24  }
0xaf: {  	[dreg:$0x3] =	wrdreg $0x43000  }
0xb0: {  	[dreg:$0x4] =	wrdreg $0x9  }
0xb1: {  	_ =	task.clear_ibuf [dreg:s6], $0x5FFFF;
	_ =	strace $0x90000046  }
0xb2: {  	s29 =	simm.s32 $0x9;
	_ =	strace $0x80000048  }
0xb3: {  	_ =	swait.ge [sflag:s29], $0x1  }
0xb4: {  	[sflag:s29] =	ssyncadd.s32 $0xFFFFFFFF  }
0xb5: {  	_ =	strace $0x90000048  }
0xb6: {  	_ =	sfence  }
0xb7: {  	s30 =	sld [smem:$0x0];
	_ =	sdelay $0x2  }
0xb8: {  	s31 =	sshll.u32 s1, $0xD;
	s1 =	sshrl.u32 s1, $0x2  }
0xb9: {  	s3 =	sand.u32 $0x4000, s31;
	s1 =	sadd.s32 s1, s30  }
0xba: {  	s0 =	sor.u32 s3, s0;
	s1 =	sshll.u32 s1, $0x11  }
0xbb: {  	s0 =	sor.u32 s1, s0  }
0xbc: {  	s0 =	sadd.s32 $0x8F2B, s0  }
0xbd: {  	[sflag:s0] =	ssyncadd.remote.s32 $0x1  }
0xbe: {  	_ =	sfence.sel $0xFFFF  }
0xbf: {  	[dreg:$0x0] =	wrdreg $0xFFFFFFFF;
	(pc) =	sbr.abs _section_cstart, $3  }
0xc0: {  	[dreg:$0x1] =	wrdreg $0xFFFFFFFF  }
0xc1: {  	_ =	task.clear_ibuf [dreg:s6], $0x2FFFF;
	_ =	strace $0x9FFFFFFF  }
0xc2: {  	(tm) =	ssettm $0x7FFFFFFF  }
0xc3: {  	_ =	shalt  }
tec
execute0_lowered:
.L_overlay_start_1:
0x0: {  	(tag) =	ssettag $0x1  }
0x1: {  	s4 =	rddreg [dreg:$0x0]  }
0x2: {  	s2 =	rddreg [dreg:$0x1]  }
0x3: {  	s0 =	rddreg [dreg:$0x2]  }
0x4: {  	s1 =	stileid.u32;
	s5 =	srdreg.scid;
	s3 =	simm.s32 $0x0  }
0x5: {  	s11 =	simm.s32 $0x4000;
	s12 =	simm.s32 $0x80;
	s13 =	simm.s32 $0x100  }
0x6: {  	s14 =	simm.s32 $0x180;
	s15 =	simm.s32 $0x200;
	s16 =	simm.s32 $0x1  }
0x7: {  	s17 =	simm.s32 $0x2;
	s18 =	simm.s32 $0x3;
	s19 =	simm.s32 $0x4  }
0x8: {  	s20 =	simm.s32 $0x5;
	s23 =	simm.s32 $0x0;
	s5 =	sand.u32 $0x1, s5  }
0x9: {  	s6 =	smul.u32 $0x280, s1;
	[smem:$0x7FF] =	sst s3;
	s8 =	sshll.u32 s1, $0xB  }
0xa: {  	s21 =	sshll.u32 s1, $0x6;
	s7 =	smul.u32 $0x2800, s5;
	_ =	strace $0x80000047  }
0xb: {  	s8 =	sadd.s32 s8, s4;
	s9 =	ssub.s32 $0x2, s5;
	s5 =	sshll.u32 s5, $0xF  }
0xc: {  	s21 =	sor.u32 $0x1C06, s21;
	s10 =	sshrl.u32 s9, $0x1;
	s7 =	sadd.s32 s6, s7  }
0xd: {  	s5 =	sadd.s32 s5, s8;
	s8 =	simm.s32 $0x4080;
	s7 =	sshrl.u32 s7, $0x3  }
0xe: {  	s9 =	ssub.s32 s9, s10;
	s5 =	sadd.s32 $0x2E00, s5;
	s7 =	sadd.s32 s7, s4  }
0xf: {  	s10 =	simm.s32 $0x50;
	s4 =	sadd.s32 s6, s2;
	s6 =	sadd.s32 $0x12E00, s7  }
0x10: {  	v0 =	vimm.f32 $0.0e+00;
	v1 =	vimm.f32 $1.000000000e+00;
	s7 =	smax.u32 s9, $0x1;
	s9 =	simm.s32 $0x6;
	s22 =	sshrl.u32 s4, $0x3  }
.LBB2_1:
0x11: {  	[tilespmem:$0x4080] =	vst v0  }
0x12: {  	[tilespmem:$0x4090] =	vst v0  }
0x13: {  	[tilespmem:$0x40A0] =	vst v0  }
0x14: {  	[tilespmem:$0x40B0] =	vst v0  }
0x15: {  	[tilespmem:$0x40C0] =	vst v0  }
0x16: {  	[tilespmem:$0x40D0] =	vst v0  }
0x17: {  	[tilespmem:$0x40E0] =	vst v0  }
0x18: {  	[tilespmem:$0x40F0] =	vst v0  }
0x19: {  	[tilespmem:$0x4100] =	vst v0  }
0x1a: {  	[tilespmem:$0x4110] =	vst v0  }
0x1b: {  	[tilespmem:$0x4120] =	vst v0  }
0x1c: {  	[tilespmem:$0x4130] =	vst v0  }
0x1d: {  	[tilespmem:$0x4140] =	vst v0  }
0x1e: {  	[tilespmem:$0x4150] =	vst v0  }
0x1f: {  	[tilespmem:$0x4160] =	vst v0  }
0x20: {  	[tilespmem:$0x4170] =	vst v0  }
0x21: {  	[tilespmem:$0x4180] =	vst v0  }
0x22: {  	[tilespmem:$0x4190] =	vst v0  }
0x23: {  	[tilespmem:$0x41A0] =	vst v0  }
0x24: {  	[tilespmem:$0x41B0] =	vst v0  }
0x25: {  	[tilespmem:$0x41C0] =	vst v0  }
0x26: {  	[tilespmem:$0x41D0] =	vst v0  }
0x27: {  	[tilespmem:$0x41E0] =	vst v0  }
0x28: {  	[tilespmem:$0x41F0] =	vst v0  }
0x29: {  	[tilespmem:$0x4200] =	vst v0  }
0x2a: {  	[tilespmem:$0x4210] =	vst v0  }
0x2b: {  	[tilespmem:$0x4220] =	vst v0  }
0x2c: {  	[tilespmem:$0x4230] =	vst v0  }
0x2d: {  	[tilespmem:$0x4240] =	vst v0  }
0x2e: {  	[tilespmem:$0x4250] =	vst v0  }
0x2f: {  	[tilespmem:$0x4260] =	vst v0  }
0x30: {  	[tilespmem:$0x4270] =	vst v0  }
0x31: {  	[tilespmem:$0x4280] =	vst v0  }
0x32: {  	[tilespmem:$0x4290] =	vst v0  }
0x33: {  	[tilespmem:$0x42A0] =	vst v0  }
0x34: {  	[tilespmem:$0x42B0] =	vst v0  }
0x35: {  	[tilespmem:$0x42C0] =	vst v0  }
0x36: {  	[tilespmem:$0x42D0] =	vst v0  }
0x37: {  	[tilespmem:$0x42E0] =	vst v0  }
0x38: {  	[tilespmem:$0x42F0] =	vst v0  }
0x39: {  	[tilespmem:$0x4000] =	vst v1  }
0x3a: {  	[tilespmem:$0x4010] =	vst v1  }
0x3b: {  	[tilespmem:$0x4020] =	vst v1  }
0x3c: {  	[tilespmem:$0x4030] =	vst v1  }
0x3d: {  	[tilespmem:$0x4040] =	vst v1  }
0x3e: {  	[spmem:s4] =	stream.linear.scatter [tilespmem:s8], [sflag:$0x6], $0x280, $0x38;
	[tilespmem:$0x4580] =	vst v63  }
0x3f: {  	_ =	swait.ge [sflag:s9], $0x280  }
0x40: {  	[sflag:s9] =	ssyncset.done $0x0  }
0x41: {  	[sflag:s9] =	ssyncadd.s32 $0xFFFFFD80  }
0x42: {  	[tilespmem:s3], [sflag:$0x6] =	stream.linear.gather [hbm4b:s5+s3], $0x3E80, $0x38;
	[tilespmem:$0x4580] =	vst v63  }
0x43: {  	_ =	swait.ge [sflag:s9], $0x3E80  }
0x44: {  	[sflag:s9] =	ssyncset.done $0x0  }
0x45: {  	[sflag:s9] =	ssyncadd.s32 $0xFFFFC180  }
0x46: {  	[bflag:$0x0] =	sbarrier.arrive $0xFFFF  }
0x47: {  	[spmem:s2] =	stream.indirect.scatter.add.f32 [tilespmem:s11], [sflag:$0x1], $0x1, s3, s10, $0xb8;
	[tilespmem:$0x4580] =	vst v63  }
0x48: {  	_ = 	snop  }
0x49: {  	[spmem:s2] =	stream.indirect.scatter.add.f32 [tilespmem:s11], [sflag:$0x2], $0x1, s12, s10, $0xb8;
	[tilespmem:$0x4580] =	vst v63  }
0x4a: {  	_ = 	snop  }
0x4b: {  	[spmem:s2] =	stream.indirect.scatter.add.f32 [tilespmem:s11], [sflag:$0x3], $0x1, s13, s10, $0xb8;
	[tilespmem:$0x4580] =	vst v63  }
0x4c: {  	_ = 	snop  }
0x4d: {  	[spmem:s2] =	stream.indirect.scatter.add.f32 [tilespmem:s11], [sflag:$0x4], $0x1, s14, s10, $0xb8;
	[tilespmem:$0x4580] =	vst v63  }
0x4e: {  	_ = 	snop  }
0x4f: {  	[spmem:s2] =	stream.indirect.scatter.add.f32 [tilespmem:s11], [sflag:$0x5], $0x1, s15, s10, $0xb8;
	[tilespmem:$0x4580] =	vst v63  }
0x50: {  	_ =	swait.ge [sflag:s16], $0x50  }
0x51: {  	[sflag:s16] =	ssyncset.done $0x0  }
0x52: {  	s24 =	simm.s32 $0x280;
	[sflag:s16] =	ssyncadd.s32 $0xFFFFFFB0  }
0x53: {  	[spmem:s2] =	stream.indirect.scatter.add.f32 [tilespmem:s11], [sflag:$0x1], $0x1, s24, s10, $0xb8;
	[tilespmem:$0x4580] =	vst v63  }
0x54: {  	_ =	swait.ge [sflag:s17], $0x50  }
0x55: {  	[sflag:s17] =	ssyncset.done $0x0  }
0x56: {  	s29 =	simm.s32 $0x300;
	[sflag:s17] =	ssyncadd.s32 $0xFFFFFFB0  }
0x57: {  	[spmem:s2] =	stream.indirect.scatter.add.f32 [tilespmem:s11], [sflag:$0x2], $0x1, s29, s10, $0xb8;
	[tilespmem:$0x4580] =	vst v63  }
0x58: {  	_ =	swait.ge [sflag:s18], $0x50  }
0x59: {  	[sflag:s18] =	ssyncset.done $0x0  }
0x5a: {  	s30 =	simm.s32 $0x380;
	[sflag:s18] =	ssyncadd.s32 $0xFFFFFFB0  }
0x5b: {  	[spmem:s2] =	stream.indirect.scatter.add.f32 [tilespmem:s11], [sflag:$0x3], $0x1, s30, s10, $0xb8;
	[tilespmem:$0x4580] =	vst v63  }
0x5c: {  	_ =	swait.ge [sflag:s19], $0x50  }
0x5d: {  	[sflag:s19] =	ssyncset.done $0x0  }
0x5e: {  	s31 =	simm.s32 $0x400;
	[sflag:s19] =	ssyncadd.s32 $0xFFFFFFB0  }
0x5f: {  	[spmem:s2] =	stream.indirect.scatter.add.f32 [tilespmem:s11], [sflag:$0x4], $0x1, s31, s10, $0xb8;
	[tilespmem:$0x4580] =	vst v63  }
0x60: {  	_ =	swait.ge [sflag:s20], $0x50  }
0x61: {  	[sflag:s20] =	ssyncset.done $0x0  }
0x62: {  	s25 =	simm.s32 $0x480;
	s24 =	simm.s32 $0xFFFF1A00;
	[sflag:s20] =	ssyncadd.s32 $0xFFFFFFB0  }
.LBB2_2:
0x63: {  	[spmem:s2] =	stream.indirect.scatter.add.f32 [tilespmem:s11], [sflag:$0x5], $0x1, s25, s10, $0xb8;
	[tilespmem:$0x4580] =	vst v63  }
0x64: {  	s25 =	smov.u32 s24  }
0x65: {  	p0 =	sne.s32 s24, $0xFFFFF600;
	s24 =	sadd.s32 $0xA00, s24;
	_ =	swait.ge [sflag:s16], $0x50  }
0x66: {  	s25 =	sshra.s32 s25, $0x2;
	[sflag:s16] =	ssyncset.done $0x0  }
0x67: {  	s26 =	sadd.s32 $0x3E80, s25;
	[sflag:s16] =	ssyncadd.s32 $0xFFFFFFB0  }
0x68: {  	[spmem:s2] =	stream.indirect.scatter.add.f32 [tilespmem:s11], [sflag:$0x1], $0x1, s26, s10, $0xb8;
	[tilespmem:$0x4580] =	vst v63  }
0x69: {  	_ =	swait.ge [sflag:s17], $0x50  }
0x6a: {  	[sflag:s17] =	ssyncset.done $0x0  }
0x6b: {  	s26 =	sadd.s32 $0x3F00, s25;
	[sflag:s17] =	ssyncadd.s32 $0xFFFFFFB0  }
0x6c: {  	[spmem:s2] =	stream.indirect.scatter.add.f32 [tilespmem:s11], [sflag:$0x2], $0x1, s26, s10, $0xb8;
	[tilespmem:$0x4580] =	vst v63  }
0x6d: {  	_ =	swait.ge [sflag:s18], $0x50  }
0x6e: {  	[sflag:s18] =	ssyncset.done $0x0  }
0x6f: {  	s26 =	sadd.s32 $0x3F80, s25;
	[sflag:s18] =	ssyncadd.s32 $0xFFFFFFB0  }
0x70: {  	[spmem:s2] =	stream.indirect.scatter.add.f32 [tilespmem:s11], [sflag:$0x3], $0x1, s26, s10, $0xb8;
	[tilespmem:$0x4580] =	vst v63  }
0x71: {  	_ =	swait.ge [sflag:s19], $0x50  }
0x72: {  	[sflag:s19] =	ssyncset.done $0x0  }
.Ltmp0:
0x73: {  	s26 =	sadd.s32 $0x4000, s25;
	[sflag:s19] =	ssyncadd.s32 $0xFFFFFFB0;
	(pc) =	sbr.rel @p0 .LBB2_2-.Ltmp0, $4  }
0x74: {  	[spmem:s2] =	stream.indirect.scatter.add.f32 [tilespmem:s11], [sflag:$0x4], $0x1, s26, s10, $0xb8;
	[tilespmem:$0x4580] =	vst v63  }
0x75: {  	_ =	swait.ge [sflag:s20], $0x50  }
0x76: {  	[sflag:s20] =	ssyncset.done $0x0  }
0x77: {  	s25 =	sadd.s32 $0x4080, s25;
	[sflag:s20] =	ssyncadd.s32 $0xFFFFFFB0  }
0x78: {  	[spmem:s2] =	stream.indirect.scatter.add.f32 [tilespmem:s11], [sflag:$0x5], $0x1, s25, s10, $0xb8;
	[tilespmem:$0x4580] =	vst v63  }
0x79: {  	_ =	swait.ge [sflag:s16], $0x50  }
0x7a: {  	[sflag:s16] =	ssyncset.done $0x0  }
0x7b: {  	[sflag:s16] =	ssyncadd.s32 $0xFFFFFFB0  }
0x7c: {  	_ =	swait.ge [sflag:s17], $0x50  }
0x7d: {  	[sflag:s17] =	ssyncset.done $0x0  }
0x7e: {  	[sflag:s17] =	ssyncadd.s32 $0xFFFFFFB0  }
0x7f: {  	_ =	swait.ge [sflag:s18], $0x50  }
0x80: {  	[sflag:s18] =	ssyncset.done $0x0  }
0x81: {  	[sflag:s18] =	ssyncadd.s32 $0xFFFFFFB0  }
0x82: {  	_ =	swait.ge [sflag:s19], $0x50  }
0x83: {  	[sflag:s19] =	ssyncset.done $0x0  }
0x84: {  	[sflag:s19] =	ssyncadd.s32 $0xFFFFFFB0  }
0x85: {  	_ =	swait.ge [sflag:s20], $0x50  }
0x86: {  	s23 =	sadd.s32 $0x1, s23;
	[sflag:s20] =	ssyncset.done $0x0  }
0x87: {  	p0 =	sne.s32 s23, s7;
	[sflag:s20] =	ssyncadd.s32 $0xFFFFFFB0  }
.Ltmp1:
0x88: {  	[bflag:$0x0] =	sbarrier.arrive $0xFFFF;
	(pc) =	sbr.rel @p0 .LBB2_1-.Ltmp1, $4  }
0x89: {  	[hbm:s6], [sflag:s21] =	dma.local [spmem:s22], $0x50  }
0x8a: {  	_ =	swait.ge [sflag:s9], $0x50  }
0x8b: {  	[sflag:s9] =	ssyncset.done $0x0  }
0x8c: {  	[sflag:s9] =	ssyncadd.s32 $0xFFFFFFB0  }
0x8d: {  	_ =	sfence.sel $0x180000  }
0x8e: {  	[bflag:$0x0] =	sbarrier.arrive $0xFFFF  }
0x8f: {  	p0 =	sne.s32 s1, $0x0;
	_ =	strace $0x90000047  }
0x90: {  	s0 =	sadd.s32 @!p0 $0x100000, s0;
	[bflag:$0x2] =	sbarrier.arrive $0xFFFF  }
0x91: {  	[sflag:s0] =	ssyncadd.tile.s32 @!p0 $0x1;
	_ =	shalt  }
.Lfunc_end2:
_tile_overlayer_lowered:
.L_overlay_start_2:
0x92: {  	(tag) =	ssettag $0x2  }
0x93: {  	s0 =	rddreg [dreg:$0x0];
	s2 =	stileid.u32  }
0x94: {  	s1 =	rddreg [dreg:$0x1];
	p0 =	sne.s32 s2, $0x0  }
0x95: {  	s3 =	rddreg [dreg:$0x2];
	[bflag:$0x3] =	sbarrier.arrive $0xFFFF;
	s2 =	simm.s32 @!p0 $0x1C06  }
0x96: {  	[timem:s3], [sflag:s2] =	dma.local @!p0 [hbm:s0], s1  }
0x97: {  	s0 =	simm.s32 @!p0 $0x6  }
0x98: {  	_ =	swait.ge @!p0 [sflag:s0], s1  }
0x99: {  	s1 =	ssub.s32 @!p0 $0x0, s1;
	[sflag:s0] =	ssyncset.done @!p0 $0x0  }
0x9a: {  	[sflag:s0] =	ssyncadd.s32 @!p0 s1  }
0x9b: {  	[bflag:$0x3] =	sbarrier.arrive $0xFFFF  }
0x9c: {  	_ =	shalt  }

</sc_bundles>
